<compile_context>
chip_gen: v7x
topology: tpu7x:2x2x1
jax: 0.10.2.dev20260603
libtpu: 0.0.44.dev20260713+nightly
codegen_flags: <defaults>
</compile_context>

<pallas_src>
import functools

import jax
import jax.numpy as jnp
from jax import lax
from jax.experimental import pallas as pl
from jax.experimental.pallas import tpu as pltpu
from jax.experimental.pallas import tpu_sc as plsc

NSP = 8192
NP = 65536
D = 512
NC = 2
NS = 16
NW = NC * NS
PPW = NP // NW
CHUNK = 32
NCH2 = PPW // (2 * CHUNK)
CH3 = 512
BLK2 = 512
F32 = jnp.float32
BF16 = jnp.bfloat16
I32 = jnp.int32

_mesh = plsc.VectorSubcoreMesh(core_axis_name="c", subcore_axis_name="s",
                               num_cores=NC, num_subcores=NS)


DW = D // 2


U32 = jnp.uint32


def _pack2(x):
    xb = x.astype(BF16).astype(F32)
    u = lax.bitcast_convert_type(xb, U32)
    lo = u[:, :DW] >> 16
    hi = u[:, DW:] & U32(0xFFFF0000)
    return lax.bitcast_convert_type(lo | hi, I32)


def _precompute_body(s_ref, w1m_ref, w1a_ref, d_ref, k_ref, w1phi_ref,
                     b1_ref, t1_ref, t2_ref, phi_ref):
    s = s_ref[...]
    sp = _pack2(s)
    t1_ref[:, :DW] = sp
    t1_ref[:, DW:] = _pack2(jnp.dot(
        s, w1m_ref[...], preferred_element_type=F32))
    t2_ref[:, :DW] = sp
    t2_ref[:, DW:] = _pack2(jnp.dot(
        s, w1a_ref[...], preferred_element_type=F32))

    @pl.when(pl.program_id(0) == 0)
    def _():
        c = lax.broadcasted_iota(I32, (32, 1), 0)
        d_idx = c // 3
        s_idx = c - d_idx * 3
        oh_d = (d_idx == lax.broadcasted_iota(I32, (32, 10), 1)).astype(F32)
        oh_s = (s_idx == lax.broadcasted_iota(I32, (32, 3), 1)).astype(F32)
        emb = jnp.concatenate(
            [jnp.dot(oh_d, d_ref[...], preferred_element_type=F32),
             jnp.dot(oh_s, k_ref[...], preferred_element_type=F32)], axis=1)
        phi_ref[...] = (
            jnp.dot(emb, w1phi_ref[...], preferred_element_type=F32)
            + b1_ref[...][None, :])


def _precompute(states, w1m, w1a, dist_table, speaker_table, w1phi, b1):
    blk = 1024
    return pl.pallas_call(
        _precompute_body,
        grid=(NSP // blk,),
        in_specs=[
            pl.BlockSpec((blk, D), lambda i: (i, 0)),
            pl.BlockSpec((D, D), lambda i: (0, 0)),
            pl.BlockSpec((D, D), lambda i: (0, 0)),
            pl.BlockSpec((10, 20), lambda i: (0, 0)),
            pl.BlockSpec((3, 20), lambda i: (0, 0)),
            pl.BlockSpec((40, D), lambda i: (0, 0)),
            pl.BlockSpec((D,), lambda i: (0,)),
        ],
        out_specs=[
            pl.BlockSpec((blk, D), lambda i: (i, 0)),
            pl.BlockSpec((blk, D), lambda i: (i, 0)),
            pl.BlockSpec((32, D), lambda i: (0, 0)),
        ],
        out_shape=[
            jax.ShapeDtypeStruct((NSP, D), I32),
            jax.ShapeDtypeStruct((NSP, D), I32),
            jax.ShapeDtypeStruct((32, D), F32),
        ],
        interpret=False,
    )(states, w1m, w1a, dist_table, speaker_table, w1phi, b1)


def _gather_body(ppw, t1_hbm, t2_hbm, scores_hbm, mid_hbm, aid_hbm,
                 pg_hbm, ssum_hbm,
                 mid_v, aid_v, scores_v, ssum_v,
                 bm0, ba0, bm1, ba1,
                 gsem0, gsem1, osem):
    wid = lax.axis_index("s") * NC + lax.axis_index("c")
    base = wid * ppw
    nch2 = ppw // (2 * CHUNK)
    pltpu.sync_copy(scores_hbm, scores_v)
    pltpu.sync_copy(mid_hbm.at[pl.ds(base, ppw)], mid_v)
    pltpu.sync_copy(aid_hbm.at[pl.ds(base, ppw)], aid_v)

    def sgrp(gi, carry):
        sl = pl.ds(gi * 16, 16)
        ssum_v[sl] = (plsc.load_gather(scores_v, [mid_v[sl]])
                      + plsc.load_gather(scores_v, [aid_v[sl]]))
        return carry

    lax.fori_loop(0, ppw // 16, sgrp, 0)
    pltpu.sync_copy(ssum_v, ssum_hbm.at[pl.ds(base, ppw)])

    def issue(ci, bm, ba, sem):
        ds = []
        for u in range(CHUNK // 16):
            lsl = pl.ds(ci * CHUNK + u * 16, 16)
            osl = pl.ds(u * 16, 16)
            ds.append(pltpu.async_copy(t1_hbm.at[mid_v[lsl]],
                                       bm.at[osl], sem))
            ds.append(pltpu.async_copy(t2_hbm.at[aid_v[lsl]],
                                       ba.at[osl], sem))
        return ds

    def drain_g(sem, n):
        for _ in range(n):
            pltpu.make_async_copy(t1_hbm.at[pl.ds(0, 16)],
                                  bm0.at[pl.ds(0, 16)], sem).wait()

    def drain_o(n):
        for _ in range(n):
            pltpu.make_async_copy(t1_hbm.at[pl.ds(0, CHUNK)], bm0,
                                  osem).wait()

    def vpass(bm, ba):
        def pair(j, carry):
            for k in range(DW // 16):
                sl = pl.ds(k * 16, 16)
                sl2 = pl.ds(DW + k * 16, 16)
                m32 = plsc.bitcast(bm[j, sl], BF16)
                a32 = plsc.bitcast(ba[j, sl], BF16)
                bm[j, sl] = plsc.bitcast(m32 * a32, I32)
                g32 = (plsc.bitcast(bm[j, sl2], BF16)
                       + plsc.bitcast(ba[j, sl2], BF16))
                bm[j, sl2] = plsc.bitcast(g32, I32)
            return carry

        lax.fori_loop(0, CHUNK, pair, 0)

    issue(0, bm0, ba0, gsem0)

    def dchunk(t, carry):
        c0 = 2 * t
        off0 = base + c0 * CHUNK
        off1 = off0 + CHUNK
        drain_g(gsem0, CHUNK // 8)

        @pl.when(t > 0)
        def _():
            drain_o(1)

        d1 = issue(c0 + 1, bm1, ba1, gsem1)
        vpass(bm0, ba0)
        o1 = pltpu.async_copy(bm0, pg_hbm.at[pl.ds(off0, CHUNK)], osem)
        o1.wait()

        @pl.when(t < nch2 - 1)
        def _():
            issue(c0 + 2, bm0, ba0, gsem0)

        for d in d1:
            d.wait()
        vpass(bm1, ba1)
        pltpu.async_copy(bm1, pg_hbm.at[pl.ds(off1, CHUNK)], osem)
        return carry

    lax.fori_loop(0, nch2, dchunk, 0)
    drain_o(1)


def _gather(t1, t2, scores_flat, mid, aid):
    npairs = mid.shape[0]
    ppw = npairs // NW
    buf = lambda: pltpu.VMEM((CHUNK, D), I32)
    fn = pl.kernel(
        functools.partial(_gather_body, ppw),
        out_type=(
            jax.ShapeDtypeStruct((npairs, D), I32),
            jax.ShapeDtypeStruct((npairs,), F32),
        ),
        mesh=_mesh,
        compiler_params=pltpu.CompilerParams(needs_layout_passes=False),
        scratch_types=[
            pltpu.VMEM((ppw,), I32),
            pltpu.VMEM((ppw,), I32),
            pltpu.VMEM((NSP,), F32),
            pltpu.VMEM((ppw,), F32),
            buf(), buf(), buf(), buf(),
            pltpu.SemaphoreType.DMA,
            pltpu.SemaphoreType.DMA,
            pltpu.SemaphoreType.DMA,
        ],
    )
    return fn(t1, t2, scores_flat, mid, aid)


def _mlp_body(pg_ref, w1p_ref, phi_ref, w2_ref, ssum_ref, cmb_ref,
              b2_ref, coref_ref, expl_ref):
    ohT = (lax.broadcasted_iota(I32, (32, BLK2), 0)
           == cmb_ref[0, :, :]).astype(F32)
    pt = lax.dot_general(ohT, phi_ref[...],
                         dimension_numbers=(((0,), (0,)), ((), ())),
                         preferred_element_type=F32)
    h = jnp.maximum(
        jnp.dot(pg_ref[:, :D], w1p_ref[...], preferred_element_type=F32)
        + pg_ref[:, D:].astype(F32) + pt, 0.0)
    ps = jnp.sum(h * w2_ref[...][None, :], axis=1)
    cs = ps + ssum_ref[0, 0, :] + b2_ref[0]
    coref_ref[0, 0, :] = cs
    expl_ref[0, 0, :] = jnp.exp(cs)


def _mlp(pg, w1p, phi, w2_flat, ssum3, cmb3, b2):
    nblk = pg.shape[0] // BLK2
    return pl.pallas_call(
        _mlp_body,
        grid=(nblk,),
        in_specs=[
            pl.BlockSpec((BLK2, 2 * D), lambda i: (i, 0)),
            pl.BlockSpec((D, D), lambda i: (0, 0)),
            pl.BlockSpec((32, D), lambda i: (0, 0)),
            pl.BlockSpec((D,), lambda i: (0,)),
            pl.BlockSpec((1, 1, BLK2), lambda i: (i, 0, 0)),
            pl.BlockSpec((1, 1, BLK2), lambda i: (i, 0, 0)),
            pl.BlockSpec(memory_space=pltpu.SMEM),
        ],
        out_specs=[
            pl.BlockSpec((1, 1, BLK2), lambda i: (i, 0, 0)),
            pl.BlockSpec((1, 1, BLK2), lambda i: (i, 0, 0)),
        ],
        out_shape=[
            jax.ShapeDtypeStruct((nblk, 1, BLK2), F32),
            jax.ShapeDtypeStruct((nblk, 1, BLK2), F32),
        ],
        interpret=False,
    )(pg, w1p, phi, w2_flat, ssum3, cmb3, b2)


def _segsum_body(expl_hbm, mid_hbm, part_hbm, acc_v, mid_v, val_v):
    wid = lax.axis_index("s") * NC + lax.axis_index("c")
    base = wid * PPW

    def zero(i, carry):
        acc_v[pl.ds(i * 16, 16)] = jnp.zeros((16,), F32)
        return carry

    lax.fori_loop(0, NSP // 16, zero, 0)

    def chunk(ci, carry):
        off = base + ci * CH3
        pltpu.sync_copy(mid_hbm.at[pl.ds(off, CH3)], mid_v)
        pltpu.sync_copy(expl_hbm.at[pl.ds(off, CH3)], val_v)

        def grp(gi, carry2):
            sl = pl.ds(gi * 16, 16)
            plsc.addupdate_scatter(acc_v, [mid_v[sl]], val_v[sl])
            return carry2

        lax.fori_loop(0, CH3 // 16, grp, 0)
        return carry

    lax.fori_loop(0, PPW // CH3, chunk, 0)
    pltpu.sync_copy(acc_v, part_hbm.at[wid])


def _segsum(expl, mid):
    fn = pl.kernel(
        _segsum_body,
        out_type=jax.ShapeDtypeStruct((NW, NSP), F32),
        mesh=_mesh,
        compiler_params=pltpu.CompilerParams(needs_layout_passes=False),
        scratch_types=[
            pltpu.VMEM((NSP,), F32),
            pltpu.VMEM((CH3,), I32),
            pltpu.VMEM((CH3,), F32),
        ],
    )
    return fn(expl, mid)


def _denom_body(part_ref, r_ref):
    r_ref[...] = 1.0 / (jnp.sum(part_ref[...], axis=0) + 1.0)


def _denom(part):
    return pl.pallas_call(
        _denom_body,
        out_shape=jax.ShapeDtypeStruct((NSP,), F32),
        interpret=False,
    )(part)


def _probs_body(expl_hbm, mid_hbm, r_hbm, out_hbm, r_v, mid_v, val_v):
    wid = lax.axis_index("s") * NC + lax.axis_index("c")
    base = wid * PPW
    pltpu.sync_copy(r_hbm, r_v)

    def chunk(ci, carry):
        off = base + ci * CH3
        pltpu.sync_copy(mid_hbm.at[pl.ds(off, CH3)], mid_v)
        pltpu.sync_copy(expl_hbm.at[pl.ds(off, CH3)], val_v)

        def grp(gi, carry2):
            sl = pl.ds(gi * 16, 16)
            rg = plsc.load_gather(r_v, [mid_v[sl]])
            val_v[sl] = val_v[sl] * rg
            return carry2

        lax.fori_loop(0, CH3 // 16, grp, 0)
        pltpu.sync_copy(val_v, out_hbm.at[pl.ds(off, CH3)])
        return carry

    lax.fori_loop(0, PPW // CH3, chunk, 0)


def _probs(expl, mid, r):
    fn = pl.kernel(
        _probs_body,
        out_type=jax.ShapeDtypeStruct((NP,), F32),
        mesh=_mesh,
        compiler_params=pltpu.CompilerParams(needs_layout_passes=False),
        scratch_types=[
            pltpu.VMEM((NSP,), F32),
            pltpu.VMEM((CH3,), I32),
            pltpu.VMEM((CH3,), F32),
        ],
    )
    return fn(expl, mid, r)


def kernel(states_avg, scores, dist_table, speaker_table, W1, b1, W2, b2,
           mention_ids, antecedent_ids, distance_buckets, speakers):
    w1m = W1[0:D]
    w1a = W1[D:2 * D]
    w1p = W1[2 * D:3 * D].astype(BF16)
    w1phi = W1[3 * D:]
    mid = mention_ids.astype(I32)
    aid = antecedent_ids.astype(I32)
    cmb = distance_buckets.astype(I32) * 3 + speakers.astype(I32)

    idx = jnp.arange(D)
    perm = jnp.where(idx % 2 == 0, idx // 2, idx // 2 + DW)
    w1p = w1p[perm][:, perm]
    w1phi = w1phi[:, perm]
    b1p = b1[perm]
    w2p = W2[perm, 0]

    t1, t2, phi = _precompute(states_avg, w1m, w1a, dist_table,
                              speaker_table, w1phi, b1p)
    pg, ssum = _gather(t1, t2, scores[:, 0], mid, aid)
    pgb = lax.bitcast_convert_type(pg, BF16).reshape(NP, 2 * D)
    coref3, expl3 = _mlp(pgb, w1p, phi, w2p,
                         ssum.reshape(NP // BLK2, 1, BLK2),
                         cmb.reshape(NP // BLK2, 1, BLK2), b2)
    expl = expl3.reshape(NP)
    part = _segsum(expl, mid)
    r = _denom(part)
    probs = _probs(expl, mid, r)
    return coref3.reshape(NP, 1), probs, r

# --- scband reference (transcript-rebuilt; emitter-appended) ---
"""Pipeline reference for scband-pairwise-scorer-3470333575434 (READ-ONLY COPY).

The authoritative reference and input builder live on the scoring server;
editing this copy changes nothing except your own understanding.
"""

import jax, jax.numpy as jnp
import numpy as np

N_SPANS = 8192
N_PAIRS = 65536
D = 512
DIST_DIM = 20
SPK_DIM = 20
N_DIST = 10
N_SPK = 3
HID = 512
PAIR_DIM = 3 * D + DIST_DIM + SPK_DIM  # 1576 == avg_attn_ij_dim


def setup_inputs(seed: int = 0) -> dict:
    key = jax.random.key(seed)
    ks = jax.random.split(key, 10)
    states_avg = jax.random.normal(ks[0], (N_SPANS, D), dtype=jnp.float32)
    scores = jax.random.normal(ks[1], (N_SPANS, 1), dtype=jnp.float32)
    mention_ids = jnp.sort(jax.random.randint(ks[2], (N_PAIRS,), 0, N_SPANS))
    antecedent_ids = jax.random.randint(ks[3], (N_PAIRS,), 0, N_SPANS)
    distance_buckets = jax.random.randint(ks[4], (N_PAIRS,), 0, N_DIST)
    speakers = jax.random.randint(ks[5], (N_PAIRS,), 0, N_SPK)
    # learned parameters: SpanDist / Speaker embedding tables + ScoreSeq MLP
    dist_table = jax.random.normal(ks[6], (N_DIST, DIST_DIM), dtype=jnp.float32) * 0.02
    speaker_table = jax.random.normal(ks[7], (N_SPK, SPK_DIM), dtype=jnp.float32) * 0.02
    W1 = jax.random.normal(ks[8], (PAIR_DIM, HID), dtype=jnp.float32) * (1.0 / np.sqrt(PAIR_DIM))
    b1 = jnp.zeros((HID,), dtype=jnp.float32)
    W2 = jax.random.normal(ks[9], (HID, 1), dtype=jnp.float32) * (1.0 / np.sqrt(HID))
    b2 = jnp.zeros((1,), dtype=jnp.float32)
    return {
        'states_avg': states_avg,
        'scores': scores,
        'dist_table': dist_table,
        'speaker_table': speaker_table,
        'W1': W1,
        'b1': b1,
        'W2': W2,
        'b2': b2,
        'mention_ids': mention_ids,
        'antecedent_ids': antecedent_ids,
        'distance_buckets': distance_buckets,
        'speakers': speakers,
    }


def reference(states_avg, scores, dist_table, speaker_table, W1, b1, W2, b2,
              mention_ids, antecedent_ids, distance_buckets, speakers):
    # phi = cat(distance embedding, speaker embedding)  -- SpanDist / Speaker
    phi = jnp.concatenate([jnp.take(dist_table, distance_buckets, axis=0),
                           jnp.take(speaker_table, speakers, axis=0)], axis=1)
    # index_select on span states
    mentions_avg = jnp.take(states_avg, mention_ids, axis=0)
    antecedents_avg = jnp.take(states_avg, antecedent_ids, axis=0)
    pairs = jnp.concatenate([mentions_avg, antecedents_avg,
                             mentions_avg * antecedents_avg, phi], axis=1)
    # ScoreSeq: 2-layer MLP -> scalar score per pair
    h = jax.nn.relu(pairs @ W1 + b1)
    pair_score = h @ W2 + b2
    mention_scores = jnp.take(scores, mention_ids, axis=0)
    antecedent_scores = jnp.take(scores, antecedent_ids, axis=0)
    coref_scores = jnp.sum(jnp.concatenate([mention_scores, antecedent_scores, pair_score], axis=1),
                           axis=1, keepdims=True)
    # ragged per-mention softmax over [antecedent scores..., eps=0]
    l = coref_scores[:, 0]
    seg_max = jax.ops.segment_max(l, mention_ids, num_segments=N_SPANS, indices_are_sorted=True)
    m = jnp.maximum(seg_max, 0.0)  # include eps logit 0; empty segments -> 0
    exp_l = jnp.exp(l - jnp.take(m, mention_ids, axis=0))
    denom = jax.ops.segment_sum(exp_l, mention_ids, num_segments=N_SPANS, indices_are_sorted=True) + jnp.exp(-m)
    pair_probs = exp_l / jnp.take(denom, mention_ids, axis=0)
    eps_probs = jnp.exp(-m) / denom
    return coref_scores, pair_probs, eps_probs

if __name__ == "__main__":
    import jax
    _d = setup_inputs()
    print(jax.jit(kernel)(*tuple(_d.values())))

</pallas_src>

<mosaic_0001>
#map = affine_map<(d0, d1) -> (0, 0)>
#map1 = affine_map<(d0, d1) -> (0)>
module attributes {stable_mosaic.version = 14 : i64} {
  func.func @_gather_body(%arg0: i32, %arg1: i32, %arg2: memref<8192x512xi32, #tpu.memory_space<hbm>>, %arg3: memref<8192x512xi32, #tpu.memory_space<hbm>>, %arg4: memref<8192xf32, #tpu.memory_space<hbm>>, %arg5: memref<65536xi32, #tpu.memory_space<hbm>>, %arg6: memref<65536xi32, #tpu.memory_space<hbm>>, %arg7: memref<65536x512xi32, #tpu.memory_space<hbm>>, %arg8: memref<65536xf32, #tpu.memory_space<hbm>>, %arg9: memref<2048xi32, #tpu.memory_space<vmem>>, %arg10: memref<2048xi32, #tpu.memory_space<vmem>>, %arg11: memref<8192xf32, #tpu.memory_space<vmem>>, %arg12: memref<2048xf32, #tpu.memory_space<vmem>>, %arg13: memref<32x512xi32, #tpu.memory_space<vmem>>, %arg14: memref<32x512xi32, #tpu.memory_space<vmem>>, %arg15: memref<32x512xi32, #tpu.memory_space<vmem>>, %arg16: memref<32x512xi32, #tpu.memory_space<vmem>>, %arg17: memref<!tpu.dma_semaphore, #tpu.memory_space<semaphore_mem>>, %arg18: memref<!tpu.dma_semaphore, #tpu.memory_space<semaphore_mem>>, %arg19: memref<!tpu.dma_semaphore, #tpu.memory_space<semaphore_mem>>) attributes {dimension_semantics = [#tpu.dimension_semantics<core_parallel>, #tpu.dimension_semantics<subcore_parallel>], iteration_bounds = array<i64: 2, 16>, scalar_prefetch = 0 : i64, scratch_operands = 11 : i64, tpu.core_type = #tpu.core_type<sc_vector_subcore>, window_params = [{transform_indices = #map}, {transform_indices = #map}, {transform_indices = #map1}, {transform_indices = #map1}, {transform_indices = #map1}, {transform_indices = #map}, {transform_indices = #map1}]} {
    %mul3A = arith.constant 2 : i32
    %mul3A_0 = arith.muli %arg1, %mul3A : i32
    %add3A = arith.addi %mul3A_0, %arg0 : i32
    %mul3A_1 = arith.constant 2048 : i32
    %mul3A_2 = arith.muli %add3A, %mul3A_1 : i32
    "tpu.region"() ({
      %run_scoped3A = tpu.sem_alloc : memref<!tpu.dma_semaphore, #tpu.memory_space<semaphore_mem>>
      tpu.enqueue_dma source(%arg4 : memref<8192xf32, #tpu.memory_space<hbm>>) target(%arg11 : memref<8192xf32, #tpu.memory_space<vmem>>) target_semaphore(%run_scoped3A : memref<!tpu.dma_semaphore, #tpu.memory_space<semaphore_mem>>)
      tpu.wait_dma2 semaphore(%run_scoped3A : memref<!tpu.dma_semaphore, #tpu.memory_space<semaphore_mem>>) src(%arg4 : memref<8192xf32, #tpu.memory_space<hbm>>) dst(%arg11 : memref<8192xf32, #tpu.memory_space<vmem>>)
      tpu.yield
    }) : () -> ()
    "tpu.region"() ({
      %run_scoped3A = tpu.sem_alloc : memref<!tpu.dma_semaphore, #tpu.memory_space<semaphore_mem>>
      %dma_start3A_49 = tpu.memref_slice %arg5[%mul3A_2] : memref<65536xi32, #tpu.memory_space<hbm>> -> memref<2048xi32, #tpu.memory_space<hbm>>
      %dma_start3A_50 = tpu.memref_slice %arg5[%mul3A_2] : memref<65536xi32, #tpu.memory_space<hbm>> -> memref<2048xi32, #tpu.memory_space<hbm>>
      tpu.enqueue_dma source(%dma_start3A_50 : memref<2048xi32, #tpu.memory_space<hbm>>) target(%arg9 : memref<2048xi32, #tpu.memory_space<vmem>>) target_semaphore(%run_scoped3A : memref<!tpu.dma_semaphore, #tpu.memory_space<semaphore_mem>>)
      %dma_wait3A_51 = tpu.memref_slice %arg5[%mul3A_2] : memref<65536xi32, #tpu.memory_space<hbm>> -> memref<2048xi32, #tpu.memory_space<hbm>>
      %dma_wait3A_52 = tpu.memref_slice %arg5[%mul3A_2] : memref<65536xi32, #tpu.memory_space<hbm>> -> memref<2048xi32, #tpu.memory_space<hbm>>
      tpu.wait_dma2 semaphore(%run_scoped3A : memref<!tpu.dma_semaphore, #tpu.memory_space<semaphore_mem>>) src(%dma_wait3A_52 : memref<2048xi32, #tpu.memory_space<hbm>>) dst(%arg9 : memref<2048xi32, #tpu.memory_space<vmem>>)
      tpu.yield
    }) : () -> ()
    "tpu.region"() ({
      %run_scoped3A = tpu.sem_alloc : memref<!tpu.dma_semaphore, #tpu.memory_space<semaphore_mem>>
      %dma_start3A_49 = tpu.memref_slice %arg6[%mul3A_2] : memref<65536xi32, #tpu.memory_space<hbm>> -> memref<2048xi32, #tpu.memory_space<hbm>>
      %dma_start3A_50 = tpu.memref_slice %arg6[%mul3A_2] : memref<65536xi32, #tpu.memory_space<hbm>> -> memref<2048xi32, #tpu.memory_space<hbm>>
      tpu.enqueue_dma source(%dma_start3A_50 : memref<2048xi32, #tpu.memory_space<hbm>>) target(%arg10 : memref<2048xi32, #tpu.memory_space<vmem>>) target_semaphore(%run_scoped3A : memref<!tpu.dma_semaphore, #tpu.memory_space<semaphore_mem>>)
      %dma_wait3A_51 = tpu.memref_slice %arg6[%mul3A_2] : memref<65536xi32, #tpu.memory_space<hbm>> -> memref<2048xi32, #tpu.memory_space<hbm>>
      %dma_wait3A_52 = tpu.memref_slice %arg6[%mul3A_2] : memref<65536xi32, #tpu.memory_space<hbm>> -> memref<2048xi32, #tpu.memory_space<hbm>>
      tpu.wait_dma2 semaphore(%run_scoped3A : memref<!tpu.dma_semaphore, #tpu.memory_space<semaphore_mem>>) src(%dma_wait3A_52 : memref<2048xi32, #tpu.memory_space<hbm>>) dst(%arg10 : memref<2048xi32, #tpu.memory_space<vmem>>)
      tpu.yield
    }) : () -> ()
    %scan3A = arith.constant 0 : i32
    %scan3A_3 = arith.constant 0 : i32
    %scan3A_4 = arith.constant 128 : i32
    %scan3A_5 = arith.addi %scan3A_3, %scan3A_4 : i32
    %scan3A_6 = arith.constant 1 : i32
    scf.for %scan3A_49 = %scan3A_3 to %scan3A_5 step %scan3A_6  : i32 {
      %mul3A_50 = arith.constant 16 : i32
      %mul3A_51 = arith.muli %scan3A_49, %mul3A_50 : i32
      %get3A_52 = arith.index_cast %mul3A_51 : i32 to index
      %get3A_53 = tpu.vector_load %arg9[%get3A_52] {strides = array<i32>} : memref<2048xi32, #tpu.memory_space<vmem>>, vector<16xi32>,
      %gather3A = tpu.vector_load_idx %arg11[%get3A_53] : memref<8192xf32, #tpu.memory_space<vmem>>[vector<16xi32>], vector<16xf32>,
      %get3A_54 = arith.index_cast %mul3A_51 : i32 to index
      %get3A_55 = tpu.vector_load %arg10[%get3A_54] {strides = array<i32>} : memref<2048xi32, #tpu.memory_space<vmem>>, vector<16xi32>,
      %gather3A_56 = tpu.vector_load_idx %arg11[%get3A_55] : memref<8192xf32, #tpu.memory_space<vmem>>[vector<16xi32>], vector<16xf32>,
      %add3A_57 = arith.addf %gather3A, %gather3A_56 : vector<16xf32>
      %swap3A = arith.index_cast %mul3A_51 : i32 to index
      %swap3A_58 = tpu.vector_load %arg12[%swap3A] {strides = array<i32>} : memref<2048xf32, #tpu.memory_space<vmem>>, vector<16xf32>,
      tpu.vector_store %arg12[%swap3A], %add3A_57 {strides = array<i32>} : memref<2048xf32, #tpu.memory_space<vmem>>, vector<16xf32>,
    }
    %scan3A_7 = arith.constant 128 : i32
    "tpu.region"() ({
      %run_scoped3A = tpu.sem_alloc : memref<!tpu.dma_semaphore, #tpu.memory_space<semaphore_mem>>
      %dma_start3A_49 = tpu.memref_slice %arg8[%mul3A_2] : memref<65536xf32, #tpu.memory_space<hbm>> -> memref<2048xf32, #tpu.memory_space<hbm>>
      %dma_start3A_50 = tpu.memref_slice %arg8[%mul3A_2] : memref<65536xf32, #tpu.memory_space<hbm>> -> memref<2048xf32, #tpu.memory_space<hbm>>
      tpu.enqueue_dma source(%arg12 : memref<2048xf32, #tpu.memory_space<vmem>>) target(%dma_start3A_50 : memref<2048xf32, #tpu.memory_space<hbm>>) target_semaphore(%run_scoped3A : memref<!tpu.dma_semaphore, #tpu.memory_space<semaphore_mem>>)
      %dma_wait3A_51 = tpu.memref_slice %arg8[%mul3A_2] : memref<65536xf32, #tpu.memory_space<hbm>> -> memref<2048xf32, #tpu.memory_space<hbm>>
      %dma_wait3A_52 = tpu.memref_slice %arg8[%mul3A_2] : memref<65536xf32, #tpu.memory_space<hbm>> -> memref<2048xf32, #tpu.memory_space<hbm>>
      tpu.wait_dma2 semaphore(%run_scoped3A : memref<!tpu.dma_semaphore, #tpu.memory_space<semaphore_mem>>) src(%arg12 : memref<2048xf32, #tpu.memory_space<vmem>>) dst(%dma_wait3A_52 : memref<2048xf32, #tpu.memory_space<hbm>>)
      tpu.yield
    }) : () -> ()
    %get3A = arith.constant 0 : index
    %get3A_8 = tpu.vector_load %arg9[%get3A] {strides = array<i32>} : memref<2048xi32, #tpu.memory_space<vmem>>, vector<16xi32>,
    %dma_start3A = arith.constant 0 : i32
    %dma_start3A_9 = arith.constant 0 : i32
    %dma_start3A_10 = tpu.memref_slice %arg13[%dma_start3A, %dma_start3A_9] : memref<32x512xi32, #tpu.memory_space<vmem>> -> memref<16x512xi32, #tpu.memory_space<vmem>>
    %dma_start3A_11 = arith.constant 0 : i32
    %dma_start3A_12 = arith.constant 0 : i32
    %dma_start3A_13 = tpu.memref_slice %arg2[%dma_start3A_11, %dma_start3A_12] : memref<8192x512xi32, #tpu.memory_space<hbm>> -> memref<8192x512xi32, #tpu.memory_space<hbm>>
    tpu.enqueue_indirect_dma source(%dma_start3A_13 : memref<8192x512xi32, #tpu.memory_space<hbm>>) target(%dma_start3A_10 : memref<16x512xi32, #tpu.memory_space<vmem>>) offsets(%get3A_8 : vector<16xi32>) semaphore(%arg17 : memref<!tpu.dma_semaphore, #tpu.memory_space<semaphore_mem>>)
    %get3A_14 = arith.constant 0 : index
    %get3A_15 = tpu.vector_load %arg10[%get3A_14] {strides = array<i32>} : memref<2048xi32, #tpu.memory_space<vmem>>, vector<16xi32>,
    %dma_start3A_16 = arith.constant 0 : i32
    %dma_start3A_17 = arith.constant 0 : i32
    %dma_start3A_18 = tpu.memref_slice %arg14[%dma_start3A_16, %dma_start3A_17] : memref<32x512xi32, #tpu.memory_space<vmem>> -> memref<16x512xi32, #tpu.memory_space<vmem>>
    %dma_start3A_19 = arith.constant 0 : i32
    %dma_start3A_20 = arith.constant 0 : i32
    %dma_start3A_21 = tpu.memref_slice %arg3[%dma_start3A_19, %dma_start3A_20] : memref<8192x512xi32, #tpu.memory_space<hbm>> -> memref<8192x512xi32, #tpu.memory_space<hbm>>
    tpu.enqueue_indirect_dma source(%dma_start3A_21 : memref<8192x512xi32, #tpu.memory_space<hbm>>) target(%dma_start3A_18 : memref<16x512xi32, #tpu.memory_space<vmem>>) offsets(%get3A_15 : vector<16xi32>) semaphore(%arg17 : memref<!tpu.dma_semaphore, #tpu.memory_space<semaphore_mem>>)
    %get3A_22 = arith.constant 16 : index
    %get3A_23 = tpu.vector_load %arg9[%get3A_22] {strides = array<i32>} : memref<2048xi32, #tpu.memory_space<vmem>>, vector<16xi32>,
    %dma_start3A_24 = arith.constant 16 : i32
    %dma_start3A_25 = arith.constant 0 : i32
    %dma_start3A_26 = tpu.memref_slice %arg13[%dma_start3A_24, %dma_start3A_25] : memref<32x512xi32, #tpu.memory_space<vmem>> -> memref<16x512xi32, #tpu.memory_space<vmem>>
    %dma_start3A_27 = arith.constant 0 : i32
    %dma_start3A_28 = arith.constant 0 : i32
    %dma_start3A_29 = tpu.memref_slice %arg2[%dma_start3A_27, %dma_start3A_28] : memref<8192x512xi32, #tpu.memory_space<hbm>> -> memref<8192x512xi32, #tpu.memory_space<hbm>>
    tpu.enqueue_indirect_dma source(%dma_start3A_29 : memref<8192x512xi32, #tpu.memory_space<hbm>>) target(%dma_start3A_26 : memref<16x512xi32, #tpu.memory_space<vmem>>) offsets(%get3A_23 : vector<16xi32>) semaphore(%arg17 : memref<!tpu.dma_semaphore, #tpu.memory_space<semaphore_mem>>)
    %get3A_30 = arith.constant 16 : index
    %get3A_31 = tpu.vector_load %arg10[%get3A_30] {strides = array<i32>} : memref<2048xi32, #tpu.memory_space<vmem>>, vector<16xi32>,
    %dma_start3A_32 = arith.constant 16 : i32
    %dma_start3A_33 = arith.constant 0 : i32
    %dma_start3A_34 = tpu.memref_slice %arg14[%dma_start3A_32, %dma_start3A_33] : memref<32x512xi32, #tpu.memory_space<vmem>> -> memref<16x512xi32, #tpu.memory_space<vmem>>
    %dma_start3A_35 = arith.constant 0 : i32
    %dma_start3A_36 = arith.constant 0 : i32
    %dma_start3A_37 = tpu.memref_slice %arg3[%dma_start3A_35, %dma_start3A_36] : memref<8192x512xi32, #tpu.memory_space<hbm>> -> memref<8192x512xi32, #tpu.memory_space<hbm>>
    tpu.enqueue_indirect_dma source(%dma_start3A_37 : memref<8192x512xi32, #tpu.memory_space<hbm>>) target(%dma_start3A_34 : memref<16x512xi32, #tpu.memory_space<vmem>>) offsets(%get3A_31 : vector<16xi32>) semaphore(%arg17 : memref<!tpu.dma_semaphore, #tpu.memory_space<semaphore_mem>>)
    %scan3A_38 = arith.constant 0 : i32
    %scan3A_39 = arith.constant 0 : i32
    %scan3A_40 = arith.constant 32 : i32
    %scan3A_41 = arith.addi %scan3A_39, %scan3A_40 : i32
    %scan3A_42 = arith.constant 1 : i32
    scf.for %scan3A_49 = %scan3A_39 to %scan3A_41 step %scan3A_42  : i32 {
      %mul3A_50 = arith.constant 2 : i32
      %mul3A_51 = arith.muli %mul3A_50, %scan3A_49 : i32
      %mul3A_52 = arith.constant 32 : i32
      %mul3A_53 = arith.muli %mul3A_51, %mul3A_52 : i32
      %add3A_54 = arith.addi %mul3A_2, %mul3A_53 : i32
      %add3A_55 = arith.constant 32 : i32
      %add3A_56 = arith.addi %add3A_54, %add3A_55 : i32
      %dma_wait3A_57 = arith.constant 0 : i32
      %dma_wait3A_58 = arith.constant 0 : i32
      %dma_wait3A_59 = tpu.memref_slice %arg13[%dma_wait3A_57, %dma_wait3A_58] : memref<32x512xi32, #tpu.memory_space<vmem>> -> memref<16x512xi32, #tpu.memory_space<vmem>>
      %dma_wait3A_60 = arith.constant 0 : i32
      %dma_wait3A_61 = arith.constant 0 : i32
      %dma_wait3A_62 = tpu.memref_slice %arg2[%dma_wait3A_60, %dma_wait3A_61] : memref<8192x512xi32, #tpu.memory_space<hbm>> -> memref<16x512xi32, #tpu.memory_space<hbm>>
      %dma_wait3A_63 = arith.constant 0 : i32
      %dma_wait3A_64 = arith.constant 0 : i32
      %dma_wait3A_65 = tpu.memref_slice %arg13[%dma_wait3A_63, %dma_wait3A_64] : memref<32x512xi32, #tpu.memory_space<vmem>> -> memref<16x512xi32, #tpu.memory_space<vmem>>
      %dma_wait3A_66 = arith.constant 0 : i32
      %dma_wait3A_67 = arith.constant 0 : i32
      %dma_wait3A_68 = tpu.memref_slice %arg2[%dma_wait3A_66, %dma_wait3A_67] : memref<8192x512xi32, #tpu.memory_space<hbm>> -> memref<16x512xi32, #tpu.memory_space<hbm>>
      tpu.wait_dma2 semaphore(%arg17 : memref<!tpu.dma_semaphore, #tpu.memory_space<semaphore_mem>>) src(%dma_wait3A_68 : memref<16x512xi32, #tpu.memory_space<hbm>>) dst(%dma_wait3A_65 : memref<16x512xi32, #tpu.memory_space<vmem>>)
      %dma_wait3A_69 = arith.constant 0 : i32
      %dma_wait3A_70 = arith.constant 0 : i32
      %dma_wait3A_71 = tpu.memref_slice %arg13[%dma_wait3A_69, %dma_wait3A_70] : memref<32x512xi32, #tpu.memory_space<vmem>> -> memref<16x512xi32, #tpu.memory_space<vmem>>
      %dma_wait3A_72 = arith.constant 0 : i32
      %dma_wait3A_73 = arith.constant 0 : i32
      %dma_wait3A_74 = tpu.memref_slice %arg2[%dma_wait3A_72, %dma_wait3A_73] : memref<8192x512xi32, #tpu.memory_space<hbm>> -> memref<16x512xi32, #tpu.memory_space<hbm>>
      %dma_wait3A_75 = arith.constant 0 : i32
      %dma_wait3A_76 = arith.constant 0 : i32
      %dma_wait3A_77 = tpu.memref_slice %arg13[%dma_wait3A_75, %dma_wait3A_76] : memref<32x512xi32, #tpu.memory_space<vmem>> -> memref<16x512xi32, #tpu.memory_space<vmem>>
      %dma_wait3A_78 = arith.constant 0 : i32
      %dma_wait3A_79 = arith.constant 0 : i32
      %dma_wait3A_80 = tpu.memref_slice %arg2[%dma_wait3A_78, %dma_wait3A_79] : memref<8192x512xi32, #tpu.memory_space<hbm>> -> memref<16x512xi32, #tpu.memory_space<hbm>>
      tpu.wait_dma2 semaphore(%arg17 : memref<!tpu.dma_semaphore, #tpu.memory_space<semaphore_mem>>) src(%dma_wait3A_80 : memref<16x512xi32, #tpu.memory_space<hbm>>) dst(%dma_wait3A_77 : memref<16x512xi32, #tpu.memory_space<vmem>>)
      %dma_wait3A_81 = arith.constant 0 : i32
      %dma_wait3A_82 = arith.constant 0 : i32
      %dma_wait3A_83 = tpu.memref_slice %arg13[%dma_wait3A_81, %dma_wait3A_82] : memref<32x512xi32, #tpu.memory_space<vmem>> -> memref<16x512xi32, #tpu.memory_space<vmem>>
      %dma_wait3A_84 = arith.constant 0 : i32
      %dma_wait3A_85 = arith.constant 0 : i32
      %dma_wait3A_86 = tpu.memref_slice %arg2[%dma_wait3A_84, %dma_wait3A_85] : memref<8192x512xi32, #tpu.memory_space<hbm>> -> memref<16x512xi32, #tpu.memory_space<hbm>>
      %dma_wait3A_87 = arith.constant 0 : i32
      %dma_wait3A_88 = arith.constant 0 : i32
      %dma_wait3A_89 = tpu.memref_slice %arg13[%dma_wait3A_87, %dma_wait3A_88] : memref<32x512xi32, #tpu.memory_space<vmem>> -> memref<16x512xi32, #tpu.memory_space<vmem>>
      %dma_wait3A_90 = arith.constant 0 : i32
      %dma_wait3A_91 = arith.constant 0 : i32
      %dma_wait3A_92 = tpu.memref_slice %arg2[%dma_wait3A_90, %dma_wait3A_91] : memref<8192x512xi32, #tpu.memory_space<hbm>> -> memref<16x512xi32, #tpu.memory_space<hbm>>
      tpu.wait_dma2 semaphore(%arg17 : memref<!tpu.dma_semaphore, #tpu.memory_space<semaphore_mem>>) src(%dma_wait3A_92 : memref<16x512xi32, #tpu.memory_space<hbm>>) dst(%dma_wait3A_89 : memref<16x512xi32, #tpu.memory_space<vmem>>)
      %dma_wait3A_93 = arith.constant 0 : i32
      %dma_wait3A_94 = arith.constant 0 : i32
      %dma_wait3A_95 = tpu.memref_slice %arg13[%dma_wait3A_93, %dma_wait3A_94] : memref<32x512xi32, #tpu.memory_space<vmem>> -> memref<16x512xi32, #tpu.memory_space<vmem>>
      %dma_wait3A_96 = arith.constant 0 : i32
      %dma_wait3A_97 = arith.constant 0 : i32
      %dma_wait3A_98 = tpu.memref_slice %arg2[%dma_wait3A_96, %dma_wait3A_97] : memref<8192x512xi32, #tpu.memory_space<hbm>> -> memref<16x512xi32, #tpu.memory_space<hbm>>
      %dma_wait3A_99 = arith.constant 0 : i32
      %dma_wait3A_100 = arith.constant 0 : i32
      %dma_wait3A_101 = tpu.memref_slice %arg13[%dma_wait3A_99, %dma_wait3A_100] : memref<32x512xi32, #tpu.memory_space<vmem>> -> memref<16x512xi32, #tpu.memory_space<vmem>>
      %dma_wait3A_102 = arith.constant 0 : i32
      %dma_wait3A_103 = arith.constant 0 : i32
      %dma_wait3A_104 = tpu.memref_slice %arg2[%dma_wait3A_102, %dma_wait3A_103] : memref<8192x512xi32, #tpu.memory_space<hbm>> -> memref<16x512xi32, #tpu.memory_space<hbm>>
      tpu.wait_dma2 semaphore(%arg17 : memref<!tpu.dma_semaphore, #tpu.memory_space<semaphore_mem>>) src(%dma_wait3A_104 : memref<16x512xi32, #tpu.memory_space<hbm>>) dst(%dma_wait3A_101 : memref<16x512xi32, #tpu.memory_space<vmem>>)
      %gt3A = arith.constant 0 : i32
      %gt3A_105 = arith.cmpi sgt, %scan3A_49, %gt3A : i32
      %convert_element_type3A = arith.extui %gt3A_105 : i1 to i32
      %cond3A = arith.constant 0 : i32
      %cond3A_106 = arith.cmpi ne, %convert_element_type3A, %cond3A : i32
      scf.if %cond3A_106 {
        %dma_wait3A_201 = arith.constant 0 : i32
        %dma_wait3A_202 = arith.constant 0 : i32
        %dma_wait3A_203 = tpu.memref_slice %arg2[%dma_wait3A_201, %dma_wait3A_202] : memref<8192x512xi32, #tpu.memory_space<hbm>> -> memref<32x512xi32, #tpu.memory_space<hbm>>
        %dma_wait3A_204 = arith.constant 0 : i32
        %dma_wait3A_205 = arith.constant 0 : i32
        %dma_wait3A_206 = tpu.memref_slice %arg2[%dma_wait3A_204, %dma_wait3A_205] : memref<8192x512xi32, #tpu.memory_space<hbm>> -> memref<32x512xi32, #tpu.memory_space<hbm>>
        tpu.wait_dma2 semaphore(%arg19 : memref<!tpu.dma_semaphore, #tpu.memory_space<semaphore_mem>>) src(%dma_wait3A_206 : memref<32x512xi32, #tpu.memory_space<hbm>>) dst(%arg13 : memref<32x512xi32, #tpu.memory_space<vmem>>)
      } else {
      }
      %add3A_107 = arith.constant 1 : i32
      %add3A_108 = arith.addi %mul3A_51, %add3A_107 : i32
      %mul3A_109 = arith.constant 32 : i32
      %mul3A_110 = arith.muli %add3A_108, %mul3A_109 : i32
      %add3A_111 = arith.constant 0 : i32
      %add3A_112 = arith.addi %mul3A_110, %add3A_111 : i32
      %get3A_113 = arith.index_cast %add3A_112 : i32 to index
      %get3A_114 = tpu.vector_load %arg9[%get3A_113] {strides = array<i32>} : memref<2048xi32, #tpu.memory_space<vmem>>, vector<16xi32>,
      %dma_start3A_115 = arith.constant 0 : i32
      %dma_start3A_116 = arith.constant 0 : i32
      %dma_start3A_117 = tpu.memref_slice %arg15[%dma_start3A_115, %dma_start3A_116] : memref<32x512xi32, #tpu.memory_space<vmem>> -> memref<16x512xi32, #tpu.memory_space<vmem>>
      %dma_start3A_118 = arith.constant 0 : i32
      %dma_start3A_119 = arith.constant 0 : i32
      %dma_start3A_120 = tpu.memref_slice %arg2[%dma_start3A_118, %dma_start3A_119] : memref<8192x512xi32, #tpu.memory_space<hbm>> -> memref<8192x512xi32, #tpu.memory_space<hbm>>
      tpu.enqueue_indirect_dma source(%dma_start3A_120 : memref<8192x512xi32, #tpu.memory_space<hbm>>) target(%dma_start3A_117 : memref<16x512xi32, #tpu.memory_space<vmem>>) offsets(%get3A_114 : vector<16xi32>) semaphore(%arg18 : memref<!tpu.dma_semaphore, #tpu.memory_space<semaphore_mem>>)
      %get3A_121 = arith.index_cast %add3A_112 : i32 to index
      %get3A_122 = tpu.vector_load %arg10[%get3A_121] {strides = array<i32>} : memref<2048xi32, #tpu.memory_space<vmem>>, vector<16xi32>,
      %dma_start3A_123 = arith.constant 0 : i32
      %dma_start3A_124 = arith.constant 0 : i32
      %dma_start3A_125 = tpu.memref_slice %arg16[%dma_start3A_123, %dma_start3A_124] : memref<32x512xi32, #tpu.memory_space<vmem>> -> memref<16x512xi32, #tpu.memory_space<vmem>>
      %dma_start3A_126 = arith.constant 0 : i32
      %dma_start3A_127 = arith.constant 0 : i32
      %dma_start3A_128 = tpu.memref_slice %arg3[%dma_start3A_126, %dma_start3A_127] : memref<8192x512xi32, #tpu.memory_space<hbm>> -> memref<8192x512xi32, #tpu.memory_space<hbm>>
      tpu.enqueue_indirect_dma source(%dma_start3A_128 : memref<8192x512xi32, #tpu.memory_space<hbm>>) target(%dma_start3A_125 : memref<16x512xi32, #tpu.memory_space<vmem>>) offsets(%get3A_122 : vector<16xi32>) semaphore(%arg18 : memref<!tpu.dma_semaphore, #tpu.memory_space<semaphore_mem>>)
      %mul3A_129 = arith.constant 32 : i32
      %mul3A_130 = arith.muli %add3A_108, %mul3A_129 : i32
      %add3A_131 = arith.constant 16 : i32
      %add3A_132 = arith.addi %mul3A_130, %add3A_131 : i32
      %get3A_133 = arith.index_cast %add3A_132 : i32 to index
      %get3A_134 = tpu.vector_load %arg9[%get3A_133] {strides = array<i32>} : memref<2048xi32, #tpu.memory_space<vmem>>, vector<16xi32>,
      %dma_start3A_135 = arith.constant 16 : i32
      %dma_start3A_136 = arith.constant 0 : i32
      %dma_start3A_137 = tpu.memref_slice %arg15[%dma_start3A_135, %dma_start3A_136] : memref<32x512xi32, #tpu.memory_space<vmem>> -> memref<16x512xi32, #tpu.memory_space<vmem>>
      %dma_start3A_138 = arith.constant 0 : i32
      %dma_start3A_139 = arith.constant 0 : i32
      %dma_start3A_140 = tpu.memref_slice %arg2[%dma_start3A_138, %dma_start3A_139] : memref<8192x512xi32, #tpu.memory_space<hbm>> -> memref<8192x512xi32, #tpu.memory_space<hbm>>
      tpu.enqueue_indirect_dma source(%dma_start3A_140 : memref<8192x512xi32, #tpu.memory_space<hbm>>) target(%dma_start3A_137 : memref<16x512xi32, #tpu.memory_space<vmem>>) offsets(%get3A_134 : vector<16xi32>) semaphore(%arg18 : memref<!tpu.dma_semaphore, #tpu.memory_space<semaphore_mem>>)
      %get3A_141 = arith.index_cast %add3A_132 : i32 to index
      %get3A_142 = tpu.vector_load %arg10[%get3A_141] {strides = array<i32>} : memref<2048xi32, #tpu.memory_space<vmem>>, vector<16xi32>,
      %dma_start3A_143 = arith.constant 16 : i32
      %dma_start3A_144 = arith.constant 0 : i32
      %dma_start3A_145 = tpu.memref_slice %arg16[%dma_start3A_143, %dma_start3A_144] : memref<32x512xi32, #tpu.memory_space<vmem>> -> memref<16x512xi32, #tpu.memory_space<vmem>>
      %dma_start3A_146 = arith.constant 0 : i32
      %dma_start3A_147 = arith.constant 0 : i32
      %dma_start3A_148 = tpu.memref_slice %arg3[%dma_start3A_146, %dma_start3A_147] : memref<8192x512xi32, #tpu.memory_space<hbm>> -> memref<8192x512xi32, #tpu.memory_space<hbm>>
      tpu.enqueue_indirect_dma source(%dma_start3A_148 : memref<8192x512xi32, #tpu.memory_space<hbm>>) target(%dma_start3A_145 : memref<16x512xi32, #tpu.memory_space<vmem>>) offsets(%get3A_142 : vector<16xi32>) semaphore(%arg18 : memref<!tpu.dma_semaphore, #tpu.memory_space<semaphore_mem>>)
      %scan3A_149 = arith.constant 0 : i32
      %scan3A_150 = arith.constant 0 : i32
      %scan3A_151 = arith.constant 32 : i32
      %scan3A_152 = arith.addi %scan3A_150, %scan3A_151 : i32
      %scan3A_153 = arith.constant 1 : i32
      scf.for %scan3A_201 = %scan3A_150 to %scan3A_152 step %scan3A_153  : i32 {
        %get3A_202 = arith.index_cast %scan3A_201 : i32 to index
        %get3A_203 = arith.constant 0 : index
        %get3A_204 = tpu.vector_load %arg13[%get3A_202, %get3A_203] {strides = array<i32>} : memref<32x512xi32, #tpu.memory_space<vmem>>, vector<16xi32>,
        %bitcast3A = vector.bitcast %get3A_204 : vector<16xi32> to vector<32xbf16>
        %get3A_205 = arith.index_cast %scan3A_201 : i32 to index
        %get3A_206 = arith.constant 0 : index
        %get3A_207 = tpu.vector_load %arg14[%get3A_205, %get3A_206] {strides = array<i32>} : memref<32x512xi32, #tpu.memory_space<vmem>>, vector<16xi32>,
        %bitcast3A_208 = vector.bitcast %get3A_207 : vector<16xi32> to vector<32xbf16>
        %mul3A_209 = arith.mulf %bitcast3A, %bitcast3A_208 : vector<32xbf16>
        %bitcast3A_210 = vector.bitcast %mul3A_209 : vector<32xbf16> to vector<16xi32>
        %swap3A = arith.index_cast %scan3A_201 : i32 to index
        %swap3A_211 = arith.constant 0 : index
        %swap3A_212 = tpu.vector_load %arg13[%swap3A, %swap3A_211] {strides = array<i32>} : memref<32x512xi32, #tpu.memory_space<vmem>>, vector<16xi32>,
        tpu.vector_store %arg13[%swap3A, %swap3A_211], %bitcast3A_210 {strides = array<i32>} : memref<32x512xi32, #tpu.memory_space<vmem>>, vector<16xi32>,
        %get3A_213 = arith.index_cast %scan3A_201 : i32 to index
        %get3A_214 = arith.constant 256 : index
        %get3A_215 = tpu.vector_load %arg13[%get3A_213, %get3A_214] {strides = array<i32>} : memref<32x512xi32, #tpu.memory_space<vmem>>, vector<16xi32>,
        %bitcast3A_216 = vector.bitcast %get3A_215 : vector<16xi32> to vector<32xbf16>
        %get3A_217 = arith.index_cast %scan3A_201 : i32 to index
        %get3A_218 = arith.constant 256 : index
        %get3A_219 = tpu.vector_load %arg14[%get3A_217, %get3A_218] {strides = array<i32>} : memref<32x512xi32, #tpu.memory_space<vmem>>, vector<16xi32>,
        %bitcast3A_220 = vector.bitcast %get3A_219 : vector<16xi32> to vector<32xbf16>
        %add3A_221 = arith.addf %bitcast3A_216, %bitcast3A_220 : vector<32xbf16>
        %bitcast3A_222 = vector.bitcast %add3A_221 : vector<32xbf16> to vector<16xi32>
        %swap3A_223 = arith.index_cast %scan3A_201 : i32 to index
        %swap3A_224 = arith.constant 256 : index
        %swap3A_225 = tpu.vector_load %arg13[%swap3A_223, %swap3A_224] {strides = array<i32>} : memref<32x512xi32, #tpu.memory_space<vmem>>, vector<16xi32>,
        tpu.vector_store %arg13[%swap3A_223, %swap3A_224], %bitcast3A_222 {strides = array<i32>} : memref<32x512xi32, #tpu.memory_space<vmem>>, vector<16xi32>,
        %get3A_226 = arith.index_cast %scan3A_201 : i32 to index
        %get3A_227 = arith.constant 16 : index
        %get3A_228 = tpu.vector_load %arg13[%get3A_226, %get3A_227] {strides = array<i32>} : memref<32x512xi32, #tpu.memory_space<vmem>>, vector<16xi32>,
        %bitcast3A_229 = vector.bitcast %get3A_228 : vector<16xi32> to vector<32xbf16>
        %get3A_230 = arith.index_cast %scan3A_201 : i32 to index
        %get3A_231 = arith.constant 16 : index
        %get3A_232 = tpu.vector_load %arg14[%get3A_230, %get3A_231] {strides = array<i32>} : memref<32x512xi32, #tpu.memory_space<vmem>>, vector<16xi32>,
        %bitcast3A_233 = vector.bitcast %get3A_232 : vector<16xi32> to vector<32xbf16>
        %mul3A_234 = arith.mulf %bitcast3A_229, %bitcast3A_233 : vector<32xbf16>
        %bitcast3A_235 = vector.bitcast %mul3A_234 : vector<32xbf16> to vector<16xi32>
        %swap3A_236 = arith.index_cast %scan3A_201 : i32 to index
        %swap3A_237 = arith.constant 16 : index
        %swap3A_238 = tpu.vector_load %arg13[%swap3A_236, %swap3A_237] {strides = array<i32>} : memref<32x512xi32, #tpu.memory_space<vmem>>, vector<16xi32>,
        tpu.vector_store %arg13[%swap3A_236, %swap3A_237], %bitcast3A_235 {strides = array<i32>} : memref<32x512xi32, #tpu.memory_space<vmem>>, vector<16xi32>,
        %get3A_239 = arith.index_cast %scan3A_201 : i32 to index
        %get3A_240 = arith.constant 272 : index
        %get3A_241 = tpu.vector_load %arg13[%get3A_239, %get3A_240] {strides = array<i32>} : memref<32x512xi32, #tpu.memory_space<vmem>>, vector<16xi32>,
        %bitcast3A_242 = vector.bitcast %get3A_241 : vector<16xi32> to vector<32xbf16>
        %get3A_243 = arith.index_cast %scan3A_201 : i32 to index
        %get3A_244 = arith.constant 272 : index
        %get3A_245 = tpu.vector_load %arg14[%get3A_243, %get3A_244] {strides = array<i32>} : memref<32x512xi32, #tpu.memory_space<vmem>>, vector<16xi32>,
        %bitcast3A_246 = vector.bitcast %get3A_245 : vector<16xi32> to vector<32xbf16>
        %add3A_247 = arith.addf %bitcast3A_242, %bitcast3A_246 : vector<32xbf16>
        %bitcast3A_248 = vector.bitcast %add3A_247 : vector<32xbf16> to vector<16xi32>
        %swap3A_249 = arith.index_cast %scan3A_201 : i32 to index
        %swap3A_250 = arith.constant 272 : index
        %swap3A_251 = tpu.vector_load %arg13[%swap3A_249, %swap3A_250] {strides = array<i32>} : memref<32x512xi32, #tpu.memory_space<vmem>>, vector<16xi32>,
        tpu.vector_store %arg13[%swap3A_249, %swap3A_250], %bitcast3A_248 {strides = array<i32>} : memref<32x512xi32, #tpu.memory_space<vmem>>, vector<16xi32>,
        %get3A_252 = arith.index_cast %scan3A_201 : i32 to index
        %get3A_253 = arith.constant 32 : index
        %get3A_254 = tpu.vector_load %arg13[%get3A_252, %get3A_253] {strides = array<i32>} : memref<32x512xi32, #tpu.memory_space<vmem>>, vector<16xi32>,
        %bitcast3A_255 = vector.bitcast %get3A_254 : vector<16xi32> to vector<32xbf16>
        %get3A_256 = arith.index_cast %scan3A_201 : i32 to index
        %get3A_257 = arith.constant 32 : index
        %get3A_258 = tpu.vector_load %arg14[%get3A_256, %get3A_257] {strides = array<i32>} : memref<32x512xi32, #tpu.memory_space<vmem>>, vector<16xi32>,
        %bitcast3A_259 = vector.bitcast %get3A_258 : vector<16xi32> to vector<32xbf16>
        %mul3A_260 = arith.mulf %bitcast3A_255, %bitcast3A_259 : vector<32xbf16>
        %bitcast3A_261 = vector.bitcast %mul3A_260 : vector<32xbf16> to vector<16xi32>
        %swap3A_262 = arith.index_cast %scan3A_201 : i32 to index
        %swap3A_263 = arith.constant 32 : index
        %swap3A_264 = tpu.vector_load %arg13[%swap3A_262, %swap3A_263] {strides = array<i32>} : memref<32x512xi32, #tpu.memory_space<vmem>>, vector<16xi32>,
        tpu.vector_store %arg13[%swap3A_262, %swap3A_263], %bitcast3A_261 {strides = array<i32>} : memref<32x512xi32, #tpu.memory_space<vmem>>, vector<16xi32>,
        %get3A_265 = arith.index_cast %scan3A_201 : i32 to index
        %get3A_266 = arith.constant 288 : index
        %get3A_267 = tpu.vector_load %arg13[%get3A_265, %get3A_266] {strides = array<i32>} : memref<32x512xi32, #tpu.memory_space<vmem>>, vector<16xi32>,
        %bitcast3A_268 = vector.bitcast %get3A_267 : vector<16xi32> to vector<32xbf16>
        %get3A_269 = arith.index_cast %scan3A_201 : i32 to index
        %get3A_270 = arith.constant 288 : index
        %get3A_271 = tpu.vector_load %arg14[%get3A_269, %get3A_270] {strides = array<i32>} : memref<32x512xi32, #tpu.memory_space<vmem>>, vector<16xi32>,
        %bitcast3A_272 = vector.bitcast %get3A_271 : vector<16xi32> to vector<32xbf16>
        %add3A_273 = arith.addf %bitcast3A_268, %bitcast3A_272 : vector<32xbf16>
        %bitcast3A_274 = vector.bitcast %add3A_273 : vector<32xbf16> to vector<16xi32>
        %swap3A_275 = arith.index_cast %scan3A_201 : i32 to index
        %swap3A_276 = arith.constant 288 : index
        %swap3A_277 = tpu.vector_load %arg13[%swap3A_275, %swap3A_276] {strides = array<i32>} : memref<32x512xi32, #tpu.memory_space<vmem>>, vector<16xi32>,
        tpu.vector_store %arg13[%swap3A_275, %swap3A_276], %bitcast3A_274 {strides = array<i32>} : memref<32x512xi32, #tpu.memory_space<vmem>>, vector<16xi32>,
        %get3A_278 = arith.index_cast %scan3A_201 : i32 to index
        %get3A_279 = arith.constant 48 : index
        %get3A_280 = tpu.vector_load %arg13[%get3A_278, %get3A_279] {strides = array<i32>} : memref<32x512xi32, #tpu.memory_space<vmem>>, vector<16xi32>,
        %bitcast3A_281 = vector.bitcast %get3A_280 : vector<16xi32> to vector<32xbf16>
        %get3A_282 = arith.index_cast %scan3A_201 : i32 to index
        %get3A_283 = arith.constant 48 : index
        %get3A_284 = tpu.vector_load %arg14[%get3A_282, %get3A_283] {strides = array<i32>} : memref<32x512xi32, #tpu.memory_space<vmem>>, vector<16xi32>,
        %bitcast3A_285 = vector.bitcast %get3A_284 : vector<16xi32> to vector<32xbf16>
        %mul3A_286 = arith.mulf %bitcast3A_281, %bitcast3A_285 : vector<32xbf16>
        %bitcast3A_287 = vector.bitcast %mul3A_286 : vector<32xbf16> to vector<16xi32>
        %swap3A_288 = arith.index_cast %scan3A_201 : i32 to index
        %swap3A_289 = arith.constant 48 : index
        %swap3A_290 = tpu.vector_load %arg13[%swap3A_288, %swap3A_289] {strides = array<i32>} : memref<32x512xi32, #tpu.memory_space<vmem>>, vector<16xi32>,
        tpu.vector_store %arg13[%swap3A_288, %swap3A_289], %bitcast3A_287 {strides = array<i32>} : memref<32x512xi32, #tpu.memory_space<vmem>>, vector<16xi32>,
        %get3A_291 = arith.index_cast %scan3A_201 : i32 to index
        %get3A_292 = arith.constant 304 : index
        %get3A_293 = tpu.vector_load %arg13[%get3A_291, %get3A_292] {strides = array<i32>} : memref<32x512xi32, #tpu.memory_space<vmem>>, vector<16xi32>,
        %bitcast3A_294 = vector.bitcast %get3A_293 : vector<16xi32> to vector<32xbf16>
        %get3A_295 = arith.index_cast %scan3A_201 : i32 to index
        %get3A_296 = arith.constant 304 : index
        %get3A_297 = tpu.vector_load %arg14[%get3A_295, %get3A_296] {strides = array<i32>} : memref<32x512xi32, #tpu.memory_space<vmem>>, vector<16xi32>,
        %bitcast3A_298 = vector.bitcast %get3A_297 : vector<16xi32> to vector<32xbf16>
        %add3A_299 = arith.addf %bitcast3A_294, %bitcast3A_298 : vector<32xbf16>
        %bitcast3A_300 = vector.bitcast %add3A_299 : vector<32xbf16> to vector<16xi32>
        %swap3A_301 = arith.index_cast %scan3A_201 : i32 to index
        %swap3A_302 = arith.constant 304 : index
        %swap3A_303 = tpu.vector_load %arg13[%swap3A_301, %swap3A_302] {strides = array<i32>} : memref<32x512xi32, #tpu.memory_space<vmem>>, vector<16xi32>,
        tpu.vector_store %arg13[%swap3A_301, %swap3A_302], %bitcast3A_300 {strides = array<i32>} : memref<32x512xi32, #tpu.memory_space<vmem>>, vector<16xi32>,
        %get3A_304 = arith.index_cast %scan3A_201 : i32 to index
        %get3A_305 = arith.constant 64 : index
        %get3A_306 = tpu.vector_load %arg13[%get3A_304, %get3A_305] {strides = array<i32>} : memref<32x512xi32, #tpu.memory_space<vmem>>, vector<16xi32>,
        %bitcast3A_307 = vector.bitcast %get3A_306 : vector<16xi32> to vector<32xbf16>
        %get3A_308 = arith.index_cast %scan3A_201 : i32 to index
        %get3A_309 = arith.constant 64 : index
        %get3A_310 = tpu.vector_load %arg14[%get3A_308, %get3A_309] {strides = array<i32>} : memref<32x512xi32, #tpu.memory_space<vmem>>, vector<16xi32>,
        %bitcast3A_311 = vector.bitcast %get3A_310 : vector<16xi32> to vector<32xbf16>
        %mul3A_312 = arith.mulf %bitcast3A_307, %bitcast3A_311 : vector<32xbf16>
        %bitcast3A_313 = vector.bitcast %mul3A_312 : vector<32xbf16> to vector<16xi32>
        %swap3A_314 = arith.index_cast %scan3A_201 : i32 to index
        %swap3A_315 = arith.constant 64 : index
        %swap3A_316 = tpu.vector_load %arg13[%swap3A_314, %swap3A_315] {strides = array<i32>} : memref<32x512xi32, #tpu.memory_space<vmem>>, vector<16xi32>,
        tpu.vector_store %arg13[%swap3A_314, %swap3A_315], %bitcast3A_313 {strides = array<i32>} : memref<32x512xi32, #tpu.memory_space<vmem>>, vector<16xi32>,
        %get3A_317 = arith.index_cast %scan3A_201 : i32 to index
        %get3A_318 = arith.constant 320 : index
        %get3A_319 = tpu.vector_load %arg13[%get3A_317, %get3A_318] {strides = array<i32>} : memref<32x512xi32, #tpu.memory_space<vmem>>, vector<16xi32>,
        %bitcast3A_320 = vector.bitcast %get3A_319 : vector<16xi32> to vector<32xbf16>
        %get3A_321 = arith.index_cast %scan3A_201 : i32 to index
        %get3A_322 = arith.constant 320 : index
        %get3A_323 = tpu.vector_load %arg14[%get3A_321, %get3A_322] {strides = array<i32>} : memref<32x512xi32, #tpu.memory_space<vmem>>, vector<16xi32>,
        %bitcast3A_324 = vector.bitcast %get3A_323 : vector<16xi32> to vector<32xbf16>
        %add3A_325 = arith.addf %bitcast3A_320, %bitcast3A_324 : vector<32xbf16>
        %bitcast3A_326 = vector.bitcast %add3A_325 : vector<32xbf16> to vector<16xi32>
        %swap3A_327 = arith.index_cast %scan3A_201 : i32 to index
        %swap3A_328 = arith.constant 320 : index
        %swap3A_329 = tpu.vector_load %arg13[%swap3A_327, %swap3A_328] {strides = array<i32>} : memref<32x512xi32, #tpu.memory_space<vmem>>, vector<16xi32>,
        tpu.vector_store %arg13[%swap3A_327, %swap3A_328], %bitcast3A_326 {strides = array<i32>} : memref<32x512xi32, #tpu.memory_space<vmem>>, vector<16xi32>,
        %get3A_330 = arith.index_cast %scan3A_201 : i32 to index
        %get3A_331 = arith.constant 80 : index
        %get3A_332 = tpu.vector_load %arg13[%get3A_330, %get3A_331] {strides = array<i32>} : memref<32x512xi32, #tpu.memory_space<vmem>>, vector<16xi32>,
        %bitcast3A_333 = vector.bitcast %get3A_332 : vector<16xi32> to vector<32xbf16>
        %get3A_334 = arith.index_cast %scan3A_201 : i32 to index
        %get3A_335 = arith.constant 80 : index
        %get3A_336 = tpu.vector_load %arg14[%get3A_334, %get3A_335] {strides = array<i32>} : memref<32x512xi32, #tpu.memory_space<vmem>>, vector<16xi32>,
        %bitcast3A_337 = vector.bitcast %get3A_336 : vector<16xi32> to vector<32xbf16>
        %mul3A_338 = arith.mulf %bitcast3A_333, %bitcast3A_337 : vector<32xbf16>
        %bitcast3A_339 = vector.bitcast %mul3A_338 : vector<32xbf16> to vector<16xi32>
        %swap3A_340 = arith.index_cast %scan3A_201 : i32 to index
        %swap3A_341 = arith.constant 80 : index
        %swap3A_342 = tpu.vector_load %arg13[%swap3A_340, %swap3A_341] {strides = array<i32>} : memref<32x512xi32, #tpu.memory_space<vmem>>, vector<16xi32>,
        tpu.vector_store %arg13[%swap3A_340, %swap3A_341], %bitcast3A_339 {strides = array<i32>} : memref<32x512xi32, #tpu.memory_space<vmem>>, vector<16xi32>,
        %get3A_343 = arith.index_cast %scan3A_201 : i32 to index
        %get3A_344 = arith.constant 336 : index
        %get3A_345 = tpu.vector_load %arg13[%get3A_343, %get3A_344] {strides = array<i32>} : memref<32x512xi32, #tpu.memory_space<vmem>>, vector<16xi32>,
        %bitcast3A_346 = vector.bitcast %get3A_345 : vector<16xi32> to vector<32xbf16>
        %get3A_347 = arith.index_cast %scan3A_201 : i32 to index
        %get3A_348 = arith.constant 336 : index
        %get3A_349 = tpu.vector_load %arg14[%get3A_347, %get3A_348] {strides = array<i32>} : memref<32x512xi32, #tpu.memory_space<vmem>>, vector<16xi32>,
        %bitcast3A_350 = vector.bitcast %get3A_349 : vector<16xi32> to vector<32xbf16>
        %add3A_351 = arith.addf %bitcast3A_346, %bitcast3A_350 : vector<32xbf16>
        %bitcast3A_352 = vector.bitcast %add3A_351 : vector<32xbf16> to vector<16xi32>
        %swap3A_353 = arith.index_cast %scan3A_201 : i32 to index
        %swap3A_354 = arith.constant 336 : index
        %swap3A_355 = tpu.vector_load %arg13[%swap3A_353, %swap3A_354] {strides = array<i32>} : memref<32x512xi32, #tpu.memory_space<vmem>>, vector<16xi32>,
        tpu.vector_store %arg13[%swap3A_353, %swap3A_354], %bitcast3A_352 {strides = array<i32>} : memref<32x512xi32, #tpu.memory_space<vmem>>, vector<16xi32>,
        %get3A_356 = arith.index_cast %scan3A_201 : i32 to index
        %get3A_357 = arith.constant 96 : index
        %get3A_358 = tpu.vector_load %arg13[%get3A_356, %get3A_357] {strides = array<i32>} : memref<32x512xi32, #tpu.memory_space<vmem>>, vector<16xi32>,
        %bitcast3A_359 = vector.bitcast %get3A_358 : vector<16xi32> to vector<32xbf16>
        %get3A_360 = arith.index_cast %scan3A_201 : i32 to index
        %get3A_361 = arith.constant 96 : index
        %get3A_362 = tpu.vector_load %arg14[%get3A_360, %get3A_361] {strides = array<i32>} : memref<32x512xi32, #tpu.memory_space<vmem>>, vector<16xi32>,
        %bitcast3A_363 = vector.bitcast %get3A_362 : vector<16xi32> to vector<32xbf16>
        %mul3A_364 = arith.mulf %bitcast3A_359, %bitcast3A_363 : vector<32xbf16>
        %bitcast3A_365 = vector.bitcast %mul3A_364 : vector<32xbf16> to vector<16xi32>
        %swap3A_366 = arith.index_cast %scan3A_201 : i32 to index
        %swap3A_367 = arith.constant 96 : index
        %swap3A_368 = tpu.vector_load %arg13[%swap3A_366, %swap3A_367] {strides = array<i32>} : memref<32x512xi32, #tpu.memory_space<vmem>>, vector<16xi32>,
        tpu.vector_store %arg13[%swap3A_366, %swap3A_367], %bitcast3A_365 {strides = array<i32>} : memref<32x512xi32, #tpu.memory_space<vmem>>, vector<16xi32>,
        %get3A_369 = arith.index_cast %scan3A_201 : i32 to index
        %get3A_370 = arith.constant 352 : index
        %get3A_371 = tpu.vector_load %arg13[%get3A_369, %get3A_370] {strides = array<i32>} : memref<32x512xi32, #tpu.memory_space<vmem>>, vector<16xi32>,
        %bitcast3A_372 = vector.bitcast %get3A_371 : vector<16xi32> to vector<32xbf16>
        %get3A_373 = arith.index_cast %scan3A_201 : i32 to index
        %get3A_374 = arith.constant 352 : index
        %get3A_375 = tpu.vector_load %arg14[%get3A_373, %get3A_374] {strides = array<i32>} : memref<32x512xi32, #tpu.memory_space<vmem>>, vector<16xi32>,
        %bitcast3A_376 = vector.bitcast %get3A_375 : vector<16xi32> to vector<32xbf16>
        %add3A_377 = arith.addf %bitcast3A_372, %bitcast3A_376 : vector<32xbf16>
        %bitcast3A_378 = vector.bitcast %add3A_377 : vector<32xbf16> to vector<16xi32>
        %swap3A_379 = arith.index_cast %scan3A_201 : i32 to index
        %swap3A_380 = arith.constant 352 : index
        %swap3A_381 = tpu.vector_load %arg13[%swap3A_379, %swap3A_380] {strides = array<i32>} : memref<32x512xi32, #tpu.memory_space<vmem>>, vector<16xi32>,
        tpu.vector_store %arg13[%swap3A_379, %swap3A_380], %bitcast3A_378 {strides = array<i32>} : memref<32x512xi32, #tpu.memory_space<vmem>>, vector<16xi32>,
        %get3A_382 = arith.index_cast %scan3A_201 : i32 to index
        %get3A_383 = arith.constant 112 : index
        %get3A_384 = tpu.vector_load %arg13[%get3A_382, %get3A_383] {strides = array<i32>} : memref<32x512xi32, #tpu.memory_space<vmem>>, vector<16xi32>,
        %bitcast3A_385 = vector.bitcast %get3A_384 : vector<16xi32> to vector<32xbf16>
        %get3A_386 = arith.index_cast %scan3A_201 : i32 to index
        %get3A_387 = arith.constant 112 : index
        %get3A_388 = tpu.vector_load %arg14[%get3A_386, %get3A_387] {strides = array<i32>} : memref<32x512xi32, #tpu.memory_space<vmem>>, vector<16xi32>,
        %bitcast3A_389 = vector.bitcast %get3A_388 : vector<16xi32> to vector<32xbf16>
        %mul3A_390 = arith.mulf %bitcast3A_385, %bitcast3A_389 : vector<32xbf16>
        %bitcast3A_391 = vector.bitcast %mul3A_390 : vector<32xbf16> to vector<16xi32>
        %swap3A_392 = arith.index_cast %scan3A_201 : i32 to index
        %swap3A_393 = arith.constant 112 : index
        %swap3A_394 = tpu.vector_load %arg13[%swap3A_392, %swap3A_393] {strides = array<i32>} : memref<32x512xi32, #tpu.memory_space<vmem>>, vector<16xi32>,
        tpu.vector_store %arg13[%swap3A_392, %swap3A_393], %bitcast3A_391 {strides = array<i32>} : memref<32x512xi32, #tpu.memory_space<vmem>>, vector<16xi32>,
        %get3A_395 = arith.index_cast %scan3A_201 : i32 to index
        %get3A_396 = arith.constant 368 : index
        %get3A_397 = tpu.vector_load %arg13[%get3A_395, %get3A_396] {strides = array<i32>} : memref<32x512xi32, #tpu.memory_space<vmem>>, vector<16xi32>,
        %bitcast3A_398 = vector.bitcast %get3A_397 : vector<16xi32> to vector<32xbf16>
        %get3A_399 = arith.index_cast %scan3A_201 : i32 to index
        %get3A_400 = arith.constant 368 : index
        %get3A_401 = tpu.vector_load %arg14[%get3A_399, %get3A_400] {strides = array<i32>} : memref<32x512xi32, #tpu.memory_space<vmem>>, vector<16xi32>,
        %bitcast3A_402 = vector.bitcast %get3A_401 : vector<16xi32> to vector<32xbf16>
        %add3A_403 = arith.addf %bitcast3A_398, %bitcast3A_402 : vector<32xbf16>
        %bitcast3A_404 = vector.bitcast %add3A_403 : vector<32xbf16> to vector<16xi32>
        %swap3A_405 = arith.index_cast %scan3A_201 : i32 to index
        %swap3A_406 = arith.constant 368 : index
        %swap3A_407 = tpu.vector_load %arg13[%swap3A_405, %swap3A_406] {strides = array<i32>} : memref<32x512xi32, #tpu.memory_space<vmem>>, vector<16xi32>,
        tpu.vector_store %arg13[%swap3A_405, %swap3A_406], %bitcast3A_404 {strides = array<i32>} : memref<32x512xi32, #tpu.memory_space<vmem>>, vector<16xi32>,
        %get3A_408 = arith.index_cast %scan3A_201 : i32 to index
        %get3A_409 = arith.constant 128 : index
        %get3A_410 = tpu.vector_load %arg13[%get3A_408, %get3A_409] {strides = array<i32>} : memref<32x512xi32, #tpu.memory_space<vmem>>, vector<16xi32>,
        %bitcast3A_411 = vector.bitcast %get3A_410 : vector<16xi32> to vector<32xbf16>
        %get3A_412 = arith.index_cast %scan3A_201 : i32 to index
        %get3A_413 = arith.constant 128 : index
        %get3A_414 = tpu.vector_load %arg14[%get3A_412, %get3A_413] {strides = array<i32>} : memref<32x512xi32, #tpu.memory_space<vmem>>, vector<16xi32>,
        %bitcast3A_415 = vector.bitcast %get3A_414 : vector<16xi32> to vector<32xbf16>
        %mul3A_416 = arith.mulf %bitcast3A_411, %bitcast3A_415 : vector<32xbf16>
        %bitcast3A_417 = vector.bitcast %mul3A_416 : vector<32xbf16> to vector<16xi32>
        %swap3A_418 = arith.index_cast %scan3A_201 : i32 to index
        %swap3A_419 = arith.constant 128 : index
        %swap3A_420 = tpu.vector_load %arg13[%swap3A_418, %swap3A_419] {strides = array<i32>} : memref<32x512xi32, #tpu.memory_space<vmem>>, vector<16xi32>,
        tpu.vector_store %arg13[%swap3A_418, %swap3A_419], %bitcast3A_417 {strides = array<i32>} : memref<32x512xi32, #tpu.memory_space<vmem>>, vector<16xi32>,
        %get3A_421 = arith.index_cast %scan3A_201 : i32 to index
        %get3A_422 = arith.constant 384 : index
        %get3A_423 = tpu.vector_load %arg13[%get3A_421, %get3A_422] {strides = array<i32>} : memref<32x512xi32, #tpu.memory_space<vmem>>, vector<16xi32>,
        %bitcast3A_424 = vector.bitcast %get3A_423 : vector<16xi32> to vector<32xbf16>
        %get3A_425 = arith.index_cast %scan3A_201 : i32 to index
        %get3A_426 = arith.constant 384 : index
        %get3A_427 = tpu.vector_load %arg14[%get3A_425, %get3A_426] {strides = array<i32>} : memref<32x512xi32, #tpu.memory_space<vmem>>, vector<16xi32>,
        %bitcast3A_428 = vector.bitcast %get3A_427 : vector<16xi32> to vector<32xbf16>
        %add3A_429 = arith.addf %bitcast3A_424, %bitcast3A_428 : vector<32xbf16>
        %bitcast3A_430 = vector.bitcast %add3A_429 : vector<32xbf16> to vector<16xi32>
        %swap3A_431 = arith.index_cast %scan3A_201 : i32 to index
        %swap3A_432 = arith.constant 384 : index
        %swap3A_433 = tpu.vector_load %arg13[%swap3A_431, %swap3A_432] {strides = array<i32>} : memref<32x512xi32, #tpu.memory_space<vmem>>, vector<16xi32>,
        tpu.vector_store %arg13[%swap3A_431, %swap3A_432], %bitcast3A_430 {strides = array<i32>} : memref<32x512xi32, #tpu.memory_space<vmem>>, vector<16xi32>,
        %get3A_434 = arith.index_cast %scan3A_201 : i32 to index
        %get3A_435 = arith.constant 144 : index
        %get3A_436 = tpu.vector_load %arg13[%get3A_434, %get3A_435] {strides = array<i32>} : memref<32x512xi32, #tpu.memory_space<vmem>>, vector<16xi32>,
        %bitcast3A_437 = vector.bitcast %get3A_436 : vector<16xi32> to vector<32xbf16>
        %get3A_438 = arith.index_cast %scan3A_201 : i32 to index
        %get3A_439 = arith.constant 144 : index
        %get3A_440 = tpu.vector_load %arg14[%get3A_438, %get3A_439] {strides = array<i32>} : memref<32x512xi32, #tpu.memory_space<vmem>>, vector<16xi32>,
        %bitcast3A_441 = vector.bitcast %get3A_440 : vector<16xi32> to vector<32xbf16>
        %mul3A_442 = arith.mulf %bitcast3A_437, %bitcast3A_441 : vector<32xbf16>
        %bitcast3A_443 = vector.bitcast %mul3A_442 : vector<32xbf16> to vector<16xi32>
        %swap3A_444 = arith.index_cast %scan3A_201 : i32 to index
        %swap3A_445 = arith.constant 144 : index
        %swap3A_446 = tpu.vector_load %arg13[%swap3A_444, %swap3A_445] {strides = array<i32>} : memref<32x512xi32, #tpu.memory_space<vmem>>, vector<16xi32>,
        tpu.vector_store %arg13[%swap3A_444, %swap3A_445], %bitcast3A_443 {strides = array<i32>} : memref<32x512xi32, #tpu.memory_space<vmem>>, vector<16xi32>,
        %get3A_447 = arith.index_cast %scan3A_201 : i32 to index
        %get3A_448 = arith.constant 400 : index
        %get3A_449 = tpu.vector_load %arg13[%get3A_447, %get3A_448] {strides = array<i32>} : memref<32x512xi32, #tpu.memory_space<vmem>>, vector<16xi32>,
        %bitcast3A_450 = vector.bitcast %get3A_449 : vector<16xi32> to vector<32xbf16>
        %get3A_451 = arith.index_cast %scan3A_201 : i32 to index
        %get3A_452 = arith.constant 400 : index
        %get3A_453 = tpu.vector_load %arg14[%get3A_451, %get3A_452] {strides = array<i32>} : memref<32x512xi32, #tpu.memory_space<vmem>>, vector<16xi32>,
        %bitcast3A_454 = vector.bitcast %get3A_453 : vector<16xi32> to vector<32xbf16>
        %add3A_455 = arith.addf %bitcast3A_450, %bitcast3A_454 : vector<32xbf16>
        %bitcast3A_456 = vector.bitcast %add3A_455 : vector<32xbf16> to vector<16xi32>
        %swap3A_457 = arith.index_cast %scan3A_201 : i32 to index
        %swap3A_458 = arith.constant 400 : index
        %swap3A_459 = tpu.vector_load %arg13[%swap3A_457, %swap3A_458] {strides = array<i32>} : memref<32x512xi32, #tpu.memory_space<vmem>>, vector<16xi32>,
        tpu.vector_store %arg13[%swap3A_457, %swap3A_458], %bitcast3A_456 {strides = array<i32>} : memref<32x512xi32, #tpu.memory_space<vmem>>, vector<16xi32>,
        %get3A_460 = arith.index_cast %scan3A_201 : i32 to index
        %get3A_461 = arith.constant 160 : index
        %get3A_462 = tpu.vector_load %arg13[%get3A_460, %get3A_461] {strides = array<i32>} : memref<32x512xi32, #tpu.memory_space<vmem>>, vector<16xi32>,
        %bitcast3A_463 = vector.bitcast %get3A_462 : vector<16xi32> to vector<32xbf16>
        %get3A_464 = arith.index_cast %scan3A_201 : i32 to index
        %get3A_465 = arith.constant 160 : index
        %get3A_466 = tpu.vector_load %arg14[%get3A_464, %get3A_465] {strides = array<i32>} : memref<32x512xi32, #tpu.memory_space<vmem>>, vector<16xi32>,
        %bitcast3A_467 = vector.bitcast %get3A_466 : vector<16xi32> to vector<32xbf16>
        %mul3A_468 = arith.mulf %bitcast3A_463, %bitcast3A_467 : vector<32xbf16>
        %bitcast3A_469 = vector.bitcast %mul3A_468 : vector<32xbf16> to vector<16xi32>
        %swap3A_470 = arith.index_cast %scan3A_201 : i32 to index
        %swap3A_471 = arith.constant 160 : index
        %swap3A_472 = tpu.vector_load %arg13[%swap3A_470, %swap3A_471] {strides = array<i32>} : memref<32x512xi32, #tpu.memory_space<vmem>>, vector<16xi32>,
        tpu.vector_store %arg13[%swap3A_470, %swap3A_471], %bitcast3A_469 {strides = array<i32>} : memref<32x512xi32, #tpu.memory_space<vmem>>, vector<16xi32>,
        %get3A_473 = arith.index_cast %scan3A_201 : i32 to index
        %get3A_474 = arith.constant 416 : index
        %get3A_475 = tpu.vector_load %arg13[%get3A_473, %get3A_474] {strides = array<i32>} : memref<32x512xi32, #tpu.memory_space<vmem>>, vector<16xi32>,
        %bitcast3A_476 = vector.bitcast %get3A_475 : vector<16xi32> to vector<32xbf16>
        %get3A_477 = arith.index_cast %scan3A_201 : i32 to index
        %get3A_478 = arith.constant 416 : index
        %get3A_479 = tpu.vector_load %arg14[%get3A_477, %get3A_478] {strides = array<i32>} : memref<32x512xi32, #tpu.memory_space<vmem>>, vector<16xi32>,
        %bitcast3A_480 = vector.bitcast %get3A_479 : vector<16xi32> to vector<32xbf16>
        %add3A_481 = arith.addf %bitcast3A_476, %bitcast3A_480 : vector<32xbf16>
        %bitcast3A_482 = vector.bitcast %add3A_481 : vector<32xbf16> to vector<16xi32>
        %swap3A_483 = arith.index_cast %scan3A_201 : i32 to index
        %swap3A_484 = arith.constant 416 : index
        %swap3A_485 = tpu.vector_load %arg13[%swap3A_483, %swap3A_484] {strides = array<i32>} : memref<32x512xi32, #tpu.memory_space<vmem>>, vector<16xi32>,
        tpu.vector_store %arg13[%swap3A_483, %swap3A_484], %bitcast3A_482 {strides = array<i32>} : memref<32x512xi32, #tpu.memory_space<vmem>>, vector<16xi32>,
        %get3A_486 = arith.index_cast %scan3A_201 : i32 to index
        %get3A_487 = arith.constant 176 : index
        %get3A_488 = tpu.vector_load %arg13[%get3A_486, %get3A_487] {strides = array<i32>} : memref<32x512xi32, #tpu.memory_space<vmem>>, vector<16xi32>,
        %bitcast3A_489 = vector.bitcast %get3A_488 : vector<16xi32> to vector<32xbf16>
        %get3A_490 = arith.index_cast %scan3A_201 : i32 to index
        %get3A_491 = arith.constant 176 : index
        %get3A_492 = tpu.vector_load %arg14[%get3A_490, %get3A_491] {strides = array<i32>} : memref<32x512xi32, #tpu.memory_space<vmem>>, vector<16xi32>,
        %bitcast3A_493 = vector.bitcast %get3A_492 : vector<16xi32> to vector<32xbf16>
        %mul3A_494 = arith.mulf %bitcast3A_489, %bitcast3A_493 : vector<32xbf16>
        %bitcast3A_495 = vector.bitcast %mul3A_494 : vector<32xbf16> to vector<16xi32>
        %swap3A_496 = arith.index_cast %scan3A_201 : i32 to index
        %swap3A_497 = arith.constant 176 : index
        %swap3A_498 = tpu.vector_load %arg13[%swap3A_496, %swap3A_497] {strides = array<i32>} : memref<32x512xi32, #tpu.memory_space<vmem>>, vector<16xi32>,
        tpu.vector_store %arg13[%swap3A_496, %swap3A_497], %bitcast3A_495 {strides = array<i32>} : memref<32x512xi32, #tpu.memory_space<vmem>>, vector<16xi32>,
        %get3A_499 = arith.index_cast %scan3A_201 : i32 to index
        %get3A_500 = arith.constant 432 : index
        %get3A_501 = tpu.vector_load %arg13[%get3A_499, %get3A_500] {strides = array<i32>} : memref<32x512xi32, #tpu.memory_space<vmem>>, vector<16xi32>,
        %bitcast3A_502 = vector.bitcast %get3A_501 : vector<16xi32> to vector<32xbf16>
        %get3A_503 = arith.index_cast %scan3A_201 : i32 to index
        %get3A_504 = arith.constant 432 : index
        %get3A_505 = tpu.vector_load %arg14[%get3A_503, %get3A_504] {strides = array<i32>} : memref<32x512xi32, #tpu.memory_space<vmem>>, vector<16xi32>,
        %bitcast3A_506 = vector.bitcast %get3A_505 : vector<16xi32> to vector<32xbf16>
        %add3A_507 = arith.addf %bitcast3A_502, %bitcast3A_506 : vector<32xbf16>
        %bitcast3A_508 = vector.bitcast %add3A_507 : vector<32xbf16> to vector<16xi32>
        %swap3A_509 = arith.index_cast %scan3A_201 : i32 to index
        %swap3A_510 = arith.constant 432 : index
        %swap3A_511 = tpu.vector_load %arg13[%swap3A_509, %swap3A_510] {strides = array<i32>} : memref<32x512xi32, #tpu.memory_space<vmem>>, vector<16xi32>,
        tpu.vector_store %arg13[%swap3A_509, %swap3A_510], %bitcast3A_508 {strides = array<i32>} : memref<32x512xi32, #tpu.memory_space<vmem>>, vector<16xi32>,
        %get3A_512 = arith.index_cast %scan3A_201 : i32 to index
        %get3A_513 = arith.constant 192 : index
        %get3A_514 = tpu.vector_load %arg13[%get3A_512, %get3A_513] {strides = array<i32>} : memref<32x512xi32, #tpu.memory_space<vmem>>, vector<16xi32>,
        %bitcast3A_515 = vector.bitcast %get3A_514 : vector<16xi32> to vector<32xbf16>
        %get3A_516 = arith.index_cast %scan3A_201 : i32 to index
        %get3A_517 = arith.constant 192 : index
        %get3A_518 = tpu.vector_load %arg14[%get3A_516, %get3A_517] {strides = array<i32>} : memref<32x512xi32, #tpu.memory_space<vmem>>, vector<16xi32>,
        %bitcast3A_519 = vector.bitcast %get3A_518 : vector<16xi32> to vector<32xbf16>
        %mul3A_520 = arith.mulf %bitcast3A_515, %bitcast3A_519 : vector<32xbf16>
        %bitcast3A_521 = vector.bitcast %mul3A_520 : vector<32xbf16> to vector<16xi32>
        %swap3A_522 = arith.index_cast %scan3A_201 : i32 to index
        %swap3A_523 = arith.constant 192 : index
        %swap3A_524 = tpu.vector_load %arg13[%swap3A_522, %swap3A_523] {strides = array<i32>} : memref<32x512xi32, #tpu.memory_space<vmem>>, vector<16xi32>,
        tpu.vector_store %arg13[%swap3A_522, %swap3A_523], %bitcast3A_521 {strides = array<i32>} : memref<32x512xi32, #tpu.memory_space<vmem>>, vector<16xi32>,
        %get3A_525 = arith.index_cast %scan3A_201 : i32 to index
        %get3A_526 = arith.constant 448 : index
        %get3A_527 = tpu.vector_load %arg13[%get3A_525, %get3A_526] {strides = array<i32>} : memref<32x512xi32, #tpu.memory_space<vmem>>, vector<16xi32>,
        %bitcast3A_528 = vector.bitcast %get3A_527 : vector<16xi32> to vector<32xbf16>
        %get3A_529 = arith.index_cast %scan3A_201 : i32 to index
        %get3A_530 = arith.constant 448 : index
        %get3A_531 = tpu.vector_load %arg14[%get3A_529, %get3A_530] {strides = array<i32>} : memref<32x512xi32, #tpu.memory_space<vmem>>, vector<16xi32>,
        %bitcast3A_532 = vector.bitcast %get3A_531 : vector<16xi32> to vector<32xbf16>
        %add3A_533 = arith.addf %bitcast3A_528, %bitcast3A_532 : vector<32xbf16>
        %bitcast3A_534 = vector.bitcast %add3A_533 : vector<32xbf16> to vector<16xi32>
        %swap3A_535 = arith.index_cast %scan3A_201 : i32 to index
        %swap3A_536 = arith.constant 448 : index
        %swap3A_537 = tpu.vector_load %arg13[%swap3A_535, %swap3A_536] {strides = array<i32>} : memref<32x512xi32, #tpu.memory_space<vmem>>, vector<16xi32>,
        tpu.vector_store %arg13[%swap3A_535, %swap3A_536], %bitcast3A_534 {strides = array<i32>} : memref<32x512xi32, #tpu.memory_space<vmem>>, vector<16xi32>,
        %get3A_538 = arith.index_cast %scan3A_201 : i32 to index
        %get3A_539 = arith.constant 208 : index
        %get3A_540 = tpu.vector_load %arg13[%get3A_538, %get3A_539] {strides = array<i32>} : memref<32x512xi32, #tpu.memory_space<vmem>>, vector<16xi32>,
        %bitcast3A_541 = vector.bitcast %get3A_540 : vector<16xi32> to vector<32xbf16>
        %get3A_542 = arith.index_cast %scan3A_201 : i32 to index
        %get3A_543 = arith.constant 208 : index
        %get3A_544 = tpu.vector_load %arg14[%get3A_542, %get3A_543] {strides = array<i32>} : memref<32x512xi32, #tpu.memory_space<vmem>>, vector<16xi32>,
        %bitcast3A_545 = vector.bitcast %get3A_544 : vector<16xi32> to vector<32xbf16>
        %mul3A_546 = arith.mulf %bitcast3A_541, %bitcast3A_545 : vector<32xbf16>
        %bitcast3A_547 = vector.bitcast %mul3A_546 : vector<32xbf16> to vector<16xi32>
        %swap3A_548 = arith.index_cast %scan3A_201 : i32 to index
        %swap3A_549 = arith.constant 208 : index
        %swap3A_550 = tpu.vector_load %arg13[%swap3A_548, %swap3A_549] {strides = array<i32>} : memref<32x512xi32, #tpu.memory_space<vmem>>, vector<16xi32>,
        tpu.vector_store %arg13[%swap3A_548, %swap3A_549], %bitcast3A_547 {strides = array<i32>} : memref<32x512xi32, #tpu.memory_space<vmem>>, vector<16xi32>,
        %get3A_551 = arith.index_cast %scan3A_201 : i32 to index
        %get3A_552 = arith.constant 464 : index
        %get3A_553 = tpu.vector_load %arg13[%get3A_551, %get3A_552] {strides = array<i32>} : memref<32x512xi32, #tpu.memory_space<vmem>>, vector<16xi32>,
        %bitcast3A_554 = vector.bitcast %get3A_553 : vector<16xi32> to vector<32xbf16>
        %get3A_555 = arith.index_cast %scan3A_201 : i32 to index
        %get3A_556 = arith.constant 464 : index
        %get3A_557 = tpu.vector_load %arg14[%get3A_555, %get3A_556] {strides = array<i32>} : memref<32x512xi32, #tpu.memory_space<vmem>>, vector<16xi32>,
        %bitcast3A_558 = vector.bitcast %get3A_557 : vector<16xi32> to vector<32xbf16>
        %add3A_559 = arith.addf %bitcast3A_554, %bitcast3A_558 : vector<32xbf16>
        %bitcast3A_560 = vector.bitcast %add3A_559 : vector<32xbf16> to vector<16xi32>
        %swap3A_561 = arith.index_cast %scan3A_201 : i32 to index
        %swap3A_562 = arith.constant 464 : index
        %swap3A_563 = tpu.vector_load %arg13[%swap3A_561, %swap3A_562] {strides = array<i32>} : memref<32x512xi32, #tpu.memory_space<vmem>>, vector<16xi32>,
        tpu.vector_store %arg13[%swap3A_561, %swap3A_562], %bitcast3A_560 {strides = array<i32>} : memref<32x512xi32, #tpu.memory_space<vmem>>, vector<16xi32>,
        %get3A_564 = arith.index_cast %scan3A_201 : i32 to index
        %get3A_565 = arith.constant 224 : index
        %get3A_566 = tpu.vector_load %arg13[%get3A_564, %get3A_565] {strides = array<i32>} : memref<32x512xi32, #tpu.memory_space<vmem>>, vector<16xi32>,
        %bitcast3A_567 = vector.bitcast %get3A_566 : vector<16xi32> to vector<32xbf16>
        %get3A_568 = arith.index_cast %scan3A_201 : i32 to index
        %get3A_569 = arith.constant 224 : index
        %get3A_570 = tpu.vector_load %arg14[%get3A_568, %get3A_569] {strides = array<i32>} : memref<32x512xi32, #tpu.memory_space<vmem>>, vector<16xi32>,
        %bitcast3A_571 = vector.bitcast %get3A_570 : vector<16xi32> to vector<32xbf16>
        %mul3A_572 = arith.mulf %bitcast3A_567, %bitcast3A_571 : vector<32xbf16>
        %bitcast3A_573 = vector.bitcast %mul3A_572 : vector<32xbf16> to vector<16xi32>
        %swap3A_574 = arith.index_cast %scan3A_201 : i32 to index
        %swap3A_575 = arith.constant 224 : index
        %swap3A_576 = tpu.vector_load %arg13[%swap3A_574, %swap3A_575] {strides = array<i32>} : memref<32x512xi32, #tpu.memory_space<vmem>>, vector<16xi32>,
        tpu.vector_store %arg13[%swap3A_574, %swap3A_575], %bitcast3A_573 {strides = array<i32>} : memref<32x512xi32, #tpu.memory_space<vmem>>, vector<16xi32>,
        %get3A_577 = arith.index_cast %scan3A_201 : i32 to index
        %get3A_578 = arith.constant 480 : index
        %get3A_579 = tpu.vector_load %arg13[%get3A_577, %get3A_578] {strides = array<i32>} : memref<32x512xi32, #tpu.memory_space<vmem>>, vector<16xi32>,
        %bitcast3A_580 = vector.bitcast %get3A_579 : vector<16xi32> to vector<32xbf16>
        %get3A_581 = arith.index_cast %scan3A_201 : i32 to index
        %get3A_582 = arith.constant 480 : index
        %get3A_583 = tpu.vector_load %arg14[%get3A_581, %get3A_582] {strides = array<i32>} : memref<32x512xi32, #tpu.memory_space<vmem>>, vector<16xi32>,
        %bitcast3A_584 = vector.bitcast %get3A_583 : vector<16xi32> to vector<32xbf16>
        %add3A_585 = arith.addf %bitcast3A_580, %bitcast3A_584 : vector<32xbf16>
        %bitcast3A_586 = vector.bitcast %add3A_585 : vector<32xbf16> to vector<16xi32>
        %swap3A_587 = arith.index_cast %scan3A_201 : i32 to index
        %swap3A_588 = arith.constant 480 : index
        %swap3A_589 = tpu.vector_load %arg13[%swap3A_587, %swap3A_588] {strides = array<i32>} : memref<32x512xi32, #tpu.memory_space<vmem>>, vector<16xi32>,
        tpu.vector_store %arg13[%swap3A_587, %swap3A_588], %bitcast3A_586 {strides = array<i32>} : memref<32x512xi32, #tpu.memory_space<vmem>>, vector<16xi32>,
        %get3A_590 = arith.index_cast %scan3A_201 : i32 to index
        %get3A_591 = arith.constant 240 : index
        %get3A_592 = tpu.vector_load %arg13[%get3A_590, %get3A_591] {strides = array<i32>} : memref<32x512xi32, #tpu.memory_space<vmem>>, vector<16xi32>,
        %bitcast3A_593 = vector.bitcast %get3A_592 : vector<16xi32> to vector<32xbf16>
        %get3A_594 = arith.index_cast %scan3A_201 : i32 to index
        %get3A_595 = arith.constant 240 : index
        %get3A_596 = tpu.vector_load %arg14[%get3A_594, %get3A_595] {strides = array<i32>} : memref<32x512xi32, #tpu.memory_space<vmem>>, vector<16xi32>,
        %bitcast3A_597 = vector.bitcast %get3A_596 : vector<16xi32> to vector<32xbf16>
        %mul3A_598 = arith.mulf %bitcast3A_593, %bitcast3A_597 : vector<32xbf16>
        %bitcast3A_599 = vector.bitcast %mul3A_598 : vector<32xbf16> to vector<16xi32>
        %swap3A_600 = arith.index_cast %scan3A_201 : i32 to index
        %swap3A_601 = arith.constant 240 : index
        %swap3A_602 = tpu.vector_load %arg13[%swap3A_600, %swap3A_601] {strides = array<i32>} : memref<32x512xi32, #tpu.memory_space<vmem>>, vector<16xi32>,
        tpu.vector_store %arg13[%swap3A_600, %swap3A_601], %bitcast3A_599 {strides = array<i32>} : memref<32x512xi32, #tpu.memory_space<vmem>>, vector<16xi32>,
        %get3A_603 = arith.index_cast %scan3A_201 : i32 to index
        %get3A_604 = arith.constant 496 : index
        %get3A_605 = tpu.vector_load %arg13[%get3A_603, %get3A_604] {strides = array<i32>} : memref<32x512xi32, #tpu.memory_space<vmem>>, vector<16xi32>,
        %bitcast3A_606 = vector.bitcast %get3A_605 : vector<16xi32> to vector<32xbf16>
        %get3A_607 = arith.index_cast %scan3A_201 : i32 to index
        %get3A_608 = arith.constant 496 : index
        %get3A_609 = tpu.vector_load %arg14[%get3A_607, %get3A_608] {strides = array<i32>} : memref<32x512xi32, #tpu.memory_space<vmem>>, vector<16xi32>,
        %bitcast3A_610 = vector.bitcast %get3A_609 : vector<16xi32> to vector<32xbf16>
        %add3A_611 = arith.addf %bitcast3A_606, %bitcast3A_610 : vector<32xbf16>
        %bitcast3A_612 = vector.bitcast %add3A_611 : vector<32xbf16> to vector<16xi32>
        %swap3A_613 = arith.index_cast %scan3A_201 : i32 to index
        %swap3A_614 = arith.constant 496 : index
        %swap3A_615 = tpu.vector_load %arg13[%swap3A_613, %swap3A_614] {strides = array<i32>} : memref<32x512xi32, #tpu.memory_space<vmem>>, vector<16xi32>,
        tpu.vector_store %arg13[%swap3A_613, %swap3A_614], %bitcast3A_612 {strides = array<i32>} : memref<32x512xi32, #tpu.memory_space<vmem>>, vector<16xi32>,
      }
      %scan3A_154 = arith.constant 32 : i32
      %dma_start3A_155 = arith.constant 0 : i32
      %dma_start3A_156 = tpu.memref_slice %arg7[%add3A_54, %dma_start3A_155] : memref<65536x512xi32, #tpu.memory_space<hbm>> -> memref<32x512xi32, #tpu.memory_space<hbm>>
      %dma_start3A_157 = arith.constant 0 : i32
      %dma_start3A_158 = tpu.memref_slice %arg7[%add3A_54, %dma_start3A_157] : memref<65536x512xi32, #tpu.memory_space<hbm>> -> memref<32x512xi32, #tpu.memory_space<hbm>>
      tpu.enqueue_dma source(%arg13 : memref<32x512xi32, #tpu.memory_space<vmem>>) target(%dma_start3A_158 : memref<32x512xi32, #tpu.memory_space<hbm>>) target_semaphore(%arg19 : memref<!tpu.dma_semaphore, #tpu.memory_space<semaphore_mem>>)
      %dma_wait3A_159 = arith.constant 0 : i32
      %dma_wait3A_160 = tpu.memref_slice %arg7[%add3A_54, %dma_wait3A_159] : memref<65536x512xi32, #tpu.memory_space<hbm>> -> memref<32x512xi32, #tpu.memory_space<hbm>>
      %dma_wait3A_161 = arith.constant 0 : i32
      %dma_wait3A_162 = tpu.memref_slice %arg7[%add3A_54, %dma_wait3A_161] : memref<65536x512xi32, #tpu.memory_space<hbm>> -> memref<32x512xi32, #tpu.memory_space<hbm>>
      tpu.wait_dma2 semaphore(%arg19 : memref<!tpu.dma_semaphore, #tpu.memory_space<semaphore_mem>>) src(%arg13 : memref<32x512xi32, #tpu.memory_space<vmem>>) dst(%dma_wait3A_162 : memref<32x512xi32, #tpu.memory_space<hbm>>)
      %lt3A = arith.constant 31 : i32
      %lt3A_163 = arith.cmpi slt, %scan3A_49, %lt3A : i32
      %convert_element_type3A_164 = arith.extui %lt3A_163 : i1 to i32
      %cond3A_165 = arith.constant 0 : i32
      %cond3A_166 = arith.cmpi ne, %convert_element_type3A_164, %cond3A_165 : i32
      scf.if %cond3A_166 {
        %add3A_201 = arith.constant 2 : i32
        %add3A_202 = arith.addi %mul3A_51, %add3A_201 : i32
        %mul3A_203 = arith.constant 32 : i32
        %mul3A_204 = arith.muli %add3A_202, %mul3A_203 : i32
        %add3A_205 = arith.constant 0 : i32
        %add3A_206 = arith.addi %mul3A_204, %add3A_205 : i32
        %get3A_207 = arith.index_cast %add3A_206 : i32 to index
        %get3A_208 = tpu.vector_load %arg9[%get3A_207] {strides = array<i32>} : memref<2048xi32, #tpu.memory_space<vmem>>, vector<16xi32>,
        %dma_start3A_209 = arith.constant 0 : i32
        %dma_start3A_210 = arith.constant 0 : i32
        %dma_start3A_211 = tpu.memref_slice %arg13[%dma_start3A_209, %dma_start3A_210] : memref<32x512xi32, #tpu.memory_space<vmem>> -> memref<16x512xi32, #tpu.memory_space<vmem>>
        %dma_start3A_212 = arith.constant 0 : i32
        %dma_start3A_213 = arith.constant 0 : i32
        %dma_start3A_214 = tpu.memref_slice %arg2[%dma_start3A_212, %dma_start3A_213] : memref<8192x512xi32, #tpu.memory_space<hbm>> -> memref<8192x512xi32, #tpu.memory_space<hbm>>
        tpu.enqueue_indirect_dma source(%dma_start3A_214 : memref<8192x512xi32, #tpu.memory_space<hbm>>) target(%dma_start3A_211 : memref<16x512xi32, #tpu.memory_space<vmem>>) offsets(%get3A_208 : vector<16xi32>) semaphore(%arg17 : memref<!tpu.dma_semaphore, #tpu.memory_space<semaphore_mem>>)
        %get3A_215 = arith.index_cast %add3A_206 : i32 to index
        %get3A_216 = tpu.vector_load %arg10[%get3A_215] {strides = array<i32>} : memref<2048xi32, #tpu.memory_space<vmem>>, vector<16xi32>,
        %dma_start3A_217 = arith.constant 0 : i32
        %dma_start3A_218 = arith.constant 0 : i32
        %dma_start3A_219 = tpu.memref_slice %arg14[%dma_start3A_217, %dma_start3A_218] : memref<32x512xi32, #tpu.memory_space<vmem>> -> memref<16x512xi32, #tpu.memory_space<vmem>>
        %dma_start3A_220 = arith.constant 0 : i32
        %dma_start3A_221 = arith.constant 0 : i32
        %dma_start3A_222 = tpu.memref_slice %arg3[%dma_start3A_220, %dma_start3A_221] : memref<8192x512xi32, #tpu.memory_space<hbm>> -> memref<8192x512xi32, #tpu.memory_space<hbm>>
        tpu.enqueue_indirect_dma source(%dma_start3A_222 : memref<8192x512xi32, #tpu.memory_space<hbm>>) target(%dma_start3A_219 : memref<16x512xi32, #tpu.memory_space<vmem>>) offsets(%get3A_216 : vector<16xi32>) semaphore(%arg17 : memref<!tpu.dma_semaphore, #tpu.memory_space<semaphore_mem>>)
        %mul3A_223 = arith.constant 32 : i32
        %mul3A_224 = arith.muli %add3A_202, %mul3A_223 : i32
        %add3A_225 = arith.constant 16 : i32
        %add3A_226 = arith.addi %mul3A_224, %add3A_225 : i32
        %get3A_227 = arith.index_cast %add3A_226 : i32 to index
        %get3A_228 = tpu.vector_load %arg9[%get3A_227] {strides = array<i32>} : memref<2048xi32, #tpu.memory_space<vmem>>, vector<16xi32>,
        %dma_start3A_229 = arith.constant 16 : i32
        %dma_start3A_230 = arith.constant 0 : i32
        %dma_start3A_231 = tpu.memref_slice %arg13[%dma_start3A_229, %dma_start3A_230] : memref<32x512xi32, #tpu.memory_space<vmem>> -> memref<16x512xi32, #tpu.memory_space<vmem>>
        %dma_start3A_232 = arith.constant 0 : i32
        %dma_start3A_233 = arith.constant 0 : i32
        %dma_start3A_234 = tpu.memref_slice %arg2[%dma_start3A_232, %dma_start3A_233] : memref<8192x512xi32, #tpu.memory_space<hbm>> -> memref<8192x512xi32, #tpu.memory_space<hbm>>
        tpu.enqueue_indirect_dma source(%dma_start3A_234 : memref<8192x512xi32, #tpu.memory_space<hbm>>) target(%dma_start3A_231 : memref<16x512xi32, #tpu.memory_space<vmem>>) offsets(%get3A_228 : vector<16xi32>) semaphore(%arg17 : memref<!tpu.dma_semaphore, #tpu.memory_space<semaphore_mem>>)
        %get3A_235 = arith.index_cast %add3A_226 : i32 to index
        %get3A_236 = tpu.vector_load %arg10[%get3A_235] {strides = array<i32>} : memref<2048xi32, #tpu.memory_space<vmem>>, vector<16xi32>,
        %dma_start3A_237 = arith.constant 16 : i32
        %dma_start3A_238 = arith.constant 0 : i32
        %dma_start3A_239 = tpu.memref_slice %arg14[%dma_start3A_237, %dma_start3A_238] : memref<32x512xi32, #tpu.memory_space<vmem>> -> memref<16x512xi32, #tpu.memory_space<vmem>>
        %dma_start3A_240 = arith.constant 0 : i32
        %dma_start3A_241 = arith.constant 0 : i32
        %dma_start3A_242 = tpu.memref_slice %arg3[%dma_start3A_240, %dma_start3A_241] : memref<8192x512xi32, #tpu.memory_space<hbm>> -> memref<8192x512xi32, #tpu.memory_space<hbm>>
        tpu.enqueue_indirect_dma source(%dma_start3A_242 : memref<8192x512xi32, #tpu.memory_space<hbm>>) target(%dma_start3A_239 : memref<16x512xi32, #tpu.memory_space<vmem>>) offsets(%get3A_236 : vector<16xi32>) semaphore(%arg17 : memref<!tpu.dma_semaphore, #tpu.memory_space<semaphore_mem>>)
      } else {
      }
      %dma_wait3A_167 = arith.constant 0 : i32
      %dma_wait3A_168 = arith.constant 0 : i32
      %dma_wait3A_169 = tpu.memref_slice %arg15[%dma_wait3A_167, %dma_wait3A_168] : memref<32x512xi32, #tpu.memory_space<vmem>> -> memref<16x512xi32, #tpu.memory_space<vmem>>
      %dma_wait3A_170 = arith.constant 0 : i32
      %dma_wait3A_171 = arith.constant 0 : i32
      %dma_wait3A_172 = tpu.memref_slice %arg2[%dma_wait3A_170, %dma_wait3A_171] : memref<8192x512xi32, #tpu.memory_space<hbm>> -> memref<8192x512xi32, #tpu.memory_space<hbm>>
      tpu.wait_indirect_dma semaphore(%arg18 : memref<!tpu.dma_semaphore, #tpu.memory_space<semaphore_mem>>) src(%dma_wait3A_172 : memref<8192x512xi32, #tpu.memory_space<hbm>>) dst(%dma_wait3A_169 : memref<16x512xi32, #tpu.memory_space<vmem>>)
      %dma_wait3A_173 = arith.constant 0 : i32
      %dma_wait3A_174 = arith.constant 0 : i32
      %dma_wait3A_175 = tpu.memref_slice %arg16[%dma_wait3A_173, %dma_wait3A_174] : memref<32x512xi32, #tpu.memory_space<vmem>> -> memref<16x512xi32, #tpu.memory_space<vmem>>
      %dma_wait3A_176 = arith.constant 0 : i32
      %dma_wait3A_177 = arith.constant 0 : i32
      %dma_wait3A_178 = tpu.memref_slice %arg3[%dma_wait3A_176, %dma_wait3A_177] : memref<8192x512xi32, #tpu.memory_space<hbm>> -> memref<8192x512xi32, #tpu.memory_space<hbm>>
      tpu.wait_indirect_dma semaphore(%arg18 : memref<!tpu.dma_semaphore, #tpu.memory_space<semaphore_mem>>) src(%dma_wait3A_178 : memref<8192x512xi32, #tpu.memory_space<hbm>>) dst(%dma_wait3A_175 : memref<16x512xi32, #tpu.memory_space<vmem>>)
      %dma_wait3A_179 = arith.constant 16 : i32
      %dma_wait3A_180 = arith.constant 0 : i32
      %dma_wait3A_181 = tpu.memref_slice %arg15[%dma_wait3A_179, %dma_wait3A_180] : memref<32x512xi32, #tpu.memory_space<vmem>> -> memref<16x512xi32, #tpu.memory_space<vmem>>
      %dma_wait3A_182 = arith.constant 0 : i32
      %dma_wait3A_183 = arith.constant 0 : i32
      %dma_wait3A_184 = tpu.memref_slice %arg2[%dma_wait3A_182, %dma_wait3A_183] : memref<8192x512xi32, #tpu.memory_space<hbm>> -> memref<8192x512xi32, #tpu.memory_space<hbm>>
      tpu.wait_indirect_dma semaphore(%arg18 : memref<!tpu.dma_semaphore, #tpu.memory_space<semaphore_mem>>) src(%dma_wait3A_184 : memref<8192x512xi32, #tpu.memory_space<hbm>>) dst(%dma_wait3A_181 : memref<16x512xi32, #tpu.memory_space<vmem>>)
      %dma_wait3A_185 = arith.constant 16 : i32
      %dma_wait3A_186 = arith.constant 0 : i32
      %dma_wait3A_187 = tpu.memref_slice %arg16[%dma_wait3A_185, %dma_wait3A_186] : memref<32x512xi32, #tpu.memory_space<vmem>> -> memref<16x512xi32, #tpu.memory_space<vmem>>
      %dma_wait3A_188 = arith.constant 0 : i32
      %dma_wait3A_189 = arith.constant 0 : i32
      %dma_wait3A_190 = tpu.memref_slice %arg3[%dma_wait3A_188, %dma_wait3A_189] : memref<8192x512xi32, #tpu.memory_space<hbm>> -> memref<8192x512xi32, #tpu.memory_space<hbm>>
      tpu.wait_indirect_dma semaphore(%arg18 : memref<!tpu.dma_semaphore, #tpu.memory_space<semaphore_mem>>) src(%dma_wait3A_190 : memref<8192x512xi32, #tpu.memory_space<hbm>>) dst(%dma_wait3A_187 : memref<16x512xi32, #tpu.memory_space<vmem>>)
      %scan3A_191 = arith.constant 0 : i32
      %scan3A_192 = arith.constant 0 : i32
      %scan3A_193 = arith.constant 32 : i32
      %scan3A_194 = arith.addi %scan3A_192, %scan3A_193 : i32
      %scan3A_195 = arith.constant 1 : i32
      scf.for %scan3A_201 = %scan3A_192 to %scan3A_194 step %scan3A_195  : i32 {
        %get3A_202 = arith.index_cast %scan3A_201 : i32 to index
        %get3A_203 = arith.constant 0 : index
        %get3A_204 = tpu.vector_load %arg15[%get3A_202, %get3A_203] {strides = array<i32>} : memref<32x512xi32, #tpu.memory_space<vmem>>, vector<16xi32>,
        %bitcast3A = vector.bitcast %get3A_204 : vector<16xi32> to vector<32xbf16>
        %get3A_205 = arith.index_cast %scan3A_201 : i32 to index
        %get3A_206 = arith.constant 0 : index
        %get3A_207 = tpu.vector_load %arg16[%get3A_205, %get3A_206] {strides = array<i32>} : memref<32x512xi32, #tpu.memory_space<vmem>>, vector<16xi32>,
        %bitcast3A_208 = vector.bitcast %get3A_207 : vector<16xi32> to vector<32xbf16>
        %mul3A_209 = arith.mulf %bitcast3A, %bitcast3A_208 : vector<32xbf16>
        %bitcast3A_210 = vector.bitcast %mul3A_209 : vector<32xbf16> to vector<16xi32>
        %swap3A = arith.index_cast %scan3A_201 : i32 to index
        %swap3A_211 = arith.constant 0 : index
        %swap3A_212 = tpu.vector_load %arg15[%swap3A, %swap3A_211] {strides = array<i32>} : memref<32x512xi32, #tpu.memory_space<vmem>>, vector<16xi32>,
        tpu.vector_store %arg15[%swap3A, %swap3A_211], %bitcast3A_210 {strides = array<i32>} : memref<32x512xi32, #tpu.memory_space<vmem>>, vector<16xi32>,
        %get3A_213 = arith.index_cast %scan3A_201 : i32 to index
        %get3A_214 = arith.constant 256 : index
        %get3A_215 = tpu.vector_load %arg15[%get3A_213, %get3A_214] {strides = array<i32>} : memref<32x512xi32, #tpu.memory_space<vmem>>, vector<16xi32>,
        %bitcast3A_216 = vector.bitcast %get3A_215 : vector<16xi32> to vector<32xbf16>
        %get3A_217 = arith.index_cast %scan3A_201 : i32 to index
        %get3A_218 = arith.constant 256 : index
        %get3A_219 = tpu.vector_load %arg16[%get3A_217, %get3A_218] {strides = array<i32>} : memref<32x512xi32, #tpu.memory_space<vmem>>, vector<16xi32>,
        %bitcast3A_220 = vector.bitcast %get3A_219 : vector<16xi32> to vector<32xbf16>
        %add3A_221 = arith.addf %bitcast3A_216, %bitcast3A_220 : vector<32xbf16>
        %bitcast3A_222 = vector.bitcast %add3A_221 : vector<32xbf16> to vector<16xi32>
        %swap3A_223 = arith.index_cast %scan3A_201 : i32 to index
        %swap3A_224 = arith.constant 256 : index
        %swap3A_225 = tpu.vector_load %arg15[%swap3A_223, %swap3A_224] {strides = array<i32>} : memref<32x512xi32, #tpu.memory_space<vmem>>, vector<16xi32>,
        tpu.vector_store %arg15[%swap3A_223, %swap3A_224], %bitcast3A_222 {strides = array<i32>} : memref<32x512xi32, #tpu.memory_space<vmem>>, vector<16xi32>,
        %get3A_226 = arith.index_cast %scan3A_201 : i32 to index
        %get3A_227 = arith.constant 16 : index
        %get3A_228 = tpu.vector_load %arg15[%get3A_226, %get3A_227] {strides = array<i32>} : memref<32x512xi32, #tpu.memory_space<vmem>>, vector<16xi32>,
        %bitcast3A_229 = vector.bitcast %get3A_228 : vector<16xi32> to vector<32xbf16>
        %get3A_230 = arith.index_cast %scan3A_201 : i32 to index
        %get3A_231 = arith.constant 16 : index
        %get3A_232 = tpu.vector_load %arg16[%get3A_230, %get3A_231] {strides = array<i32>} : memref<32x512xi32, #tpu.memory_space<vmem>>, vector<16xi32>,
        %bitcast3A_233 = vector.bitcast %get3A_232 : vector<16xi32> to vector<32xbf16>
        %mul3A_234 = arith.mulf %bitcast3A_229, %bitcast3A_233 : vector<32xbf16>
        %bitcast3A_235 = vector.bitcast %mul3A_234 : vector<32xbf16> to vector<16xi32>
        %swap3A_236 = arith.index_cast %scan3A_201 : i32 to index
        %swap3A_237 = arith.constant 16 : index
        %swap3A_238 = tpu.vector_load %arg15[%swap3A_236, %swap3A_237] {strides = array<i32>} : memref<32x512xi32, #tpu.memory_space<vmem>>, vector<16xi32>,
        tpu.vector_store %arg15[%swap3A_236, %swap3A_237], %bitcast3A_235 {strides = array<i32>} : memref<32x512xi32, #tpu.memory_space<vmem>>, vector<16xi32>,
        %get3A_239 = arith.index_cast %scan3A_201 : i32 to index
        %get3A_240 = arith.constant 272 : index
        %get3A_241 = tpu.vector_load %arg15[%get3A_239, %get3A_240] {strides = array<i32>} : memref<32x512xi32, #tpu.memory_space<vmem>>, vector<16xi32>,
        %bitcast3A_242 = vector.bitcast %get3A_241 : vector<16xi32> to vector<32xbf16>
        %get3A_243 = arith.index_cast %scan3A_201 : i32 to index
        %get3A_244 = arith.constant 272 : index
        %get3A_245 = tpu.vector_load %arg16[%get3A_243, %get3A_244] {strides = array<i32>} : memref<32x512xi32, #tpu.memory_space<vmem>>, vector<16xi32>,
        %bitcast3A_246 = vector.bitcast %get3A_245 : vector<16xi32> to vector<32xbf16>
        %add3A_247 = arith.addf %bitcast3A_242, %bitcast3A_246 : vector<32xbf16>
        %bitcast3A_248 = vector.bitcast %add3A_247 : vector<32xbf16> to vector<16xi32>
        %swap3A_249 = arith.index_cast %scan3A_201 : i32 to index
        %swap3A_250 = arith.constant 272 : index
        %swap3A_251 = tpu.vector_load %arg15[%swap3A_249, %swap3A_250] {strides = array<i32>} : memref<32x512xi32, #tpu.memory_space<vmem>>, vector<16xi32>,
        tpu.vector_store %arg15[%swap3A_249, %swap3A_250], %bitcast3A_248 {strides = array<i32>} : memref<32x512xi32, #tpu.memory_space<vmem>>, vector<16xi32>,
        %get3A_252 = arith.index_cast %scan3A_201 : i32 to index
        %get3A_253 = arith.constant 32 : index
        %get3A_254 = tpu.vector_load %arg15[%get3A_252, %get3A_253] {strides = array<i32>} : memref<32x512xi32, #tpu.memory_space<vmem>>, vector<16xi32>,
        %bitcast3A_255 = vector.bitcast %get3A_254 : vector<16xi32> to vector<32xbf16>
        %get3A_256 = arith.index_cast %scan3A_201 : i32 to index
        %get3A_257 = arith.constant 32 : index
        %get3A_258 = tpu.vector_load %arg16[%get3A_256, %get3A_257] {strides = array<i32>} : memref<32x512xi32, #tpu.memory_space<vmem>>, vector<16xi32>,
        %bitcast3A_259 = vector.bitcast %get3A_258 : vector<16xi32> to vector<32xbf16>
        %mul3A_260 = arith.mulf %bitcast3A_255, %bitcast3A_259 : vector<32xbf16>
        %bitcast3A_261 = vector.bitcast %mul3A_260 : vector<32xbf16> to vector<16xi32>
        %swap3A_262 = arith.index_cast %scan3A_201 : i32 to index
        %swap3A_263 = arith.constant 32 : index
        %swap3A_264 = tpu.vector_load %arg15[%swap3A_262, %swap3A_263] {strides = array<i32>} : memref<32x512xi32, #tpu.memory_space<vmem>>, vector<16xi32>,
        tpu.vector_store %arg15[%swap3A_262, %swap3A_263], %bitcast3A_261 {strides = array<i32>} : memref<32x512xi32, #tpu.memory_space<vmem>>, vector<16xi32>,
        %get3A_265 = arith.index_cast %scan3A_201 : i32 to index
        %get3A_266 = arith.constant 288 : index
        %get3A_267 = tpu.vector_load %arg15[%get3A_265, %get3A_266] {strides = array<i32>} : memref<32x512xi32, #tpu.memory_space<vmem>>, vector<16xi32>,
        %bitcast3A_268 = vector.bitcast %get3A_267 : vector<16xi32> to vector<32xbf16>
        %get3A_269 = arith.index_cast %scan3A_201 : i32 to index
        %get3A_270 = arith.constant 288 : index
        %get3A_271 = tpu.vector_load %arg16[%get3A_269, %get3A_270] {strides = array<i32>} : memref<32x512xi32, #tpu.memory_space<vmem>>, vector<16xi32>,
        %bitcast3A_272 = vector.bitcast %get3A_271 : vector<16xi32> to vector<32xbf16>
        %add3A_273 = arith.addf %bitcast3A_268, %bitcast3A_272 : vector<32xbf16>
        %bitcast3A_274 = vector.bitcast %add3A_273 : vector<32xbf16> to vector<16xi32>
        %swap3A_275 = arith.index_cast %scan3A_201 : i32 to index
        %swap3A_276 = arith.constant 288 : index
        %swap3A_277 = tpu.vector_load %arg15[%swap3A_275, %swap3A_276] {strides = array<i32>} : memref<32x512xi32, #tpu.memory_space<vmem>>, vector<16xi32>,
        tpu.vector_store %arg15[%swap3A_275, %swap3A_276], %bitcast3A_274 {strides = array<i32>} : memref<32x512xi32, #tpu.memory_space<vmem>>, vector<16xi32>,
        %get3A_278 = arith.index_cast %scan3A_201 : i32 to index
        %get3A_279 = arith.constant 48 : index
        %get3A_280 = tpu.vector_load %arg15[%get3A_278, %get3A_279] {strides = array<i32>} : memref<32x512xi32, #tpu.memory_space<vmem>>, vector<16xi32>,
        %bitcast3A_281 = vector.bitcast %get3A_280 : vector<16xi32> to vector<32xbf16>
        %get3A_282 = arith.index_cast %scan3A_201 : i32 to index
        %get3A_283 = arith.constant 48 : index
        %get3A_284 = tpu.vector_load %arg16[%get3A_282, %get3A_283] {strides = array<i32>} : memref<32x512xi32, #tpu.memory_space<vmem>>, vector<16xi32>,
        %bitcast3A_285 = vector.bitcast %get3A_284 : vector<16xi32> to vector<32xbf16>
        %mul3A_286 = arith.mulf %bitcast3A_281, %bitcast3A_285 : vector<32xbf16>
        %bitcast3A_287 = vector.bitcast %mul3A_286 : vector<32xbf16> to vector<16xi32>
        %swap3A_288 = arith.index_cast %scan3A_201 : i32 to index
        %swap3A_289 = arith.constant 48 : index
        %swap3A_290 = tpu.vector_load %arg15[%swap3A_288, %swap3A_289] {strides = array<i32>} : memref<32x512xi32, #tpu.memory_space<vmem>>, vector<16xi32>,
        tpu.vector_store %arg15[%swap3A_288, %swap3A_289], %bitcast3A_287 {strides = array<i32>} : memref<32x512xi32, #tpu.memory_space<vmem>>, vector<16xi32>,
        %get3A_291 = arith.index_cast %scan3A_201 : i32 to index
        %get3A_292 = arith.constant 304 : index
        %get3A_293 = tpu.vector_load %arg15[%get3A_291, %get3A_292] {strides = array<i32>} : memref<32x512xi32, #tpu.memory_space<vmem>>, vector<16xi32>,
        %bitcast3A_294 = vector.bitcast %get3A_293 : vector<16xi32> to vector<32xbf16>
        %get3A_295 = arith.index_cast %scan3A_201 : i32 to index
        %get3A_296 = arith.constant 304 : index
        %get3A_297 = tpu.vector_load %arg16[%get3A_295, %get3A_296] {strides = array<i32>} : memref<32x512xi32, #tpu.memory_space<vmem>>, vector<16xi32>,
        %bitcast3A_298 = vector.bitcast %get3A_297 : vector<16xi32> to vector<32xbf16>
        %add3A_299 = arith.addf %bitcast3A_294, %bitcast3A_298 : vector<32xbf16>
        %bitcast3A_300 = vector.bitcast %add3A_299 : vector<32xbf16> to vector<16xi32>
        %swap3A_301 = arith.index_cast %scan3A_201 : i32 to index
        %swap3A_302 = arith.constant 304 : index
        %swap3A_303 = tpu.vector_load %arg15[%swap3A_301, %swap3A_302] {strides = array<i32>} : memref<32x512xi32, #tpu.memory_space<vmem>>, vector<16xi32>,
        tpu.vector_store %arg15[%swap3A_301, %swap3A_302], %bitcast3A_300 {strides = array<i32>} : memref<32x512xi32, #tpu.memory_space<vmem>>, vector<16xi32>,
        %get3A_304 = arith.index_cast %scan3A_201 : i32 to index
        %get3A_305 = arith.constant 64 : index
        %get3A_306 = tpu.vector_load %arg15[%get3A_304, %get3A_305] {strides = array<i32>} : memref<32x512xi32, #tpu.memory_space<vmem>>, vector<16xi32>,
        %bitcast3A_307 = vector.bitcast %get3A_306 : vector<16xi32> to vector<32xbf16>
        %get3A_308 = arith.index_cast %scan3A_201 : i32 to index
        %get3A_309 = arith.constant 64 : index
        %get3A_310 = tpu.vector_load %arg16[%get3A_308, %get3A_309] {strides = array<i32>} : memref<32x512xi32, #tpu.memory_space<vmem>>, vector<16xi32>,
        %bitcast3A_311 = vector.bitcast %get3A_310 : vector<16xi32> to vector<32xbf16>
        %mul3A_312 = arith.mulf %bitcast3A_307, %bitcast3A_311 : vector<32xbf16>
        %bitcast3A_313 = vector.bitcast %mul3A_312 : vector<32xbf16> to vector<16xi32>
        %swap3A_314 = arith.index_cast %scan3A_201 : i32 to index
        %swap3A_315 = arith.constant 64 : index
        %swap3A_316 = tpu.vector_load %arg15[%swap3A_314, %swap3A_315] {strides = array<i32>} : memref<32x512xi32, #tpu.memory_space<vmem>>, vector<16xi32>,
        tpu.vector_store %arg15[%swap3A_314, %swap3A_315], %bitcast3A_313 {strides = array<i32>} : memref<32x512xi32, #tpu.memory_space<vmem>>, vector<16xi32>,
        %get3A_317 = arith.index_cast %scan3A_201 : i32 to index
        %get3A_318 = arith.constant 320 : index
        %get3A_319 = tpu.vector_load %arg15[%get3A_317, %get3A_318] {strides = array<i32>} : memref<32x512xi32, #tpu.memory_space<vmem>>, vector<16xi32>,
        %bitcast3A_320 = vector.bitcast %get3A_319 : vector<16xi32> to vector<32xbf16>
        %get3A_321 = arith.index_cast %scan3A_201 : i32 to index
        %get3A_322 = arith.constant 320 : index
        %get3A_323 = tpu.vector_load %arg16[%get3A_321, %get3A_322] {strides = array<i32>} : memref<32x512xi32, #tpu.memory_space<vmem>>, vector<16xi32>,
        %bitcast3A_324 = vector.bitcast %get3A_323 : vector<16xi32> to vector<32xbf16>
        %add3A_325 = arith.addf %bitcast3A_320, %bitcast3A_324 : vector<32xbf16>
        %bitcast3A_326 = vector.bitcast %add3A_325 : vector<32xbf16> to vector<16xi32>
        %swap3A_327 = arith.index_cast %scan3A_201 : i32 to index
        %swap3A_328 = arith.constant 320 : index
        %swap3A_329 = tpu.vector_load %arg15[%swap3A_327, %swap3A_328] {strides = array<i32>} : memref<32x512xi32, #tpu.memory_space<vmem>>, vector<16xi32>,
        tpu.vector_store %arg15[%swap3A_327, %swap3A_328], %bitcast3A_326 {strides = array<i32>} : memref<32x512xi32, #tpu.memory_space<vmem>>, vector<16xi32>,
        %get3A_330 = arith.index_cast %scan3A_201 : i32 to index
        %get3A_331 = arith.constant 80 : index
        %get3A_332 = tpu.vector_load %arg15[%get3A_330, %get3A_331] {strides = array<i32>} : memref<32x512xi32, #tpu.memory_space<vmem>>, vector<16xi32>,
        %bitcast3A_333 = vector.bitcast %get3A_332 : vector<16xi32> to vector<32xbf16>
        %get3A_334 = arith.index_cast %scan3A_201 : i32 to index
        %get3A_335 = arith.constant 80 : index
        %get3A_336 = tpu.vector_load %arg16[%get3A_334, %get3A_335] {strides = array<i32>} : memref<32x512xi32, #tpu.memory_space<vmem>>, vector<16xi32>,
        %bitcast3A_337 = vector.bitcast %get3A_336 : vector<16xi32> to vector<32xbf16>
        %mul3A_338 = arith.mulf %bitcast3A_333, %bitcast3A_337 : vector<32xbf16>
        %bitcast3A_339 = vector.bitcast %mul3A_338 : vector<32xbf16> to vector<16xi32>
        %swap3A_340 = arith.index_cast %scan3A_201 : i32 to index
        %swap3A_341 = arith.constant 80 : index
        %swap3A_342 = tpu.vector_load %arg15[%swap3A_340, %swap3A_341] {strides = array<i32>} : memref<32x512xi32, #tpu.memory_space<vmem>>, vector<16xi32>,
        tpu.vector_store %arg15[%swap3A_340, %swap3A_341], %bitcast3A_339 {strides = array<i32>} : memref<32x512xi32, #tpu.memory_space<vmem>>, vector<16xi32>,
        %get3A_343 = arith.index_cast %scan3A_201 : i32 to index
        %get3A_344 = arith.constant 336 : index
        %get3A_345 = tpu.vector_load %arg15[%get3A_343, %get3A_344] {strides = array<i32>} : memref<32x512xi32, #tpu.memory_space<vmem>>, vector<16xi32>,
        %bitcast3A_346 = vector.bitcast %get3A_345 : vector<16xi32> to vector<32xbf16>
        %get3A_347 = arith.index_cast %scan3A_201 : i32 to index
        %get3A_348 = arith.constant 336 : index
        %get3A_349 = tpu.vector_load %arg16[%get3A_347, %get3A_348] {strides = array<i32>} : memref<32x512xi32, #tpu.memory_space<vmem>>, vector<16xi32>,
        %bitcast3A_350 = vector.bitcast %get3A_349 : vector<16xi32> to vector<32xbf16>
        %add3A_351 = arith.addf %bitcast3A_346, %bitcast3A_350 : vector<32xbf16>
        %bitcast3A_352 = vector.bitcast %add3A_351 : vector<32xbf16> to vector<16xi32>
        %swap3A_353 = arith.index_cast %scan3A_201 : i32 to index
        %swap3A_354 = arith.constant 336 : index
        %swap3A_355 = tpu.vector_load %arg15[%swap3A_353, %swap3A_354] {strides = array<i32>} : memref<32x512xi32, #tpu.memory_space<vmem>>, vector<16xi32>,
        tpu.vector_store %arg15[%swap3A_353, %swap3A_354], %bitcast3A_352 {strides = array<i32>} : memref<32x512xi32, #tpu.memory_space<vmem>>, vector<16xi32>,
        %get3A_356 = arith.index_cast %scan3A_201 : i32 to index
        %get3A_357 = arith.constant 96 : index
        %get3A_358 = tpu.vector_load %arg15[%get3A_356, %get3A_357] {strides = array<i32>} : memref<32x512xi32, #tpu.memory_space<vmem>>, vector<16xi32>,
        %bitcast3A_359 = vector.bitcast %get3A_358 : vector<16xi32> to vector<32xbf16>
        %get3A_360 = arith.index_cast %scan3A_201 : i32 to index
        %get3A_361 = arith.constant 96 : index
        %get3A_362 = tpu.vector_load %arg16[%get3A_360, %get3A_361] {strides = array<i32>} : memref<32x512xi32, #tpu.memory_space<vmem>>, vector<16xi32>,
        %bitcast3A_363 = vector.bitcast %get3A_362 : vector<16xi32> to vector<32xbf16>
        %mul3A_364 = arith.mulf %bitcast3A_359, %bitcast3A_363 : vector<32xbf16>
        %bitcast3A_365 = vector.bitcast %mul3A_364 : vector<32xbf16> to vector<16xi32>
        %swap3A_366 = arith.index_cast %scan3A_201 : i32 to index
        %swap3A_367 = arith.constant 96 : index
        %swap3A_368 = tpu.vector_load %arg15[%swap3A_366, %swap3A_367] {strides = array<i32>} : memref<32x512xi32, #tpu.memory_space<vmem>>, vector<16xi32>,
        tpu.vector_store %arg15[%swap3A_366, %swap3A_367], %bitcast3A_365 {strides = array<i32>} : memref<32x512xi32, #tpu.memory_space<vmem>>, vector<16xi32>,
        %get3A_369 = arith.index_cast %scan3A_201 : i32 to index
        %get3A_370 = arith.constant 352 : index
        %get3A_371 = tpu.vector_load %arg15[%get3A_369, %get3A_370] {strides = array<i32>} : memref<32x512xi32, #tpu.memory_space<vmem>>, vector<16xi32>,
        %bitcast3A_372 = vector.bitcast %get3A_371 : vector<16xi32> to vector<32xbf16>
        %get3A_373 = arith.index_cast %scan3A_201 : i32 to index
        %get3A_374 = arith.constant 352 : index
        %get3A_375 = tpu.vector_load %arg16[%get3A_373, %get3A_374] {strides = array<i32>} : memref<32x512xi32, #tpu.memory_space<vmem>>, vector<16xi32>,
        %bitcast3A_376 = vector.bitcast %get3A_375 : vector<16xi32> to vector<32xbf16>
        %add3A_377 = arith.addf %bitcast3A_372, %bitcast3A_376 : vector<32xbf16>
        %bitcast3A_378 = vector.bitcast %add3A_377 : vector<32xbf16> to vector<16xi32>
        %swap3A_379 = arith.index_cast %scan3A_201 : i32 to index
        %swap3A_380 = arith.constant 352 : index
        %swap3A_381 = tpu.vector_load %arg15[%swap3A_379, %swap3A_380] {strides = array<i32>} : memref<32x512xi32, #tpu.memory_space<vmem>>, vector<16xi32>,
        tpu.vector_store %arg15[%swap3A_379, %swap3A_380], %bitcast3A_378 {strides = array<i32>} : memref<32x512xi32, #tpu.memory_space<vmem>>, vector<16xi32>,
        %get3A_382 = arith.index_cast %scan3A_201 : i32 to index
        %get3A_383 = arith.constant 112 : index
        %get3A_384 = tpu.vector_load %arg15[%get3A_382, %get3A_383] {strides = array<i32>} : memref<32x512xi32, #tpu.memory_space<vmem>>, vector<16xi32>,
        %bitcast3A_385 = vector.bitcast %get3A_384 : vector<16xi32> to vector<32xbf16>
        %get3A_386 = arith.index_cast %scan3A_201 : i32 to index
        %get3A_387 = arith.constant 112 : index
        %get3A_388 = tpu.vector_load %arg16[%get3A_386, %get3A_387] {strides = array<i32>} : memref<32x512xi32, #tpu.memory_space<vmem>>, vector<16xi32>,
        %bitcast3A_389 = vector.bitcast %get3A_388 : vector<16xi32> to vector<32xbf16>
        %mul3A_390 = arith.mulf %bitcast3A_385, %bitcast3A_389 : vector<32xbf16>
        %bitcast3A_391 = vector.bitcast %mul3A_390 : vector<32xbf16> to vector<16xi32>
        %swap3A_392 = arith.index_cast %scan3A_201 : i32 to index
        %swap3A_393 = arith.constant 112 : index
        %swap3A_394 = tpu.vector_load %arg15[%swap3A_392, %swap3A_393] {strides = array<i32>} : memref<32x512xi32, #tpu.memory_space<vmem>>, vector<16xi32>,
        tpu.vector_store %arg15[%swap3A_392, %swap3A_393], %bitcast3A_391 {strides = array<i32>} : memref<32x512xi32, #tpu.memory_space<vmem>>, vector<16xi32>,
        %get3A_395 = arith.index_cast %scan3A_201 : i32 to index
        %get3A_396 = arith.constant 368 : index
        %get3A_397 = tpu.vector_load %arg15[%get3A_395, %get3A_396] {strides = array<i32>} : memref<32x512xi32, #tpu.memory_space<vmem>>, vector<16xi32>,
        %bitcast3A_398 = vector.bitcast %get3A_397 : vector<16xi32> to vector<32xbf16>
        %get3A_399 = arith.index_cast %scan3A_201 : i32 to index
        %get3A_400 = arith.constant 368 : index
        %get3A_401 = tpu.vector_load %arg16[%get3A_399, %get3A_400] {strides = array<i32>} : memref<32x512xi32, #tpu.memory_space<vmem>>, vector<16xi32>,
        %bitcast3A_402 = vector.bitcast %get3A_401 : vector<16xi32> to vector<32xbf16>
        %add3A_403 = arith.addf %bitcast3A_398, %bitcast3A_402 : vector<32xbf16>
        %bitcast3A_404 = vector.bitcast %add3A_403 : vector<32xbf16> to vector<16xi32>
        %swap3A_405 = arith.index_cast %scan3A_201 : i32 to index
        %swap3A_406 = arith.constant 368 : index
        %swap3A_407 = tpu.vector_load %arg15[%swap3A_405, %swap3A_406] {strides = array<i32>} : memref<32x512xi32, #tpu.memory_space<vmem>>, vector<16xi32>,
        tpu.vector_store %arg15[%swap3A_405, %swap3A_406], %bitcast3A_404 {strides = array<i32>} : memref<32x512xi32, #tpu.memory_space<vmem>>, vector<16xi32>,
        %get3A_408 = arith.index_cast %scan3A_201 : i32 to index
        %get3A_409 = arith.constant 128 : index
        %get3A_410 = tpu.vector_load %arg15[%get3A_408, %get3A_409] {strides = array<i32>} : memref<32x512xi32, #tpu.memory_space<vmem>>, vector<16xi32>,
        %bitcast3A_411 = vector.bitcast %get3A_410 : vector<16xi32> to vector<32xbf16>
        %get3A_412 = arith.index_cast %scan3A_201 : i32 to index
        %get3A_413 = arith.constant 128 : index
        %get3A_414 = tpu.vector_load %arg16[%get3A_412, %get3A_413] {strides = array<i32>} : memref<32x512xi32, #tpu.memory_space<vmem>>, vector<16xi32>,
        %bitcast3A_415 = vector.bitcast %get3A_414 : vector<16xi32> to vector<32xbf16>
        %mul3A_416 = arith.mulf %bitcast3A_411, %bitcast3A_415 : vector<32xbf16>
        %bitcast3A_417 = vector.bitcast %mul3A_416 : vector<32xbf16> to vector<16xi32>
        %swap3A_418 = arith.index_cast %scan3A_201 : i32 to index
        %swap3A_419 = arith.constant 128 : index
        %swap3A_420 = tpu.vector_load %arg15[%swap3A_418, %swap3A_419] {strides = array<i32>} : memref<32x512xi32, #tpu.memory_space<vmem>>, vector<16xi32>,
        tpu.vector_store %arg15[%swap3A_418, %swap3A_419], %bitcast3A_417 {strides = array<i32>} : memref<32x512xi32, #tpu.memory_space<vmem>>, vector<16xi32>,
        %get3A_421 = arith.index_cast %scan3A_201 : i32 to index
        %get3A_422 = arith.constant 384 : index
        %get3A_423 = tpu.vector_load %arg15[%get3A_421, %get3A_422] {strides = array<i32>} : memref<32x512xi32, #tpu.memory_space<vmem>>, vector<16xi32>,
        %bitcast3A_424 = vector.bitcast %get3A_423 : vector<16xi32> to vector<32xbf16>
        %get3A_425 = arith.index_cast %scan3A_201 : i32 to index
        %get3A_426 = arith.constant 384 : index
        %get3A_427 = tpu.vector_load %arg16[%get3A_425, %get3A_426] {strides = array<i32>} : memref<32x512xi32, #tpu.memory_space<vmem>>, vector<16xi32>,
        %bitcast3A_428 = vector.bitcast %get3A_427 : vector<16xi32> to vector<32xbf16>
        %add3A_429 = arith.addf %bitcast3A_424, %bitcast3A_428 : vector<32xbf16>
        %bitcast3A_430 = vector.bitcast %add3A_429 : vector<32xbf16> to vector<16xi32>
        %swap3A_431 = arith.index_cast %scan3A_201 : i32 to index
        %swap3A_432 = arith.constant 384 : index
        %swap3A_433 = tpu.vector_load %arg15[%swap3A_431, %swap3A_432] {strides = array<i32>} : memref<32x512xi32, #tpu.memory_space<vmem>>, vector<16xi32>,
        tpu.vector_store %arg15[%swap3A_431, %swap3A_432], %bitcast3A_430 {strides = array<i32>} : memref<32x512xi32, #tpu.memory_space<vmem>>, vector<16xi32>,
        %get3A_434 = arith.index_cast %scan3A_201 : i32 to index
        %get3A_435 = arith.constant 144 : index
        %get3A_436 = tpu.vector_load %arg15[%get3A_434, %get3A_435] {strides = array<i32>} : memref<32x512xi32, #tpu.memory_space<vmem>>, vector<16xi32>,
        %bitcast3A_437 = vector.bitcast %get3A_436 : vector<16xi32> to vector<32xbf16>
        %get3A_438 = arith.index_cast %scan3A_201 : i32 to index
        %get3A_439 = arith.constant 144 : index
        %get3A_440 = tpu.vector_load %arg16[%get3A_438, %get3A_439] {strides = array<i32>} : memref<32x512xi32, #tpu.memory_space<vmem>>, vector<16xi32>,
        %bitcast3A_441 = vector.bitcast %get3A_440 : vector<16xi32> to vector<32xbf16>
        %mul3A_442 = arith.mulf %bitcast3A_437, %bitcast3A_441 : vector<32xbf16>
        %bitcast3A_443 = vector.bitcast %mul3A_442 : vector<32xbf16> to vector<16xi32>
        %swap3A_444 = arith.index_cast %scan3A_201 : i32 to index
        %swap3A_445 = arith.constant 144 : index
        %swap3A_446 = tpu.vector_load %arg15[%swap3A_444, %swap3A_445] {strides = array<i32>} : memref<32x512xi32, #tpu.memory_space<vmem>>, vector<16xi32>,
        tpu.vector_store %arg15[%swap3A_444, %swap3A_445], %bitcast3A_443 {strides = array<i32>} : memref<32x512xi32, #tpu.memory_space<vmem>>, vector<16xi32>,
        %get3A_447 = arith.index_cast %scan3A_201 : i32 to index
        %get3A_448 = arith.constant 400 : index
        %get3A_449 = tpu.vector_load %arg15[%get3A_447, %get3A_448] {strides = array<i32>} : memref<32x512xi32, #tpu.memory_space<vmem>>, vector<16xi32>,
        %bitcast3A_450 = vector.bitcast %get3A_449 : vector<16xi32> to vector<32xbf16>
        %get3A_451 = arith.index_cast %scan3A_201 : i32 to index
        %get3A_452 = arith.constant 400 : index
        %get3A_453 = tpu.vector_load %arg16[%get3A_451, %get3A_452] {strides = array<i32>} : memref<32x512xi32, #tpu.memory_space<vmem>>, vector<16xi32>,
        %bitcast3A_454 = vector.bitcast %get3A_453 : vector<16xi32> to vector<32xbf16>
        %add3A_455 = arith.addf %bitcast3A_450, %bitcast3A_454 : vector<32xbf16>
        %bitcast3A_456 = vector.bitcast %add3A_455 : vector<32xbf16> to vector<16xi32>
        %swap3A_457 = arith.index_cast %scan3A_201 : i32 to index
        %swap3A_458 = arith.constant 400 : index
        %swap3A_459 = tpu.vector_load %arg15[%swap3A_457, %swap3A_458] {strides = array<i32>} : memref<32x512xi32, #tpu.memory_space<vmem>>, vector<16xi32>,
        tpu.vector_store %arg15[%swap3A_457, %swap3A_458], %bitcast3A_456 {strides = array<i32>} : memref<32x512xi32, #tpu.memory_space<vmem>>, vector<16xi32>,
        %get3A_460 = arith.index_cast %scan3A_201 : i32 to index
        %get3A_461 = arith.constant 160 : index
        %get3A_462 = tpu.vector_load %arg15[%get3A_460, %get3A_461] {strides = array<i32>} : memref<32x512xi32, #tpu.memory_space<vmem>>, vector<16xi32>,
        %bitcast3A_463 = vector.bitcast %get3A_462 : vector<16xi32> to vector<32xbf16>
        %get3A_464 = arith.index_cast %scan3A_201 : i32 to index
        %get3A_465 = arith.constant 160 : index
        %get3A_466 = tpu.vector_load %arg16[%get3A_464, %get3A_465] {strides = array<i32>} : memref<32x512xi32, #tpu.memory_space<vmem>>, vector<16xi32>,
        %bitcast3A_467 = vector.bitcast %get3A_466 : vector<16xi32> to vector<32xbf16>
        %mul3A_468 = arith.mulf %bitcast3A_463, %bitcast3A_467 : vector<32xbf16>
        %bitcast3A_469 = vector.bitcast %mul3A_468 : vector<32xbf16> to vector<16xi32>
        %swap3A_470 = arith.index_cast %scan3A_201 : i32 to index
        %swap3A_471 = arith.constant 160 : index
        %swap3A_472 = tpu.vector_load %arg15[%swap3A_470, %swap3A_471] {strides = array<i32>} : memref<32x512xi32, #tpu.memory_space<vmem>>, vector<16xi32>,
        tpu.vector_store %arg15[%swap3A_470, %swap3A_471], %bitcast3A_469 {strides = array<i32>} : memref<32x512xi32, #tpu.memory_space<vmem>>, vector<16xi32>,
        %get3A_473 = arith.index_cast %scan3A_201 : i32 to index
        %get3A_474 = arith.constant 416 : index
        %get3A_475 = tpu.vector_load %arg15[%get3A_473, %get3A_474] {strides = array<i32>} : memref<32x512xi32, #tpu.memory_space<vmem>>, vector<16xi32>,
        %bitcast3A_476 = vector.bitcast %get3A_475 : vector<16xi32> to vector<32xbf16>
        %get3A_477 = arith.index_cast %scan3A_201 : i32 to index
        %get3A_478 = arith.constant 416 : index
        %get3A_479 = tpu.vector_load %arg16[%get3A_477, %get3A_478] {strides = array<i32>} : memref<32x512xi32, #tpu.memory_space<vmem>>, vector<16xi32>,
        %bitcast3A_480 = vector.bitcast %get3A_479 : vector<16xi32> to vector<32xbf16>
        %add3A_481 = arith.addf %bitcast3A_476, %bitcast3A_480 : vector<32xbf16>
        %bitcast3A_482 = vector.bitcast %add3A_481 : vector<32xbf16> to vector<16xi32>
        %swap3A_483 = arith.index_cast %scan3A_201 : i32 to index
        %swap3A_484 = arith.constant 416 : index
        %swap3A_485 = tpu.vector_load %arg15[%swap3A_483, %swap3A_484] {strides = array<i32>} : memref<32x512xi32, #tpu.memory_space<vmem>>, vector<16xi32>,
        tpu.vector_store %arg15[%swap3A_483, %swap3A_484], %bitcast3A_482 {strides = array<i32>} : memref<32x512xi32, #tpu.memory_space<vmem>>, vector<16xi32>,
        %get3A_486 = arith.index_cast %scan3A_201 : i32 to index
        %get3A_487 = arith.constant 176 : index
        %get3A_488 = tpu.vector_load %arg15[%get3A_486, %get3A_487] {strides = array<i32>} : memref<32x512xi32, #tpu.memory_space<vmem>>, vector<16xi32>,
        %bitcast3A_489 = vector.bitcast %get3A_488 : vector<16xi32> to vector<32xbf16>
        %get3A_490 = arith.index_cast %scan3A_201 : i32 to index
        %get3A_491 = arith.constant 176 : index
        %get3A_492 = tpu.vector_load %arg16[%get3A_490, %get3A_491] {strides = array<i32>} : memref<32x512xi32, #tpu.memory_space<vmem>>, vector<16xi32>,
        %bitcast3A_493 = vector.bitcast %get3A_492 : vector<16xi32> to vector<32xbf16>
        %mul3A_494 = arith.mulf %bitcast3A_489, %bitcast3A_493 : vector<32xbf16>
        %bitcast3A_495 = vector.bitcast %mul3A_494 : vector<32xbf16> to vector<16xi32>
        %swap3A_496 = arith.index_cast %scan3A_201 : i32 to index
        %swap3A_497 = arith.constant 176 : index
        %swap3A_498 = tpu.vector_load %arg15[%swap3A_496, %swap3A_497] {strides = array<i32>} : memref<32x512xi32, #tpu.memory_space<vmem>>, vector<16xi32>,
        tpu.vector_store %arg15[%swap3A_496, %swap3A_497], %bitcast3A_495 {strides = array<i32>} : memref<32x512xi32, #tpu.memory_space<vmem>>, vector<16xi32>,
        %get3A_499 = arith.index_cast %scan3A_201 : i32 to index
        %get3A_500 = arith.constant 432 : index
        %get3A_501 = tpu.vector_load %arg15[%get3A_499, %get3A_500] {strides = array<i32>} : memref<32x512xi32, #tpu.memory_space<vmem>>, vector<16xi32>,
        %bitcast3A_502 = vector.bitcast %get3A_501 : vector<16xi32> to vector<32xbf16>
        %get3A_503 = arith.index_cast %scan3A_201 : i32 to index
        %get3A_504 = arith.constant 432 : index
        %get3A_505 = tpu.vector_load %arg16[%get3A_503, %get3A_504] {strides = array<i32>} : memref<32x512xi32, #tpu.memory_space<vmem>>, vector<16xi32>,
        %bitcast3A_506 = vector.bitcast %get3A_505 : vector<16xi32> to vector<32xbf16>
        %add3A_507 = arith.addf %bitcast3A_502, %bitcast3A_506 : vector<32xbf16>
        %bitcast3A_508 = vector.bitcast %add3A_507 : vector<32xbf16> to vector<16xi32>
        %swap3A_509 = arith.index_cast %scan3A_201 : i32 to index
        %swap3A_510 = arith.constant 432 : index
        %swap3A_511 = tpu.vector_load %arg15[%swap3A_509, %swap3A_510] {strides = array<i32>} : memref<32x512xi32, #tpu.memory_space<vmem>>, vector<16xi32>,
        tpu.vector_store %arg15[%swap3A_509, %swap3A_510], %bitcast3A_508 {strides = array<i32>} : memref<32x512xi32, #tpu.memory_space<vmem>>, vector<16xi32>,
        %get3A_512 = arith.index_cast %scan3A_201 : i32 to index
        %get3A_513 = arith.constant 192 : index
        %get3A_514 = tpu.vector_load %arg15[%get3A_512, %get3A_513] {strides = array<i32>} : memref<32x512xi32, #tpu.memory_space<vmem>>, vector<16xi32>,
        %bitcast3A_515 = vector.bitcast %get3A_514 : vector<16xi32> to vector<32xbf16>
        %get3A_516 = arith.index_cast %scan3A_201 : i32 to index
        %get3A_517 = arith.constant 192 : index
        %get3A_518 = tpu.vector_load %arg16[%get3A_516, %get3A_517] {strides = array<i32>} : memref<32x512xi32, #tpu.memory_space<vmem>>, vector<16xi32>,
        %bitcast3A_519 = vector.bitcast %get3A_518 : vector<16xi32> to vector<32xbf16>
        %mul3A_520 = arith.mulf %bitcast3A_515, %bitcast3A_519 : vector<32xbf16>
        %bitcast3A_521 = vector.bitcast %mul3A_520 : vector<32xbf16> to vector<16xi32>
        %swap3A_522 = arith.index_cast %scan3A_201 : i32 to index
        %swap3A_523 = arith.constant 192 : index
        %swap3A_524 = tpu.vector_load %arg15[%swap3A_522, %swap3A_523] {strides = array<i32>} : memref<32x512xi32, #tpu.memory_space<vmem>>, vector<16xi32>,
        tpu.vector_store %arg15[%swap3A_522, %swap3A_523], %bitcast3A_521 {strides = array<i32>} : memref<32x512xi32, #tpu.memory_space<vmem>>, vector<16xi32>,
        %get3A_525 = arith.index_cast %scan3A_201 : i32 to index
        %get3A_526 = arith.constant 448 : index
        %get3A_527 = tpu.vector_load %arg15[%get3A_525, %get3A_526] {strides = array<i32>} : memref<32x512xi32, #tpu.memory_space<vmem>>, vector<16xi32>,
        %bitcast3A_528 = vector.bitcast %get3A_527 : vector<16xi32> to vector<32xbf16>
        %get3A_529 = arith.index_cast %scan3A_201 : i32 to index
        %get3A_530 = arith.constant 448 : index
        %get3A_531 = tpu.vector_load %arg16[%get3A_529, %get3A_530] {strides = array<i32>} : memref<32x512xi32, #tpu.memory_space<vmem>>, vector<16xi32>,
        %bitcast3A_532 = vector.bitcast %get3A_531 : vector<16xi32> to vector<32xbf16>
        %add3A_533 = arith.addf %bitcast3A_528, %bitcast3A_532 : vector<32xbf16>
        %bitcast3A_534 = vector.bitcast %add3A_533 : vector<32xbf16> to vector<16xi32>
        %swap3A_535 = arith.index_cast %scan3A_201 : i32 to index
        %swap3A_536 = arith.constant 448 : index
        %swap3A_537 = tpu.vector_load %arg15[%swap3A_535, %swap3A_536] {strides = array<i32>} : memref<32x512xi32, #tpu.memory_space<vmem>>, vector<16xi32>,
        tpu.vector_store %arg15[%swap3A_535, %swap3A_536], %bitcast3A_534 {strides = array<i32>} : memref<32x512xi32, #tpu.memory_space<vmem>>, vector<16xi32>,
        %get3A_538 = arith.index_cast %scan3A_201 : i32 to index
        %get3A_539 = arith.constant 208 : index
        %get3A_540 = tpu.vector_load %arg15[%get3A_538, %get3A_539] {strides = array<i32>} : memref<32x512xi32, #tpu.memory_space<vmem>>, vector<16xi32>,
        %bitcast3A_541 = vector.bitcast %get3A_540 : vector<16xi32> to vector<32xbf16>
        %get3A_542 = arith.index_cast %scan3A_201 : i32 to index
        %get3A_543 = arith.constant 208 : index
        %get3A_544 = tpu.vector_load %arg16[%get3A_542, %get3A_543] {strides = array<i32>} : memref<32x512xi32, #tpu.memory_space<vmem>>, vector<16xi32>,
        %bitcast3A_545 = vector.bitcast %get3A_544 : vector<16xi32> to vector<32xbf16>
        %mul3A_546 = arith.mulf %bitcast3A_541, %bitcast3A_545 : vector<32xbf16>
        %bitcast3A_547 = vector.bitcast %mul3A_546 : vector<32xbf16> to vector<16xi32>
        %swap3A_548 = arith.index_cast %scan3A_201 : i32 to index
        %swap3A_549 = arith.constant 208 : index
        %swap3A_550 = tpu.vector_load %arg15[%swap3A_548, %swap3A_549] {strides = array<i32>} : memref<32x512xi32, #tpu.memory_space<vmem>>, vector<16xi32>,
        tpu.vector_store %arg15[%swap3A_548, %swap3A_549], %bitcast3A_547 {strides = array<i32>} : memref<32x512xi32, #tpu.memory_space<vmem>>, vector<16xi32>,
        %get3A_551 = arith.index_cast %scan3A_201 : i32 to index
        %get3A_552 = arith.constant 464 : index
        %get3A_553 = tpu.vector_load %arg15[%get3A_551, %get3A_552] {strides = array<i32>} : memref<32x512xi32, #tpu.memory_space<vmem>>, vector<16xi32>,
        %bitcast3A_554 = vector.bitcast %get3A_553 : vector<16xi32> to vector<32xbf16>
        %get3A_555 = arith.index_cast %scan3A_201 : i32 to index
        %get3A_556 = arith.constant 464 : index
        %get3A_557 = tpu.vector_load %arg16[%get3A_555, %get3A_556] {strides = array<i32>} : memref<32x512xi32, #tpu.memory_space<vmem>>, vector<16xi32>,
        %bitcast3A_558 = vector.bitcast %get3A_557 : vector<16xi32> to vector<32xbf16>
        %add3A_559 = arith.addf %bitcast3A_554, %bitcast3A_558 : vector<32xbf16>
        %bitcast3A_560 = vector.bitcast %add3A_559 : vector<32xbf16> to vector<16xi32>
        %swap3A_561 = arith.index_cast %scan3A_201 : i32 to index
        %swap3A_562 = arith.constant 464 : index
        %swap3A_563 = tpu.vector_load %arg15[%swap3A_561, %swap3A_562] {strides = array<i32>} : memref<32x512xi32, #tpu.memory_space<vmem>>, vector<16xi32>,
        tpu.vector_store %arg15[%swap3A_561, %swap3A_562], %bitcast3A_560 {strides = array<i32>} : memref<32x512xi32, #tpu.memory_space<vmem>>, vector<16xi32>,
        %get3A_564 = arith.index_cast %scan3A_201 : i32 to index
        %get3A_565 = arith.constant 224 : index
        %get3A_566 = tpu.vector_load %arg15[%get3A_564, %get3A_565] {strides = array<i32>} : memref<32x512xi32, #tpu.memory_space<vmem>>, vector<16xi32>,
        %bitcast3A_567 = vector.bitcast %get3A_566 : vector<16xi32> to vector<32xbf16>
        %get3A_568 = arith.index_cast %scan3A_201 : i32 to index
        %get3A_569 = arith.constant 224 : index
        %get3A_570 = tpu.vector_load %arg16[%get3A_568, %get3A_569] {strides = array<i32>} : memref<32x512xi32, #tpu.memory_space<vmem>>, vector<16xi32>,
        %bitcast3A_571 = vector.bitcast %get3A_570 : vector<16xi32> to vector<32xbf16>
        %mul3A_572 = arith.mulf %bitcast3A_567, %bitcast3A_571 : vector<32xbf16>
        %bitcast3A_573 = vector.bitcast %mul3A_572 : vector<32xbf16> to vector<16xi32>
        %swap3A_574 = arith.index_cast %scan3A_201 : i32 to index
        %swap3A_575 = arith.constant 224 : index
        %swap3A_576 = tpu.vector_load %arg15[%swap3A_574, %swap3A_575] {strides = array<i32>} : memref<32x512xi32, #tpu.memory_space<vmem>>, vector<16xi32>,
        tpu.vector_store %arg15[%swap3A_574, %swap3A_575], %bitcast3A_573 {strides = array<i32>} : memref<32x512xi32, #tpu.memory_space<vmem>>, vector<16xi32>,
        %get3A_577 = arith.index_cast %scan3A_201 : i32 to index
        %get3A_578 = arith.constant 480 : index
        %get3A_579 = tpu.vector_load %arg15[%get3A_577, %get3A_578] {strides = array<i32>} : memref<32x512xi32, #tpu.memory_space<vmem>>, vector<16xi32>,
        %bitcast3A_580 = vector.bitcast %get3A_579 : vector<16xi32> to vector<32xbf16>
        %get3A_581 = arith.index_cast %scan3A_201 : i32 to index
        %get3A_582 = arith.constant 480 : index
        %get3A_583 = tpu.vector_load %arg16[%get3A_581, %get3A_582] {strides = array<i32>} : memref<32x512xi32, #tpu.memory_space<vmem>>, vector<16xi32>,
        %bitcast3A_584 = vector.bitcast %get3A_583 : vector<16xi32> to vector<32xbf16>
        %add3A_585 = arith.addf %bitcast3A_580, %bitcast3A_584 : vector<32xbf16>
        %bitcast3A_586 = vector.bitcast %add3A_585 : vector<32xbf16> to vector<16xi32>
        %swap3A_587 = arith.index_cast %scan3A_201 : i32 to index
        %swap3A_588 = arith.constant 480 : index
        %swap3A_589 = tpu.vector_load %arg15[%swap3A_587, %swap3A_588] {strides = array<i32>} : memref<32x512xi32, #tpu.memory_space<vmem>>, vector<16xi32>,
        tpu.vector_store %arg15[%swap3A_587, %swap3A_588], %bitcast3A_586 {strides = array<i32>} : memref<32x512xi32, #tpu.memory_space<vmem>>, vector<16xi32>,
        %get3A_590 = arith.index_cast %scan3A_201 : i32 to index
        %get3A_591 = arith.constant 240 : index
        %get3A_592 = tpu.vector_load %arg15[%get3A_590, %get3A_591] {strides = array<i32>} : memref<32x512xi32, #tpu.memory_space<vmem>>, vector<16xi32>,
        %bitcast3A_593 = vector.bitcast %get3A_592 : vector<16xi32> to vector<32xbf16>
        %get3A_594 = arith.index_cast %scan3A_201 : i32 to index
        %get3A_595 = arith.constant 240 : index
        %get3A_596 = tpu.vector_load %arg16[%get3A_594, %get3A_595] {strides = array<i32>} : memref<32x512xi32, #tpu.memory_space<vmem>>, vector<16xi32>,
        %bitcast3A_597 = vector.bitcast %get3A_596 : vector<16xi32> to vector<32xbf16>
        %mul3A_598 = arith.mulf %bitcast3A_593, %bitcast3A_597 : vector<32xbf16>
        %bitcast3A_599 = vector.bitcast %mul3A_598 : vector<32xbf16> to vector<16xi32>
        %swap3A_600 = arith.index_cast %scan3A_201 : i32 to index
        %swap3A_601 = arith.constant 240 : index
        %swap3A_602 = tpu.vector_load %arg15[%swap3A_600, %swap3A_601] {strides = array<i32>} : memref<32x512xi32, #tpu.memory_space<vmem>>, vector<16xi32>,
        tpu.vector_store %arg15[%swap3A_600, %swap3A_601], %bitcast3A_599 {strides = array<i32>} : memref<32x512xi32, #tpu.memory_space<vmem>>, vector<16xi32>,
        %get3A_603 = arith.index_cast %scan3A_201 : i32 to index
        %get3A_604 = arith.constant 496 : index
        %get3A_605 = tpu.vector_load %arg15[%get3A_603, %get3A_604] {strides = array<i32>} : memref<32x512xi32, #tpu.memory_space<vmem>>, vector<16xi32>,
        %bitcast3A_606 = vector.bitcast %get3A_605 : vector<16xi32> to vector<32xbf16>
        %get3A_607 = arith.index_cast %scan3A_201 : i32 to index
        %get3A_608 = arith.constant 496 : index
        %get3A_609 = tpu.vector_load %arg16[%get3A_607, %get3A_608] {strides = array<i32>} : memref<32x512xi32, #tpu.memory_space<vmem>>, vector<16xi32>,
        %bitcast3A_610 = vector.bitcast %get3A_609 : vector<16xi32> to vector<32xbf16>
        %add3A_611 = arith.addf %bitcast3A_606, %bitcast3A_610 : vector<32xbf16>
        %bitcast3A_612 = vector.bitcast %add3A_611 : vector<32xbf16> to vector<16xi32>
        %swap3A_613 = arith.index_cast %scan3A_201 : i32 to index
        %swap3A_614 = arith.constant 496 : index
        %swap3A_615 = tpu.vector_load %arg15[%swap3A_613, %swap3A_614] {strides = array<i32>} : memref<32x512xi32, #tpu.memory_space<vmem>>, vector<16xi32>,
        tpu.vector_store %arg15[%swap3A_613, %swap3A_614], %bitcast3A_612 {strides = array<i32>} : memref<32x512xi32, #tpu.memory_space<vmem>>, vector<16xi32>,
      }
      %scan3A_196 = arith.constant 32 : i32
      %dma_start3A_197 = arith.constant 0 : i32
      %dma_start3A_198 = tpu.memref_slice %arg7[%add3A_56, %dma_start3A_197] : memref<65536x512xi32, #tpu.memory_space<hbm>> -> memref<32x512xi32, #tpu.memory_space<hbm>>
      %dma_start3A_199 = arith.constant 0 : i32
      %dma_start3A_200 = tpu.memref_slice %arg7[%add3A_56, %dma_start3A_199] : memref<65536x512xi32, #tpu.memory_space<hbm>> -> memref<32x512xi32, #tpu.memory_space<hbm>>
      tpu.enqueue_dma source(%arg15 : memref<32x512xi32, #tpu.memory_space<vmem>>) target(%dma_start3A_200 : memref<32x512xi32, #tpu.memory_space<hbm>>) target_semaphore(%arg19 : memref<!tpu.dma_semaphore, #tpu.memory_space<semaphore_mem>>)
    }
    %scan3A_43 = arith.constant 32 : i32
    %dma_wait3A = arith.constant 0 : i32
    %dma_wait3A_44 = arith.constant 0 : i32
    %dma_wait3A_45 = tpu.memref_slice %arg2[%dma_wait3A, %dma_wait3A_44] : memref<8192x512xi32, #tpu.memory_space<hbm>> -> memref<32x512xi32, #tpu.memory_space<hbm>>
    %dma_wait3A_46 = arith.constant 0 : i32
    %dma_wait3A_47 = arith.constant 0 : i32
    %dma_wait3A_48 = tpu.memref_slice %arg2[%dma_wait3A_46, %dma_wait3A_47] : memref<8192x512xi32, #tpu.memory_space<hbm>> -> memref<32x512xi32, #tpu.memory_space<hbm>>
    tpu.wait_dma2 semaphore(%arg19 : memref<!tpu.dma_semaphore, #tpu.memory_space<semaphore_mem>>) src(%dma_wait3A_48 : memref<32x512xi32, #tpu.memory_space<hbm>>) dst(%arg13 : memref<32x512xi32, #tpu.memory_space<vmem>>)
    return
  }
}

#map = affine_map<(d0, d1) -> (0)>
#map1 = affine_map<(d0, d1) -> (0, 0)>
module attributes {stable_mosaic.version = 14 : i64} {
  func.func @_segsum_body(%arg0: i32, %arg1: i32, %arg2: memref<65536xf32, #tpu.memory_space<hbm>>, %arg3: memref<65536xi32, #tpu.memory_space<hbm>>, %arg4: memref<32x8192xf32, #tpu.memory_space<hbm>>, %arg5: memref<8192xf32, #tpu.memory_space<vmem>>, %arg6: memref<512xi32, #tpu.memory_space<vmem>>, %arg7: memref<512xf32, #tpu.memory_space<vmem>>) attributes {dimension_semantics = [#tpu.dimension_semantics<core_parallel>, #tpu.dimension_semantics<subcore_parallel>], iteration_bounds = array<i64: 2, 16>, scalar_prefetch = 0 : i64, scratch_operands = 3 : i64, tpu.core_type = #tpu.core_type<sc_vector_subcore>, window_params = [{transform_indices = #map}, {transform_indices = #map}, {transform_indices = #map1}]} {
    %mul3A = arith.constant 2 : i32
    %mul3A_0 = arith.muli %arg1, %mul3A : i32
    %add3A = arith.addi %mul3A_0, %arg0 : i32
    %mul3A_1 = arith.constant 2048 : i32
    %mul3A_2 = arith.muli %add3A, %mul3A_1 : i32
    %scan3A = arith.constant 0 : i32
    %scan3A_3 = arith.constant 0 : i32
    %scan3A_4 = arith.constant 512 : i32
    %scan3A_5 = arith.addi %scan3A_3, %scan3A_4 : i32
    %scan3A_6 = arith.constant 1 : i32
    scf.for %scan3A_14 = %scan3A_3 to %scan3A_5 step %scan3A_6  : i32 {
      %broadcast_in_dim3A = arith.constant 0.000000e+00 : f32
      %broadcast_in_dim3A_15 = vector.broadcast %broadcast_in_dim3A : f32 to vector<16xf32>
      %mul3A_16 = arith.constant 16 : i32
      %mul3A_17 = arith.muli %scan3A_14, %mul3A_16 : i32
      %swap3A = arith.index_cast %mul3A_17 : i32 to index
      %swap3A_18 = tpu.vector_load %arg5[%swap3A] {strides = array<i32>} : memref<8192xf32, #tpu.memory_space<vmem>>, vector<16xf32>,
      tpu.vector_store %arg5[%swap3A], %broadcast_in_dim3A_15 {strides = array<i32>} : memref<8192xf32, #tpu.memory_space<vmem>>, vector<16xf32>,
    }
    %scan3A_7 = arith.constant 512 : i32
    %scan3A_8 = arith.constant 0 : i32
    %scan3A_9 = arith.constant 0 : i32
    %scan3A_10 = arith.constant 4 : i32
    %scan3A_11 = arith.addi %scan3A_9, %scan3A_10 : i32
    %scan3A_12 = arith.constant 1 : i32
    scf.for %scan3A_14 = %scan3A_9 to %scan3A_11 step %scan3A_12  : i32 {
      %mul3A_15 = arith.constant 512 : i32
      %mul3A_16 = arith.muli %scan3A_14, %mul3A_15 : i32
      %add3A_17 = arith.addi %mul3A_2, %mul3A_16 : i32
      "tpu.region"() ({
        %run_scoped3A = tpu.sem_alloc : memref<!tpu.dma_semaphore, #tpu.memory_space<semaphore_mem>>
        %dma_start3A = tpu.memref_slice %arg3[%add3A_17] : memref<65536xi32, #tpu.memory_space<hbm>> -> memref<512xi32, #tpu.memory_space<hbm>>
        %dma_start3A_24 = tpu.memref_slice %arg3[%add3A_17] : memref<65536xi32, #tpu.memory_space<hbm>> -> memref<512xi32, #tpu.memory_space<hbm>>
        tpu.enqueue_dma source(%dma_start3A_24 : memref<512xi32, #tpu.memory_space<hbm>>) target(%arg6 : memref<512xi32, #tpu.memory_space<vmem>>) target_semaphore(%run_scoped3A : memref<!tpu.dma_semaphore, #tpu.memory_space<semaphore_mem>>)
        %dma_wait3A = tpu.memref_slice %arg3[%add3A_17] : memref<65536xi32, #tpu.memory_space<hbm>> -> memref<512xi32, #tpu.memory_space<hbm>>
        %dma_wait3A_25 = tpu.memref_slice %arg3[%add3A_17] : memref<65536xi32, #tpu.memory_space<hbm>> -> memref<512xi32, #tpu.memory_space<hbm>>
        tpu.wait_dma2 semaphore(%run_scoped3A : memref<!tpu.dma_semaphore, #tpu.memory_space<semaphore_mem>>) src(%dma_wait3A_25 : memref<512xi32, #tpu.memory_space<hbm>>) dst(%arg6 : memref<512xi32, #tpu.memory_space<vmem>>)
        tpu.yield
      }) : () -> ()
      "tpu.region"() ({
        %run_scoped3A = tpu.sem_alloc : memref<!tpu.dma_semaphore, #tpu.memory_space<semaphore_mem>>
        %dma_start3A = tpu.memref_slice %arg2[%add3A_17] : memref<65536xf32, #tpu.memory_space<hbm>> -> memref<512xf32, #tpu.memory_space<hbm>>
        %dma_start3A_24 = tpu.memref_slice %arg2[%add3A_17] : memref<65536xf32, #tpu.memory_space<hbm>> -> memref<512xf32, #tpu.memory_space<hbm>>
        tpu.enqueue_dma source(%dma_start3A_24 : memref<512xf32, #tpu.memory_space<hbm>>) target(%arg7 : memref<512xf32, #tpu.memory_space<vmem>>) target_semaphore(%run_scoped3A : memref<!tpu.dma_semaphore, #tpu.memory_space<semaphore_mem>>)
        %dma_wait3A = tpu.memref_slice %arg2[%add3A_17] : memref<65536xf32, #tpu.memory_space<hbm>> -> memref<512xf32, #tpu.memory_space<hbm>>
        %dma_wait3A_25 = tpu.memref_slice %arg2[%add3A_17] : memref<65536xf32, #tpu.memory_space<hbm>> -> memref<512xf32, #tpu.memory_space<hbm>>
        tpu.wait_dma2 semaphore(%run_scoped3A : memref<!tpu.dma_semaphore, #tpu.memory_space<semaphore_mem>>) src(%dma_wait3A_25 : memref<512xf32, #tpu.memory_space<hbm>>) dst(%arg7 : memref<512xf32, #tpu.memory_space<vmem>>)
        tpu.yield
      }) : () -> ()
      %scan3A_18 = arith.constant 0 : i32
      %scan3A_19 = arith.constant 0 : i32
      %scan3A_20 = arith.constant 32 : i32
      %scan3A_21 = arith.addi %scan3A_19, %scan3A_20 : i32
      %scan3A_22 = arith.constant 1 : i32
      scf.for %scan3A_24 = %scan3A_19 to %scan3A_21 step %scan3A_22  : i32 {
        %mul3A_25 = arith.constant 16 : i32
        %mul3A_26 = arith.muli %scan3A_24, %mul3A_25 : i32
        %get3A = arith.index_cast %mul3A_26 : i32 to index
        %get3A_27 = tpu.vector_load %arg6[%get3A] {strides = array<i32>} : memref<512xi32, #tpu.memory_space<vmem>>, vector<16xi32>,
        %get3A_28 = arith.index_cast %mul3A_26 : i32 to index
        %get3A_29 = tpu.vector_load %arg7[%get3A_28] {strides = array<i32>} : memref<512xf32, #tpu.memory_space<vmem>>, vector<16xf32>,
        tpu.vector_store_idx %arg5[%get3A_27], %get3A_29 {add = true} : memref<8192xf32, #tpu.memory_space<vmem>>[vector<16xi32>], vector<16xf32>,
      }
      %scan3A_23 = arith.constant 32 : i32
    }
    %scan3A_13 = arith.constant 4 : i32
    "tpu.region"() ({
      %run_scoped3A = tpu.sem_alloc : memref<!tpu.dma_semaphore, #tpu.memory_space<semaphore_mem>>
      %dma_start3A = arith.constant 0 : i32
      %dma_start3A_14 = tpu.memref_slice %arg4[%add3A, %dma_start3A] : memref<32x8192xf32, #tpu.memory_space<hbm>> -> memref<1x8192xf32, #tpu.memory_space<hbm>>
      %dma_start3A_15 = tpu.memref_squeeze %dma_start3A_14 : memref<1x8192xf32, #tpu.memory_space<hbm>> -> memref<8192xf32, #tpu.memory_space<hbm>>
      %dma_start3A_16 = arith.constant 0 : i32
      %dma_start3A_17 = tpu.memref_slice %arg4[%add3A, %dma_start3A_16] : memref<32x8192xf32, #tpu.memory_space<hbm>> -> memref<1x8192xf32, #tpu.memory_space<hbm>>
      %dma_start3A_18 = tpu.memref_squeeze %dma_start3A_17 : memref<1x8192xf32, #tpu.memory_space<hbm>> -> memref<8192xf32, #tpu.memory_space<hbm>>
      tpu.enqueue_dma source(%arg5 : memref<8192xf32, #tpu.memory_space<vmem>>) target(%dma_start3A_18 : memref<8192xf32, #tpu.memory_space<hbm>>) target_semaphore(%run_scoped3A : memref<!tpu.dma_semaphore, #tpu.memory_space<semaphore_mem>>)
      %dma_wait3A = arith.constant 0 : i32
      %dma_wait3A_19 = tpu.memref_slice %arg4[%add3A, %dma_wait3A] : memref<32x8192xf32, #tpu.memory_space<hbm>> -> memref<1x8192xf32, #tpu.memory_space<hbm>>
      %dma_wait3A_20 = tpu.memref_squeeze %dma_wait3A_19 : memref<1x8192xf32, #tpu.memory_space<hbm>> -> memref<8192xf32, #tpu.memory_space<hbm>>
      %dma_wait3A_21 = arith.constant 0 : i32
      %dma_wait3A_22 = tpu.memref_slice %arg4[%add3A, %dma_wait3A_21] : memref<32x8192xf32, #tpu.memory_space<hbm>> -> memref<1x8192xf32, #tpu.memory_space<hbm>>
      %dma_wait3A_23 = tpu.memref_squeeze %dma_wait3A_22 : memref<1x8192xf32, #tpu.memory_space<hbm>> -> memref<8192xf32, #tpu.memory_space<hbm>>
      tpu.wait_dma2 semaphore(%run_scoped3A : memref<!tpu.dma_semaphore, #tpu.memory_space<semaphore_mem>>) src(%arg5 : memref<8192xf32, #tpu.memory_space<vmem>>) dst(%dma_wait3A_23 : memref<8192xf32, #tpu.memory_space<hbm>>)
      tpu.yield
    }) : () -> ()
    return
  }
}

#map = affine_map<(d0, d1) -> (0)>
module attributes {stable_mosaic.version = 14 : i64} {
  func.func @_probs_body(%arg0: i32, %arg1: i32, %arg2: memref<65536xf32, #tpu.memory_space<hbm>>, %arg3: memref<65536xi32, #tpu.memory_space<hbm>>, %arg4: memref<8192xf32, #tpu.memory_space<hbm>>, %arg5: memref<65536xf32, #tpu.memory_space<hbm>>, %arg6: memref<8192xf32, #tpu.memory_space<vmem>>, %arg7: memref<512xi32, #tpu.memory_space<vmem>>, %arg8: memref<512xf32, #tpu.memory_space<vmem>>) attributes {dimension_semantics = [#tpu.dimension_semantics<core_parallel>, #tpu.dimension_semantics<subcore_parallel>], iteration_bounds = array<i64: 2, 16>, scalar_prefetch = 0 : i64, scratch_operands = 3 : i64, tpu.core_type = #tpu.core_type<sc_vector_subcore>, window_params = [{transform_indices = #map}, {transform_indices = #map}, {transform_indices = #map}, {transform_indices = #map}]} {
    %mul3A = arith.constant 2 : i32
    %mul3A_0 = arith.muli %arg1, %mul3A : i32
    %add3A = arith.addi %mul3A_0, %arg0 : i32
    %mul3A_1 = arith.constant 2048 : i32
    %mul3A_2 = arith.muli %add3A, %mul3A_1 : i32
    "tpu.region"() ({
      %run_scoped3A = tpu.sem_alloc : memref<!tpu.dma_semaphore, #tpu.memory_space<semaphore_mem>>
      tpu.enqueue_dma source(%arg4 : memref<8192xf32, #tpu.memory_space<hbm>>) target(%arg6 : memref<8192xf32, #tpu.memory_space<vmem>>) target_semaphore(%run_scoped3A : memref<!tpu.dma_semaphore, #tpu.memory_space<semaphore_mem>>)
      tpu.wait_dma2 semaphore(%run_scoped3A : memref<!tpu.dma_semaphore, #tpu.memory_space<semaphore_mem>>) src(%arg4 : memref<8192xf32, #tpu.memory_space<hbm>>) dst(%arg6 : memref<8192xf32, #tpu.memory_space<vmem>>)
      tpu.yield
    }) : () -> ()
    %scan3A = arith.constant 0 : i32
    %scan3A_3 = arith.constant 0 : i32
    %scan3A_4 = arith.constant 4 : i32
    %scan3A_5 = arith.addi %scan3A_3, %scan3A_4 : i32
    %scan3A_6 = arith.constant 1 : i32
    scf.for %scan3A_8 = %scan3A_3 to %scan3A_5 step %scan3A_6  : i32 {
      %mul3A_9 = arith.constant 512 : i32
      %mul3A_10 = arith.muli %scan3A_8, %mul3A_9 : i32
      %add3A_11 = arith.addi %mul3A_2, %mul3A_10 : i32
      "tpu.region"() ({
        %run_scoped3A = tpu.sem_alloc : memref<!tpu.dma_semaphore, #tpu.memory_space<semaphore_mem>>
        %dma_start3A = tpu.memref_slice %arg3[%add3A_11] : memref<65536xi32, #tpu.memory_space<hbm>> -> memref<512xi32, #tpu.memory_space<hbm>>
        %dma_start3A_18 = tpu.memref_slice %arg3[%add3A_11] : memref<65536xi32, #tpu.memory_space<hbm>> -> memref<512xi32, #tpu.memory_space<hbm>>
        tpu.enqueue_dma source(%dma_start3A_18 : memref<512xi32, #tpu.memory_space<hbm>>) target(%arg7 : memref<512xi32, #tpu.memory_space<vmem>>) target_semaphore(%run_scoped3A : memref<!tpu.dma_semaphore, #tpu.memory_space<semaphore_mem>>)
        %dma_wait3A = tpu.memref_slice %arg3[%add3A_11] : memref<65536xi32, #tpu.memory_space<hbm>> -> memref<512xi32, #tpu.memory_space<hbm>>
        %dma_wait3A_19 = tpu.memref_slice %arg3[%add3A_11] : memref<65536xi32, #tpu.memory_space<hbm>> -> memref<512xi32, #tpu.memory_space<hbm>>
        tpu.wait_dma2 semaphore(%run_scoped3A : memref<!tpu.dma_semaphore, #tpu.memory_space<semaphore_mem>>) src(%dma_wait3A_19 : memref<512xi32, #tpu.memory_space<hbm>>) dst(%arg7 : memref<512xi32, #tpu.memory_space<vmem>>)
        tpu.yield
      }) : () -> ()
      "tpu.region"() ({
        %run_scoped3A = tpu.sem_alloc : memref<!tpu.dma_semaphore, #tpu.memory_space<semaphore_mem>>
        %dma_start3A = tpu.memref_slice %arg2[%add3A_11] : memref<65536xf32, #tpu.memory_space<hbm>> -> memref<512xf32, #tpu.memory_space<hbm>>
        %dma_start3A_18 = tpu.memref_slice %arg2[%add3A_11] : memref<65536xf32, #tpu.memory_space<hbm>> -> memref<512xf32, #tpu.memory_space<hbm>>
        tpu.enqueue_dma source(%dma_start3A_18 : memref<512xf32, #tpu.memory_space<hbm>>) target(%arg8 : memref<512xf32, #tpu.memory_space<vmem>>) target_semaphore(%run_scoped3A : memref<!tpu.dma_semaphore, #tpu.memory_space<semaphore_mem>>)
        %dma_wait3A = tpu.memref_slice %arg2[%add3A_11] : memref<65536xf32, #tpu.memory_space<hbm>> -> memref<512xf32, #tpu.memory_space<hbm>>
        %dma_wait3A_19 = tpu.memref_slice %arg2[%add3A_11] : memref<65536xf32, #tpu.memory_space<hbm>> -> memref<512xf32, #tpu.memory_space<hbm>>
        tpu.wait_dma2 semaphore(%run_scoped3A : memref<!tpu.dma_semaphore, #tpu.memory_space<semaphore_mem>>) src(%dma_wait3A_19 : memref<512xf32, #tpu.memory_space<hbm>>) dst(%arg8 : memref<512xf32, #tpu.memory_space<vmem>>)
        tpu.yield
      }) : () -> ()
      %scan3A_12 = arith.constant 0 : i32
      %scan3A_13 = arith.constant 0 : i32
      %scan3A_14 = arith.constant 32 : i32
      %scan3A_15 = arith.addi %scan3A_13, %scan3A_14 : i32
      %scan3A_16 = arith.constant 1 : i32
      scf.for %scan3A_18 = %scan3A_13 to %scan3A_15 step %scan3A_16  : i32 {
        %mul3A_19 = arith.constant 16 : i32
        %mul3A_20 = arith.muli %scan3A_18, %mul3A_19 : i32
        %get3A = arith.index_cast %mul3A_20 : i32 to index
        %get3A_21 = tpu.vector_load %arg7[%get3A] {strides = array<i32>} : memref<512xi32, #tpu.memory_space<vmem>>, vector<16xi32>,
        %gather3A = tpu.vector_load_idx %arg6[%get3A_21] : memref<8192xf32, #tpu.memory_space<vmem>>[vector<16xi32>], vector<16xf32>,
        %get3A_22 = arith.index_cast %mul3A_20 : i32 to index
        %get3A_23 = tpu.vector_load %arg8[%get3A_22] {strides = array<i32>} : memref<512xf32, #tpu.memory_space<vmem>>, vector<16xf32>,
        %mul3A_24 = arith.mulf %get3A_23, %gather3A : vector<16xf32>
        %swap3A = arith.index_cast %mul3A_20 : i32 to index
        %swap3A_25 = tpu.vector_load %arg8[%swap3A] {strides = array<i32>} : memref<512xf32, #tpu.memory_space<vmem>>, vector<16xf32>,
        tpu.vector_store %arg8[%swap3A], %mul3A_24 {strides = array<i32>} : memref<512xf32, #tpu.memory_space<vmem>>, vector<16xf32>,
      }
      %scan3A_17 = arith.constant 32 : i32
      "tpu.region"() ({
        %run_scoped3A = tpu.sem_alloc : memref<!tpu.dma_semaphore, #tpu.memory_space<semaphore_mem>>
        %dma_start3A = tpu.memref_slice %arg5[%add3A_11] : memref<65536xf32, #tpu.memory_space<hbm>> -> memref<512xf32, #tpu.memory_space<hbm>>
        %dma_start3A_18 = tpu.memref_slice %arg5[%add3A_11] : memref<65536xf32, #tpu.memory_space<hbm>> -> memref<512xf32, #tpu.memory_space<hbm>>
        tpu.enqueue_dma source(%arg8 : memref<512xf32, #tpu.memory_space<vmem>>) target(%dma_start3A_18 : memref<512xf32, #tpu.memory_space<hbm>>) target_semaphore(%run_scoped3A : memref<!tpu.dma_semaphore, #tpu.memory_space<semaphore_mem>>)
        %dma_wait3A = tpu.memref_slice %arg5[%add3A_11] : memref<65536xf32, #tpu.memory_space<hbm>> -> memref<512xf32, #tpu.memory_space<hbm>>
        %dma_wait3A_19 = tpu.memref_slice %arg5[%add3A_11] : memref<65536xf32, #tpu.memory_space<hbm>> -> memref<512xf32, #tpu.memory_space<hbm>>
        tpu.wait_dma2 semaphore(%run_scoped3A : memref<!tpu.dma_semaphore, #tpu.memory_space<semaphore_mem>>) src(%arg8 : memref<512xf32, #tpu.memory_space<vmem>>) dst(%dma_wait3A_19 : memref<512xf32, #tpu.memory_space<hbm>>)
        tpu.yield
      }) : () -> ()
    }
    %scan3A_7 = arith.constant 4 : i32
    return
  }
}

module attributes {stable_mosaic.version = 14 : i64} {
  func.func @_precompute_body(%arg0: i32, %arg1: memref<1024x512xf32, #tpu.memory_space<vmem>>, %arg2: memref<512x512xf32, #tpu.memory_space<vmem>>, %arg3: memref<512x512xf32, #tpu.memory_space<vmem>>, %arg4: memref<10x20xf32, #tpu.memory_space<vmem>>, %arg5: memref<3x20xf32, #tpu.memory_space<vmem>>, %arg6: memref<40x512xf32, #tpu.memory_space<vmem>>, %arg7: memref<512xf32, #tpu.memory_space<vmem>>, %arg8: memref<1024x512xi32, #tpu.memory_space<vmem>>, %arg9: memref<1024x512xi32, #tpu.memory_space<vmem>>, %arg10: memref<32x512xf32, #tpu.memory_space<vmem>>) attributes {dimension_semantics = [#tpu.dimension_semantics<arbitrary>], iteration_bounds = array<i64: 8>, scalar_prefetch = 0 : i64, scratch_operands = 0 : i64, tpu.core_type = #tpu.core_type<tc>, window_params = [{transform_indices = @transform_0, window_bounds = array<i64: 1024, 512>}, {pipeline_mode = #tpu.pipeline_mode<synchronous>, transform_indices = @transform_1, window_bounds = array<i64: 512, 512>}, {pipeline_mode = #tpu.pipeline_mode<synchronous>, transform_indices = @transform_2, window_bounds = array<i64: 512, 512>}, {pipeline_mode = #tpu.pipeline_mode<synchronous>, transform_indices = @transform_3, window_bounds = array<i64: 10, 20>}, {pipeline_mode = #tpu.pipeline_mode<synchronous>, transform_indices = @transform_4, window_bounds = array<i64: 3, 20>}, {pipeline_mode = #tpu.pipeline_mode<synchronous>, transform_indices = @transform_5, window_bounds = array<i64: 40, 512>}, {pipeline_mode = #tpu.pipeline_mode<synchronous>, transform_indices = @transform_6, window_bounds = array<i64: 512>}, {transform_indices = @transform_7, window_bounds = array<i64: 1024, 512>}, {transform_indices = @transform_8, window_bounds = array<i64: 1024, 512>}, {pipeline_mode = #tpu.pipeline_mode<synchronous>, transform_indices = @transform_9, window_bounds = array<i64: 32, 512>}]} {
    %get3A = arith.constant 0 : index
    %get3A_0 = arith.constant 0 : index
    %get3A_1 = vector.load %arg1[%get3A, %get3A_0] : memref<1024x512xf32, #tpu.memory_space<vmem>>, vector<1024x512xf32>
    %convert_element_type3A = arith.truncf %get3A_1 : vector<1024x512xf32> to vector<1024x512xbf16>
    %convert_element_type3A_2 = arith.extf %convert_element_type3A : vector<1024x512xbf16> to vector<1024x512xf32>
    %bitcast_convert_type3A = tpu.bitcast %convert_element_type3A_2 : vector<1024x512xf32> -> vector<1024x512xi32>
    %slice3A = vector.extract_strided_slice %bitcast_convert_type3A {offsets = [0, 0], sizes = [1024, 256], strides = [1, 1]} : vector<1024x512xi32> to vector<1024x256xi32>
    %shift_right_logical3A = arith.constant 16 : i32
    %shift_right_logical3A_3 = vector.broadcast %shift_right_logical3A : i32 to vector<1024x256xi32>
    %shift_right_logical3A_4 = arith.shrui %slice3A, %shift_right_logical3A_3 : vector<1024x256xi32>
    %slice3A_5 = vector.extract_strided_slice %bitcast_convert_type3A {offsets = [0, 256], sizes = [1024, 256], strides = [1, 1]} : vector<1024x512xi32> to vector<1024x256xi32>
    %and3A = arith.constant -65536 : i32
    %and3A_6 = vector.broadcast %and3A : i32 to vector<1024x256xi32>
    %and3A_7 = arith.andi %slice3A_5, %and3A_6 : vector<1024x256xi32>
    %or3A = arith.ori %shift_right_logical3A_4, %and3A_7 : vector<1024x256xi32>
    %bitcast_convert_type3A_8 = tpu.bitcast %or3A : vector<1024x256xi32> -> vector<1024x256xi32>
    %swap3A = arith.constant 0 : index
    %swap3A_9 = arith.constant 0 : index
    %swap3A_10 = vector.load %arg8[%swap3A, %swap3A_9] : memref<1024x512xi32, #tpu.memory_space<vmem>>, vector<1024x256xi32>
    tpu.vector_store %arg8[%swap3A, %swap3A_9], %bitcast_convert_type3A_8 {strides = array<i32>} : memref<1024x512xi32, #tpu.memory_space<vmem>>, vector<1024x256xi32>,
    %get3A_11 = arith.constant 0 : index
    %get3A_12 = arith.constant 0 : index
    %get3A_13 = vector.load %arg2[%get3A_11, %get3A_12] : memref<512x512xf32, #tpu.memory_space<vmem>>, vector<512x512xf32>
    %dot_general3A = arith.constant dense<0.000000e+00> : vector<1024x512xf32>
    %dot_general3A_14 = tpu.matmul %get3A_1, %get3A_13, %dot_general3A {dimension_numbers = #tpu.dot_dimension_numbers<[1], [0], [0], [1], [0, 0, 1, 1], [], []>, transpose_lhs_hint = false} : vector<1024x512xf32>, vector<512x512xf32>, vector<1024x512xf32> -> vector<1024x512xf32>
    %convert_element_type3A_15 = arith.truncf %dot_general3A_14 : vector<1024x512xf32> to vector<1024x512xbf16>
    %convert_element_type3A_16 = arith.extf %convert_element_type3A_15 : vector<1024x512xbf16> to vector<1024x512xf32>
    %bitcast_convert_type3A_17 = tpu.bitcast %convert_element_type3A_16 : vector<1024x512xf32> -> vector<1024x512xi32>
    %slice3A_18 = vector.extract_strided_slice %bitcast_convert_type3A_17 {offsets = [0, 0], sizes = [1024, 256], strides = [1, 1]} : vector<1024x512xi32> to vector<1024x256xi32>
    %shift_right_logical3A_19 = arith.constant 16 : i32
    %shift_right_logical3A_20 = vector.broadcast %shift_right_logical3A_19 : i32 to vector<1024x256xi32>
    %shift_right_logical3A_21 = arith.shrui %slice3A_18, %shift_right_logical3A_20 : vector<1024x256xi32>
    %slice3A_22 = vector.extract_strided_slice %bitcast_convert_type3A_17 {offsets = [0, 256], sizes = [1024, 256], strides = [1, 1]} : vector<1024x512xi32> to vector<1024x256xi32>
    %and3A_23 = arith.constant -65536 : i32
    %and3A_24 = vector.broadcast %and3A_23 : i32 to vector<1024x256xi32>
    %and3A_25 = arith.andi %slice3A_22, %and3A_24 : vector<1024x256xi32>
    %or3A_26 = arith.ori %shift_right_logical3A_21, %and3A_25 : vector<1024x256xi32>
    %bitcast_convert_type3A_27 = tpu.bitcast %or3A_26 : vector<1024x256xi32> -> vector<1024x256xi32>
    %swap3A_28 = arith.constant 0 : index
    %swap3A_29 = arith.constant 256 : index
    %swap3A_30 = vector.load %arg8[%swap3A_28, %swap3A_29] : memref<1024x512xi32, #tpu.memory_space<vmem>>, vector<1024x256xi32>
    tpu.vector_store %arg8[%swap3A_28, %swap3A_29], %bitcast_convert_type3A_27 {strides = array<i32>} : memref<1024x512xi32, #tpu.memory_space<vmem>>, vector<1024x256xi32>,
    %swap3A_31 = arith.constant 0 : index
    %swap3A_32 = arith.constant 0 : index
    %swap3A_33 = vector.load %arg9[%swap3A_31, %swap3A_32] : memref<1024x512xi32, #tpu.memory_space<vmem>>, vector<1024x256xi32>
    tpu.vector_store %arg9[%swap3A_31, %swap3A_32], %bitcast_convert_type3A_8 {strides = array<i32>} : memref<1024x512xi32, #tpu.memory_space<vmem>>, vector<1024x256xi32>,
    %get3A_34 = arith.constant 0 : index
    %get3A_35 = arith.constant 0 : index
    %get3A_36 = vector.load %arg3[%get3A_34, %get3A_35] : memref<512x512xf32, #tpu.memory_space<vmem>>, vector<512x512xf32>
    %dot_general3A_37 = arith.constant dense<0.000000e+00> : vector<1024x512xf32>
    %dot_general3A_38 = tpu.matmul %get3A_1, %get3A_36, %dot_general3A_37 {dimension_numbers = #tpu.dot_dimension_numbers<[1], [0], [0], [1], [0, 0, 1, 1], [], []>, transpose_lhs_hint = false} : vector<1024x512xf32>, vector<512x512xf32>, vector<1024x512xf32> -> vector<1024x512xf32>
    %convert_element_type3A_39 = arith.truncf %dot_general3A_38 : vector<1024x512xf32> to vector<1024x512xbf16>
    %convert_element_type3A_40 = arith.extf %convert_element_type3A_39 : vector<1024x512xbf16> to vector<1024x512xf32>
    %bitcast_convert_type3A_41 = tpu.bitcast %convert_element_type3A_40 : vector<1024x512xf32> -> vector<1024x512xi32>
    %slice3A_42 = vector.extract_strided_slice %bitcast_convert_type3A_41 {offsets = [0, 0], sizes = [1024, 256], strides = [1, 1]} : vector<1024x512xi32> to vector<1024x256xi32>
    %shift_right_logical3A_43 = arith.constant 16 : i32
    %shift_right_logical3A_44 = vector.broadcast %shift_right_logical3A_43 : i32 to vector<1024x256xi32>
    %shift_right_logical3A_45 = arith.shrui %slice3A_42, %shift_right_logical3A_44 : vector<1024x256xi32>
    %slice3A_46 = vector.extract_strided_slice %bitcast_convert_type3A_41 {offsets = [0, 256], sizes = [1024, 256], strides = [1, 1]} : vector<1024x512xi32> to vector<1024x256xi32>
    %and3A_47 = arith.constant -65536 : i32
    %and3A_48 = vector.broadcast %and3A_47 : i32 to vector<1024x256xi32>
    %and3A_49 = arith.andi %slice3A_46, %and3A_48 : vector<1024x256xi32>
    %or3A_50 = arith.ori %shift_right_logical3A_45, %and3A_49 : vector<1024x256xi32>
    %bitcast_convert_type3A_51 = tpu.bitcast %or3A_50 : vector<1024x256xi32> -> vector<1024x256xi32>
    %swap3A_52 = arith.constant 0 : index
    %swap3A_53 = arith.constant 256 : index
    %swap3A_54 = vector.load %arg9[%swap3A_52, %swap3A_53] : memref<1024x512xi32, #tpu.memory_space<vmem>>, vector<1024x256xi32>
    tpu.vector_store %arg9[%swap3A_52, %swap3A_53], %bitcast_convert_type3A_51 {strides = array<i32>} : memref<1024x512xi32, #tpu.memory_space<vmem>>, vector<1024x256xi32>,
    %eq3A = arith.constant 0 : i32
    %eq3A_55 = arith.cmpi eq, %arg0, %eq3A : i32
    %convert_element_type3A_56 = arith.extui %eq3A_55 : i1 to i32
    %cond3A = arith.constant 0 : i32
    %cond3A_57 = arith.cmpi ne, %convert_element_type3A_56, %cond3A : i32
    scf.if %cond3A_57 {
      %iota3A = tpu.iota {dimensions = array<i32: 0>} : vector<32x1xi32>
      %jit3A = arith.constant 3 : i32
      %div3A = vector.broadcast %jit3A : i32 to vector<32x1xi32>
      %div3A_58 = arith.divsi %iota3A, %div3A : vector<32x1xi32>
      %sign3A = arith.constant 0 : i32
      %sign3A_59 = vector.broadcast %sign3A : i32 to vector<32x1xi32>
      %sign3A_60 = arith.cmpi sgt, %iota3A, %sign3A_59 : vector<32x1xi32>
      %sign3A_61 = arith.extui %sign3A_60 : vector<32x1xi1> to vector<32x1xi32>
      %sign3A_62 = arith.constant 0 : i32
      %sign3A_63 = vector.broadcast %sign3A_62 : i32 to vector<32x1xi32>
      %sign3A_64 = arith.cmpi slt, %iota3A, %sign3A_63 : vector<32x1xi32>
      %sign3A_65 = arith.extui %sign3A_64 : vector<32x1xi1> to vector<32x1xi32>
      %sign3A_66 = arith.subi %sign3A_61, %sign3A_65 : vector<32x1xi32>
      %sign3A_67 = arith.constant 0 : i32
      %sign3A_68 = arith.cmpi sgt, %jit3A, %sign3A_67 : i32
      %sign3A_69 = arith.extui %sign3A_68 : i1 to i32
      %sign3A_70 = arith.constant 0 : i32
      %sign3A_71 = arith.cmpi slt, %jit3A, %sign3A_70 : i32
      %sign3A_72 = arith.extui %sign3A_71 : i1 to i32
      %sign3A_73 = arith.subi %sign3A_69, %sign3A_72 : i32
      %ne3A = vector.broadcast %sign3A_73 : i32 to vector<32x1xi32>
      %ne3A_74 = arith.cmpi ne, %sign3A_66, %ne3A : vector<32x1xi32>
      %rem3A = vector.broadcast %jit3A : i32 to vector<32x1xi32>
      %rem3A_75 = arith.remsi %iota3A, %rem3A : vector<32x1xi32>
      %ne3A_76 = arith.constant 0 : i32
      %ne3A_77 = vector.broadcast %ne3A_76 : i32 to vector<32x1xi32>
      %ne3A_78 = arith.cmpi ne, %rem3A_75, %ne3A_77 : vector<32x1xi32>
      %and3A_79 = arith.andi %ne3A_74, %ne3A_78 : vector<32x1xi1>
      %sub3A = arith.constant 1 : i32
      %sub3A_80 = vector.broadcast %sub3A : i32 to vector<32x1xi32>
      %sub3A_81 = arith.subi %div3A_58, %sub3A_80 : vector<32x1xi32>
      %select_n3A = arith.select %and3A_79, %sub3A_81, %div3A_58 : vector<32x1xi1>, vector<32x1xi32>
      %mul3A = arith.constant 3 : i32
      %mul3A_82 = vector.broadcast %mul3A : i32 to vector<32x1xi32>
      %mul3A_83 = arith.muli %select_n3A, %mul3A_82 : vector<32x1xi32>
      %sub3A_84 = arith.subi %iota3A, %mul3A_83 : vector<32x1xi32>
      %iota3A_85 = tpu.iota {dimensions = array<i32: 1>} : vector<32x10xi32>
      %eq3A_86 = vector.broadcast %select_n3A : vector<32x1xi32> to vector<32x10xi32>
      %eq3A_87 = arith.cmpi eq, %eq3A_86, %iota3A_85 : vector<32x10xi32>
      %convert_element_type3A_88 = arith.extui %eq3A_87 : vector<32x10xi1> to vector<32x10xi32>
      %convert_element_type3A_89 = arith.sitofp %convert_element_type3A_88 : vector<32x10xi32> to vector<32x10xf32>
      %iota3A_90 = tpu.iota {dimensions = array<i32: 1>} : vector<32x3xi32>
      %eq3A_91 = vector.broadcast %sub3A_84 : vector<32x1xi32> to vector<32x3xi32>
      %eq3A_92 = arith.cmpi eq, %eq3A_91, %iota3A_90 : vector<32x3xi32>
      %convert_element_type3A_93 = arith.extui %eq3A_92 : vector<32x3xi1> to vector<32x3xi32>
      %convert_element_type3A_94 = arith.sitofp %convert_element_type3A_93 : vector<32x3xi32> to vector<32x3xf32>
      %get3A_95 = arith.constant 0 : index
      %get3A_96 = arith.constant 0 : index
      %get3A_97 = vector.load %arg4[%get3A_95, %get3A_96] : memref<10x20xf32, #tpu.memory_space<vmem>>, vector<10x20xf32>
      %dot_general3A_98 = arith.constant dense<0.000000e+00> : vector<32x20xf32>
      %dot_general3A_99 = tpu.matmul %convert_element_type3A_89, %get3A_97, %dot_general3A_98 {dimension_numbers = #tpu.dot_dimension_numbers<[1], [0], [0], [1], [0, 0, 1, 1], [], []>, transpose_lhs_hint = false} : vector<32x10xf32>, vector<10x20xf32>, vector<32x20xf32> -> vector<32x20xf32>
      %get3A_100 = arith.constant 0 : index
      %get3A_101 = arith.constant 0 : index
      %get3A_102 = vector.load %arg5[%get3A_100, %get3A_101] : memref<3x20xf32, #tpu.memory_space<vmem>>, vector<3x20xf32>
      %dot_general3A_103 = arith.constant dense<0.000000e+00> : vector<32x20xf32>
      %dot_general3A_104 = tpu.matmul %convert_element_type3A_94, %get3A_102, %dot_general3A_103 {dimension_numbers = #tpu.dot_dimension_numbers<[1], [0], [0], [1], [0, 0, 1, 1], [], []>, transpose_lhs_hint = false} : vector<32x3xf32>, vector<3x20xf32>, vector<32x20xf32> -> vector<32x20xf32>
      %concatenate3A = tpu.concatenate %dot_general3A_99, %dot_general3A_104 in 1 : vector<32x20xf32>, vector<32x20xf32> -> vector<32x40xf32>
      %get3A_105 = arith.constant 0 : index
      %get3A_106 = arith.constant 0 : index
      %get3A_107 = vector.load %arg6[%get3A_105, %get3A_106] : memref<40x512xf32, #tpu.memory_space<vmem>>, vector<40x512xf32>
      %dot_general3A_108 = arith.constant dense<0.000000e+00> : vector<32x512xf32>
      %dot_general3A_109 = tpu.matmul %concatenate3A, %get3A_107, %dot_general3A_108 {dimension_numbers = #tpu.dot_dimension_numbers<[1], [0], [0], [1], [0, 0, 1, 1], [], []>, transpose_lhs_hint = false} : vector<32x40xf32>, vector<40x512xf32>, vector<32x512xf32> -> vector<32x512xf32>
      %get3A_110 = arith.constant 0 : index
      %get3A_111 = vector.load %arg7[%get3A_110] : memref<512xf32, #tpu.memory_space<vmem>>, vector<512xf32>
      %broadcast_in_dim3A = vector.shape_cast %get3A_111 : vector<512xf32> to vector<1x512xf32>
      %add3A = vector.broadcast %broadcast_in_dim3A : vector<1x512xf32> to vector<32x512xf32>
      %add3A_112 = arith.addf %dot_general3A_109, %add3A : vector<32x512xf32>
      %swap3A_113 = arith.constant 0 : index
      %swap3A_114 = arith.constant 0 : index
      %swap3A_115 = vector.load %arg10[%swap3A_113, %swap3A_114] : memref<32x512xf32, #tpu.memory_space<vmem>>, vector<32x512xf32>
      tpu.vector_store %arg10[%swap3A_113, %swap3A_114], %add3A_112 {strides = array<i32>} : memref<32x512xf32, #tpu.memory_space<vmem>>, vector<32x512xf32>,
    } else {
    }
    return
  }
  func.func @transform_0(%arg0: i32) -> (i32, i32) {
    %c0_i32 = arith.constant 0 : i32
    %c0_i32_0 = arith.constant 0 : i32
    return %arg0, %c0_i32 : i32, i32
  }
  func.func @transform_1(%arg0: i32) -> (i32, i32) {
    %c0_i32 = arith.constant 0 : i32
    %c0_i32_0 = arith.constant 0 : i32
    %c0_i32_1 = arith.constant 0 : i32
    return %c0_i32, %c0_i32_0 : i32, i32
  }
  func.func @transform_2(%arg0: i32) -> (i32, i32) {
    %c0_i32 = arith.constant 0 : i32
    %c0_i32_0 = arith.constant 0 : i32
    %c0_i32_1 = arith.constant 0 : i32
    return %c0_i32, %c0_i32_0 : i32, i32
  }
  func.func @transform_3(%arg0: i32) -> (i32, i32) {
    %c0_i32 = arith.constant 0 : i32
    %c0_i32_0 = arith.constant 0 : i32
    %c0_i32_1 = arith.constant 0 : i32
    return %c0_i32, %c0_i32_0 : i32, i32
  }
  func.func @transform_4(%arg0: i32) -> (i32, i32) {
    %c0_i32 = arith.constant 0 : i32
    %c0_i32_0 = arith.constant 0 : i32
    %c0_i32_1 = arith.constant 0 : i32
    return %c0_i32, %c0_i32_0 : i32, i32
  }
  func.func @transform_5(%arg0: i32) -> (i32, i32) {
    %c0_i32 = arith.constant 0 : i32
    %c0_i32_0 = arith.constant 0 : i32
    %c0_i32_1 = arith.constant 0 : i32
    return %c0_i32, %c0_i32_0 : i32, i32
  }
  func.func @transform_6(%arg0: i32) -> i32 {
    %c0_i32 = arith.constant 0 : i32
    %c0_i32_0 = arith.constant 0 : i32
    return %c0_i32 : i32
  }
  func.func @transform_7(%arg0: i32) -> (i32, i32) {
    %c0_i32 = arith.constant 0 : i32
    %c0_i32_0 = arith.constant 0 : i32
    return %arg0, %c0_i32 : i32, i32
  }
  func.func @transform_8(%arg0: i32) -> (i32, i32) {
    %c0_i32 = arith.constant 0 : i32
    %c0_i32_0 = arith.constant 0 : i32
    return %arg0, %c0_i32 : i32, i32
  }
  func.func @transform_9(%arg0: i32) -> (i32, i32) {
    %c0_i32 = arith.constant 0 : i32
    %c0_i32_0 = arith.constant 0 : i32
    %c0_i32_1 = arith.constant 0 : i32
    return %c0_i32, %c0_i32_0 : i32, i32
  }
}

module attributes {stable_mosaic.version = 14 : i64} {
  func.func @_mlp_body(%arg0: i32, %arg1: memref<512x1024xbf16, #tpu.memory_space<vmem>>, %arg2: memref<512x512xbf16, #tpu.memory_space<vmem>>, %arg3: memref<32x512xf32, #tpu.memory_space<vmem>>, %arg4: memref<512xf32, #tpu.memory_space<vmem>>, %arg5: memref<1x1x512xf32, #tpu.memory_space<vmem>>, %arg6: memref<1x1x512xi32, #tpu.memory_space<vmem>>, %arg7: memref<1xf32, #tpu.memory_space<smem>>, %arg8: memref<1x1x512xf32, #tpu.memory_space<vmem>>, %arg9: memref<1x1x512xf32, #tpu.memory_space<vmem>>) attributes {dimension_semantics = [#tpu.dimension_semantics<arbitrary>], iteration_bounds = array<i64: 128>, scalar_prefetch = 0 : i64, scratch_operands = 0 : i64, tpu.core_type = #tpu.core_type<tc>, window_params = [{transform_indices = @transform_0, window_bounds = array<i64: 512, 1024>}, {pipeline_mode = #tpu.pipeline_mode<synchronous>, transform_indices = @transform_1, window_bounds = array<i64: 512, 512>}, {pipeline_mode = #tpu.pipeline_mode<synchronous>, transform_indices = @transform_2, window_bounds = array<i64: 32, 512>}, {pipeline_mode = #tpu.pipeline_mode<synchronous>, transform_indices = @transform_3, window_bounds = array<i64: 512>}, {transform_indices = @transform_4, window_bounds = array<i64: 1, 1, 512>}, {transform_indices = @transform_5, window_bounds = array<i64: 1, 1, 512>}, {transform_indices = @transform_6, window_bounds = array<i64: 1>}, {transform_indices = @transform_7, window_bounds = array<i64: 1, 1, 512>}, {transform_indices = @transform_8, window_bounds = array<i64: 1, 1, 512>}]} {
    %iota3A = tpu.iota {dimensions = array<i32: 0>} : vector<32x512xi32>
    %get3A = arith.constant 0 : index
    %get3A_0 = arith.constant 0 : index
    %get3A_1 = arith.constant 0 : index
    %get3A_2 = vector.load %arg6[%get3A, %get3A_0, %get3A_1] : memref<1x1x512xi32, #tpu.memory_space<vmem>>, vector<1x1x512xi32>
    %get3A_3 = vector.shape_cast %get3A_2 : vector<1x1x512xi32> to vector<1x512xi32>
    %eq3A = vector.broadcast %get3A_3 : vector<1x512xi32> to vector<32x512xi32>
    %eq3A_4 = arith.cmpi eq, %iota3A, %eq3A : vector<32x512xi32>
    %convert_element_type3A = arith.extui %eq3A_4 : vector<32x512xi1> to vector<32x512xi32>
    %convert_element_type3A_5 = arith.sitofp %convert_element_type3A : vector<32x512xi32> to vector<32x512xf32>
    %get3A_6 = arith.constant 0 : index
    %get3A_7 = arith.constant 0 : index
    %get3A_8 = vector.load %arg3[%get3A_6, %get3A_7] : memref<32x512xf32, #tpu.memory_space<vmem>>, vector<32x512xf32>
    %dot_general3A = arith.constant dense<0.000000e+00> : vector<512x512xf32>
    %dot_general3A_9 = tpu.matmul %convert_element_type3A_5, %get3A_8, %dot_general3A {dimension_numbers = #tpu.dot_dimension_numbers<[0], [0], [1], [1], [0, 1, 1, 1], [], []>, transpose_lhs_hint = false} : vector<32x512xf32>, vector<32x512xf32>, vector<512x512xf32> -> vector<512x512xf32>
    %get3A_10 = arith.constant 0 : index
    %get3A_11 = arith.constant 0 : index
    %get3A_12 = vector.load %arg1[%get3A_10, %get3A_11] : memref<512x1024xbf16, #tpu.memory_space<vmem>>, vector<512x512xbf16>
    %get3A_13 = arith.constant 0 : index
    %get3A_14 = arith.constant 0 : index
    %get3A_15 = vector.load %arg2[%get3A_13, %get3A_14] : memref<512x512xbf16, #tpu.memory_space<vmem>>, vector<512x512xbf16>
    %dot_general3A_16 = arith.constant dense<0.000000e+00> : vector<512x512xf32>
    %dot_general3A_17 = tpu.matmul %get3A_12, %get3A_15, %dot_general3A_16 {dimension_numbers = #tpu.dot_dimension_numbers<[1], [0], [0], [1], [0, 0, 1, 1], [], []>, transpose_lhs_hint = false} : vector<512x512xbf16>, vector<512x512xbf16>, vector<512x512xf32> -> vector<512x512xf32>
    %get3A_18 = arith.constant 0 : index
    %get3A_19 = arith.constant 512 : index
    %get3A_20 = vector.load %arg1[%get3A_18, %get3A_19] : memref<512x1024xbf16, #tpu.memory_space<vmem>>, vector<512x512xbf16>
    %convert_element_type3A_21 = arith.extf %get3A_20 : vector<512x512xbf16> to vector<512x512xf32>
    %add3A = arith.addf %dot_general3A_17, %convert_element_type3A_21 : vector<512x512xf32>
    %add3A_22 = arith.addf %add3A, %dot_general3A_9 : vector<512x512xf32>
    %max3A = arith.constant 0.000000e+00 : f32
    %max3A_23 = vector.broadcast %max3A : f32 to vector<512x512xf32>
    %max3A_24 = arith.maximumf %add3A_22, %max3A_23 : vector<512x512xf32>
    %get3A_25 = arith.constant 0 : index
    %get3A_26 = vector.load %arg4[%get3A_25] : memref<512xf32, #tpu.memory_space<vmem>>, vector<512xf32>
    %broadcast_in_dim3A = vector.shape_cast %get3A_26 : vector<512xf32> to vector<1x512xf32>
    %mul3A = vector.broadcast %broadcast_in_dim3A : vector<1x512xf32> to vector<512x512xf32>
    %mul3A_27 = arith.mulf %max3A_24, %mul3A : vector<512x512xf32>
    %reduce_sum3A = arith.constant dense<0.000000e+00> : vector<512xf32>
    %reduce_sum3A_28 = vector.multi_reduction <add>, %mul3A_27, %reduce_sum3A [1] : vector<512x512xf32> to vector<512xf32>
    %get3A_29 = arith.constant 0 : index
    %get3A_30 = arith.constant 0 : index
    %get3A_31 = arith.constant 0 : index
    %get3A_32 = vector.load %arg5[%get3A_29, %get3A_30, %get3A_31] : memref<1x1x512xf32, #tpu.memory_space<vmem>>, vector<1x1x512xf32>
    %get3A_33 = vector.shape_cast %get3A_32 : vector<1x1x512xf32> to vector<512xf32>
    %add3A_34 = arith.addf %reduce_sum3A_28, %get3A_33 : vector<512xf32>
    %get3A_35 = arith.constant 0 : index
    %get3A_36 = memref.load %arg7[%get3A_35] : memref<1xf32, #tpu.memory_space<smem>>
    %add3A_37 = vector.broadcast %get3A_36 : f32 to vector<512xf32>
    %add3A_38 = arith.addf %add3A_34, %add3A_37 : vector<512xf32>
    %swap3A = arith.constant 0 : index
    %swap3A_39 = arith.constant 0 : index
    %swap3A_40 = arith.constant 0 : index
    %swap3A_41 = vector.load %arg8[%swap3A, %swap3A_39, %swap3A_40] : memref<1x1x512xf32, #tpu.memory_space<vmem>>, vector<1x1x512xf32>
    %swap3A_42 = vector.shape_cast %swap3A_41 : vector<1x1x512xf32> to vector<512xf32>
    %swap3A_43 = vector.shape_cast %add3A_38 : vector<512xf32> to vector<1x1x512xf32>
    tpu.vector_store %arg8[%swap3A, %swap3A_39, %swap3A_40], %swap3A_43 {strides = array<i32>} : memref<1x1x512xf32, #tpu.memory_space<vmem>>, vector<1x1x512xf32>,
    %exp3A = math.exp %add3A_38 : vector<512xf32>
    %swap3A_44 = arith.constant 0 : index
    %swap3A_45 = arith.constant 0 : index
    %swap3A_46 = arith.constant 0 : index
    %swap3A_47 = vector.load %arg9[%swap3A_44, %swap3A_45, %swap3A_46] : memref<1x1x512xf32, #tpu.memory_space<vmem>>, vector<1x1x512xf32>
    %swap3A_48 = vector.shape_cast %swap3A_47 : vector<1x1x512xf32> to vector<512xf32>
    %swap3A_49 = vector.shape_cast %exp3A : vector<512xf32> to vector<1x1x512xf32>
    tpu.vector_store %arg9[%swap3A_44, %swap3A_45, %swap3A_46], %swap3A_49 {strides = array<i32>} : memref<1x1x512xf32, #tpu.memory_space<vmem>>, vector<1x1x512xf32>,
    return
  }
  func.func @transform_0(%arg0: i32) -> (i32, i32) {
    %c0_i32 = arith.constant 0 : i32
    %c0_i32_0 = arith.constant 0 : i32
    return %arg0, %c0_i32 : i32, i32
  }
  func.func @transform_1(%arg0: i32) -> (i32, i32) {
    %c0_i32 = arith.constant 0 : i32
    %c0_i32_0 = arith.constant 0 : i32
    %c0_i32_1 = arith.constant 0 : i32
    return %c0_i32, %c0_i32_0 : i32, i32
  }
  func.func @transform_2(%arg0: i32) -> (i32, i32) {
    %c0_i32 = arith.constant 0 : i32
    %c0_i32_0 = arith.constant 0 : i32
    %c0_i32_1 = arith.constant 0 : i32
    return %c0_i32, %c0_i32_0 : i32, i32
  }
  func.func @transform_3(%arg0: i32) -> i32 {
    %c0_i32 = arith.constant 0 : i32
    %c0_i32_0 = arith.constant 0 : i32
    return %c0_i32 : i32
  }
  func.func @transform_4(%arg0: i32) -> (i32, i32, i32) {
    %c0_i32 = arith.constant 0 : i32
    %c0_i32_0 = arith.constant 0 : i32
    %c0_i32_1 = arith.constant 0 : i32
    return %arg0, %c0_i32, %c0_i32_0 : i32, i32, i32
  }
  func.func @transform_5(%arg0: i32) -> (i32, i32, i32) {
    %c0_i32 = arith.constant 0 : i32
    %c0_i32_0 = arith.constant 0 : i32
    %c0_i32_1 = arith.constant 0 : i32
    return %arg0, %c0_i32, %c0_i32_0 : i32, i32, i32
  }
  func.func @transform_6(%arg0: i32) -> i32 {
    %c0_i32 = arith.constant 0 : i32
    %c0_i32_0 = arith.constant 0 : i32
    return %c0_i32 : i32
  }
  func.func @transform_7(%arg0: i32) -> (i32, i32, i32) {
    %c0_i32 = arith.constant 0 : i32
    %c0_i32_0 = arith.constant 0 : i32
    %c0_i32_1 = arith.constant 0 : i32
    return %arg0, %c0_i32, %c0_i32_0 : i32, i32, i32
  }
  func.func @transform_8(%arg0: i32) -> (i32, i32, i32) {
    %c0_i32 = arith.constant 0 : i32
    %c0_i32_0 = arith.constant 0 : i32
    %c0_i32_1 = arith.constant 0 : i32
    return %arg0, %c0_i32, %c0_i32_0 : i32, i32, i32
  }
}

module attributes {stable_mosaic.version = 14 : i64} {
  func.func @_denom_body(%arg0: memref<32x8192xf32, #tpu.memory_space<vmem>>, %arg1: memref<8192xf32, #tpu.memory_space<vmem>>) attributes {dimension_semantics = [], scalar_prefetch = 0 : i64, scratch_operands = 0 : i64, tpu.core_type = #tpu.core_type<tc>} {
    %get3A = arith.constant 0 : index
    %get3A_0 = arith.constant 0 : index
    %get3A_1 = vector.load %arg0[%get3A, %get3A_0] : memref<32x8192xf32, #tpu.memory_space<vmem>>, vector<32x8192xf32>
    %reduce_sum3A = arith.constant dense<0.000000e+00> : vector<8192xf32>
    %reduce_sum3A_2 = vector.multi_reduction <add>, %get3A_1, %reduce_sum3A [0] : vector<32x8192xf32> to vector<8192xf32>
    %add3A = arith.constant 1.000000e+00 : f32
    %add3A_3 = vector.broadcast %add3A : f32 to vector<8192xf32>
    %add3A_4 = arith.addf %reduce_sum3A_2, %add3A_3 : vector<8192xf32>
    %div3A = arith.constant 1.000000e+00 : f32
    %div3A_5 = vector.broadcast %div3A : f32 to vector<8192xf32>
    %div3A_6 = arith.divf %div3A_5, %add3A_4 : vector<8192xf32>
    %swap3A = arith.constant 0 : index
    %swap3A_7 = vector.load %arg1[%swap3A] : memref<8192xf32, #tpu.memory_space<vmem>>, vector<8192xf32>
    tpu.vector_store %arg1[%swap3A], %div3A_6 {strides = array<i32>} : memref<8192xf32, #tpu.memory_space<vmem>>, vector<8192xf32>,
    return
  }
}

</mosaic_0001>

<sc_bundles>
// kernel: kernel.11.cloned.1.call-start
scs
__scs_entry_jumppad:
0x0: {  	(pc) =	sbr.rel $0x88, $3  }
0x1: {  	(tag) =	ssettag $0x0;
	lr =	simm.s32 $0x1  }
0x2: {  	[smem:$0x3F95] =	sst lr;
	_ =	strace $0xD0000000  }
0x3: {  	_ = 	snop  }
0x4: {  	_ = 	snop  }
0x5: {  	_ = 	snop  }
0x6: {  	_ = 	snop  }
0x7: {  	_ = 	snop  }
__scs_overlays_trampoline_lowered:
0x8: {  	[smem:$0x3FA4] =	sst s0  }
0x9: {  	[smem:$0x3FA5] =	sst s1  }
0xa: {  	[smem:$0x3FA6] =	sst s2  }
0xb: {  	[smem:$0x3FA7] =	sst s3  }
0xc: {  	[smem:$0x3FA8] =	sst s4  }
0xd: {  	[smem:$0x3FA9] =	sst s5  }
0xe: {  	[smem:$0x3FAA] =	sst s6  }
0xf: {  	[smem:$0x3FAB] =	sst s7  }
0x10: {  	[smem:$0x3FAC] =	sst s8  }
0x11: {  	[smem:$0x3FAD] =	sst s9;
	s0 =	simm.s32 @!p0 $0x0  }
0x12: {  	s1 =	sld [smem:$0x3F93];
	s0 =	simm.s32 @p0 $0x1  }
0x13: {  	[smem:$0x3FAE] =	sst s0;
	s0 =	simm.s32 @!p1 $0x0  }
0x14: {  	s2 =	sld [smem:$0x3F92];
	s0 =	simm.s32 @p1 $0x1  }
0x15: {  	[smem:$0x3FAF] =	sst s0;
	s0 =	simm.s32 @!p2 $0x0  }
0x16: {  	s3 =	sld [smem:$0x3FDB];
	s0 =	simm.s32 @p2 $0x1  }
0x17: {  	s4 =	simm.s32 $0x1BF5;
	[smem:$0x3FB1] =	sst s0  }
0x18: {  	s0 =	sld [smem:$0x3F94];
	_ =	swait.ge [sflag:s4], $0x0  }
0x19: {  	s7 =	sld [smem:$0x3F95]  }
0x1a: {  	s8 =	sadd.s32 $0xFFFFE003, lr  }
0x1b: {  	s9 =	sadd.s32 $0xFFFFFEF7, lr;
	s5 =	simm.s32 $0xFFFFFFFF;
	p2 =	slt.u32 s8, $0xFFFFF086  }
0x1c: {  	p1 =	slt.u32 s9, $0xF7A;
	s5 =	simm.s32 @!p2 $0x0  }
0x1d: {  	s5 =	simm.s32 @p1 $0x1;
	p0 =	seq.s32 s7, s2  }
0x1e: {  	s7 =	smul.u32 @!p0 $0xF7A, s2;
	p2 =	seq.s32 @!p0 s5, $0x0  }
0x1f: {  	s9 =	smul.u32 $0xF7A, s1;
	s8 =	simm.s32 @!p0 $0x1BF5;
	p2 =	por !p2, p0  }
0x20: {  	[sflag:s8] =	ssyncset.s32 @!p0 $0xFFFFF086;
	s6 =	sadd.s32 @!p0 s3, s7;
	s7 =	simm.s32 @!p0 $0x108  }
0x21: {  	s3 =	sadd.s32 s3, s9;
	s6 =	sadd.s32 @!p0 $0x88, s6;
	s7 =	simm.s32 @p2 $0x1082  }
0x22: {  	[simem:s7], [sflag:s8] =	dma.local @!p0 [hbm:s6], $0xF7A  }
0x23: {  	s9 =	sor.u32 $0xD0000000, s2;
	s6 =	simm.s32 $0x108;
	_ =	swait.ge @!p0 [sflag:s8], $0x0  }
0x24: {  	s3 =	sadd.s32 $0x88, s3;
	s6 =	simm.s32 @!p1 $0x1082;
	[sflag:s4] =	ssyncset.s32 $0xFFFFF086  }
0x25: {  	[simem:s6], [sflag:s4] =	dma.local [hbm:s3], $0xF7A  }
0x26: {  	[smem:$0x3F95] =	sst s1;
	(tag) =	ssettag s2;
	_ =	strace s9  }
0x27: {  	s1 =	sld [smem:$0x3FA5]  }
0x28: {  	s2 =	sld [smem:$0x3FA6]  }
0x29: {  	s4 =	sld [smem:$0x3FA8]  }
0x2a: {  	p0 =	seq.s32 s5, $0x0;
	s5 =	sld [smem:$0x3FA9]  }
0x2b: {  	s6 =	sld [smem:$0x3FAA]  }
0x2c: {  	s7 =	sld [smem:$0x3FAB]  }
0x2d: {  	s3 =	simm.s32 $0x108;
	s8 =	sld [smem:$0x3FAC]  }
0x2e: {  	s3 =	simm.s32 @!p0 $0x1082;
	s9 =	sld [smem:$0x3FAD]  }
0x2f: {  	lr =	sadd.s32 s0, s3;
	s0 =	sld [smem:$0x3FA4]  }
0x30: {  	s3 =	sld [smem:$0x3FA7]  }
0x31: {  	[smem:$0x3FB0] =	sst s10  }
0x32: {  	s10 =	sld [smem:$0x3FAE];
	_ =	sdelay $0x3  }
0x33: {  	p0 =	seq.s32 s10, $0x1;
	s10 =	sld [smem:$0x3FB0];
	_ =	sdelay $0x3  }
0x34: {  	[smem:$0x3FB0] =	sst s10  }
0x35: {  	s10 =	sld [smem:$0x3FAF];
	_ =	sdelay $0x3  }
0x36: {  	p1 =	seq.s32 s10, $0x1;
	s10 =	sld [smem:$0x3FB0];
	_ =	sdelay $0x3  }
0x37: {  	[smem:$0x3FB0] =	sst s10  }
0x38: {  	s10 =	sld [smem:$0x3FB1]  }
0x39: {  	_ = 	snop;
	(pc) =	sbr.ind lr, $3  }
0x3a: {  	_ = 	snop  }
0x3b: {  	_ = 	snop  }
0x3c: {  	p2 =	seq.s32 s10, $0x1;
	s10 =	sld [smem:$0x3FB0]  }
0x3d: {  	_ =	shalt  }
0x3e: {  	_ =	shalt  }
0x3f: {  	_ =	shalt  }
0x40: {  	_ =	shalt  }
0x41: {  	_ =	shalt  }
0x42: {  	_ =	shalt  }
0x43: {  	_ =	shalt  }
0x44: {  	_ =	shalt  }
0x45: {  	_ =	shalt  }
0x46: {  	_ =	shalt  }
0x47: {  	_ =	shalt  }
0x48: {  	_ =	shalt  }
0x49: {  	_ =	shalt  }
0x4a: {  	_ =	shalt  }
0x4b: {  	_ =	shalt  }
0x4c: {  	_ =	shalt  }
0x4d: {  	_ =	shalt  }
0x4e: {  	_ =	shalt  }
0x4f: {  	_ =	shalt  }
0x50: {  	_ =	shalt  }
0x51: {  	_ =	shalt  }
0x52: {  	_ =	shalt  }
0x53: {  	_ =	shalt  }
0x54: {  	_ =	shalt  }
0x55: {  	_ =	shalt  }
0x56: {  	_ =	shalt  }
0x57: {  	_ =	shalt  }
0x58: {  	_ =	shalt  }
0x59: {  	_ =	shalt  }
0x5a: {  	_ =	shalt  }
0x5b: {  	_ =	shalt  }
0x5c: {  	_ =	shalt  }
0x5d: {  	_ =	shalt  }
0x5e: {  	_ =	shalt  }
0x5f: {  	_ =	shalt  }
0x60: {  	_ =	shalt  }
0x61: {  	_ =	shalt  }
0x62: {  	_ =	shalt  }
0x63: {  	_ =	shalt  }
0x64: {  	_ =	shalt  }
0x65: {  	_ =	shalt  }
0x66: {  	_ =	shalt  }
0x67: {  	_ =	shalt  }
0x68: {  	_ =	shalt  }
0x69: {  	_ =	shalt  }
0x6a: {  	_ =	shalt  }
0x6b: {  	_ =	shalt  }
0x6c: {  	_ =	shalt  }
0x6d: {  	_ =	shalt  }
0x6e: {  	_ =	shalt  }
0x6f: {  	_ =	shalt  }
0x70: {  	_ =	shalt  }
0x71: {  	_ =	shalt  }
0x72: {  	_ =	shalt  }
0x73: {  	_ =	shalt  }
0x74: {  	_ =	shalt  }
0x75: {  	_ =	shalt  }
0x76: {  	_ =	shalt  }
0x77: {  	_ =	shalt  }
0x78: {  	_ =	shalt  }
0x79: {  	_ =	shalt  }
0x7a: {  	_ =	shalt  }
0x7b: {  	_ =	shalt  }
0x7c: {  	_ =	shalt  }
0x7d: {  	_ =	shalt  }
0x7e: {  	_ =	shalt  }
0x7f: {  	_ =	shalt  }
0x80: {  	_ =	shalt  }
0x81: {  	_ =	shalt  }
0x82: {  	_ =	shalt  }
0x83: {  	_ =	shalt  }
0x84: {  	_ =	shalt  }
0x85: {  	_ =	shalt  }
0x86: {  	_ =	shalt  }
0x87: {  	_ =	shalt  }
.Lfunc_end0:
.L_simem_size_0:
called_computation.3_lowered:
.L_overlay_start_0:
0x88: {  	s2 =	sld [smem:$0x3FD9]  }
0x89: {  	s3 =	sld [smem:$0x3FFE];
	_ =	sdelay $0x1  }
0x8a: {  	s1 =	srdreg.scid  }
0x8b: {  	s0 =	sand.u32 $0x1, s1  }
0x8c: {  	s17 =	sshll.u32 s0, $0xA;
	s2 =	sadd.s32 s3, s2  }
0x8d: {  	s2 =	sadd.s32 s2, s17  }
0x8e: {  	[smem:$0x3FBC] =	sst s2  }
0x8f: {  	_ = 	snop  }
0x90: {  	s2 =	sld [smem:$0x3FC1];
	(tm) =	ssettm $0x1  }
0x91: {  	s18 =	sld [smem:$0x3FFB];
	_ =	sdelay $0x3  }
0x92: {  	_ =	strace s18  }
0x93: {  	s3 =	sld [smem:$0x3FFC];
	_ =	sdelay $0x3  }
0x94: {  	_ =	strace s3  }
0x95: {  	s3 =	sld [smem:$0x3FFD];
	_ =	sdelay $0x3  }
0x96: {  	_ =	strace s3  }
0x97: {  	_ =	strace $0x8FFFFFFF  }
0x98: {  	s19 =	sld [smem:$0x3FDB];
	_ =	sdelay $0x1  }
0x99: {  	s4 =	simm.s32 $_scs_section_size  }
0x9a: {  	s5 =	simm.s32 $_size__tile_overlayer_lowered;
	s6 =	simm.s32 $_tile_overlayer_lowered  }
0x9b: {  	s22 =	simm.s32 $0x1BFF;
	s21 =	sshll.u32 s6, $0x1;
	s3 =	sadd.s32 s4, s19  }
0x9c: {  	s7 =	simm.s32 $0x0;
	s20 =	sshll.u32 s5, $0x1;
	s5 =	sadd.s32 s21, s3  }
0x9d: {  	[timem:s7], [sflag:s22] =	dma.local [hbm:s5], s20  }
0x9e: {  	_ =	swait.ge [sflag:s22], s20  }
0x9f: {  	s4 =	ssub.s32 $0x0, s20;
	[sflag:s22] =	ssyncset.done $0x0  }
0xa0: {  	[sflag:s22] =	ssyncadd.s32 s4;
	_ =	sdelay $0x1  }
0xa1: {  	s23 =	simm.s32 $0x1B8B  }
0xa2: {  	_ =	swait.ge [sflag:s23], $0x1  }
0xa3: {  	[sflag:s23] =	ssyncset.done $0x0  }
0xa4: {  	s25 =	simm.s32 $0x1B8E;
	s24 =	sld [smem:$0x3FFE];
	[sflag:s23] =	ssyncadd.s32 $0xFFFFFFFF  }
0xa5: {  	s26 =	simm.s32 $execute0_lowered;
	[smem:$0x3FD2] =	sst s25  }
0xa6: {  	s5 =	sshll.u32 s26, $0x1;
	_ =	strace $0x8000004F;
	[dreg:$0x1] =	wrdreg $0xFFFFFFFF  }
0xa7: {  	s28 =	simm.s32 $_size_execute0_lowered;
	s3 =	sadd.s32 s3, s5;
	[dreg:$0x0] =	wrdreg $0x0  }
0xa8: {  	s5 =	sshll.u32 s28, $0x1;
	[dreg:$0x2] =	wrdreg s3  }
0xa9: {  	[dreg:$0x3] =	wrdreg s5  }
0xaa: {  	[dreg:$0x4] =	wrdreg $0xC0  }
0xab: {  	_ =	task [dreg:s7], $0x5FFFF  }
0xac: {  	[dreg:$0x1] =	wrdreg $0xFFFFFFFF  }
0xad: {  	[dreg:$0x0] =	wrdreg $0x60  }
0xae: {  	[dreg:$0x2] =	wrdreg s24  }
0xaf: {  	[dreg:$0x3] =	wrdreg s2  }
0xb0: {  	[dreg:$0x4] =	wrdreg $0x9  }
0xb1: {  	_ =	task.clear_ibuf [dreg:s7], $0x5FFFF;
	_ =	strace $0x9000004F  }
0xb2: {  	s29 =	simm.s32 $0x9;
	_ =	strace $0x80000051  }
0xb3: {  	_ =	swait.ge [sflag:s29], $0x1  }
0xb4: {  	[sflag:s29] =	ssyncadd.s32 $0xFFFFFFFF  }
0xb5: {  	_ =	strace $0x90000051  }
0xb6: {  	_ =	sfence  }
0xb7: {  	s30 =	sld [smem:$0x0];
	_ =	sdelay $0x2  }
0xb8: {  	s31 =	sshll.u32 s1, $0xD;
	s1 =	sshrl.u32 s1, $0x2  }
0xb9: {  	s3 =	sand.u32 $0x4000, s31;
	s1 =	sadd.s32 s1, s30  }
0xba: {  	s0 =	sor.u32 s3, s0;
	s1 =	sshll.u32 s1, $0x11  }
0xbb: {  	s0 =	sor.u32 s1, s0  }
0xbc: {  	s0 =	sadd.s32 $0x8F2B, s0  }
0xbd: {  	[sflag:s0] =	ssyncadd.remote.s32 $0x1  }
0xbe: {  	_ =	sfence.sel $0xFFFF  }
0xbf: {  	[dreg:$0x0] =	wrdreg $0xFFFFFFFF;
	(pc) =	sbr.abs _section_cstart, $3  }
0xc0: {  	[dreg:$0x1] =	wrdreg $0xFFFFFFFF  }
0xc1: {  	_ =	task.clear_ibuf [dreg:s7], $0x2FFFF;
	_ =	strace $0x9FFFFFFF  }
0xc2: {  	(tm) =	ssettm $0x7FFFFFFF  }
0xc3: {  	_ =	shalt  }
tec
execute0_lowered:
.L_overlay_start_1:
0x0: {  	(tag) =	ssettag $0x1  }
0x1: {  	s3 =	rddreg [dreg:$0x0]  }
0x2: {  	s11 =	rddreg [dreg:$0x1]  }
0x3: {  	s0 =	rddreg [dreg:$0x2]  }
0x4: {  	s1 =	stileid.u32;
	s4 =	srdreg.scid  }
0x5: {  	s2 =	simm.s32 $0x0;
	s15 =	simm.s32 $0x2200;
	s16 =	simm.s32 $0x80  }
0x6: {  	s17 =	simm.s32 $0x400;
	s18 =	simm.s32 $0x0;
	s4 =	sand.u32 $0x1, s4  }
0x7: {  	s5 =	sshll.u32 s1, $0x1;
	[smem:$0x7FF] =	sst s2;
	s6 =	sshll.u32 s1, $0xB  }
0x8: {  	s12 =	sadd.s32 $0x3A00, s3;
	s5 =	sor.u32 s4, s5;
	_ =	strace $0x80000050  }
0x9: {  	s6 =	sand.u32 $0x6000, s6;
	s4 =	ssub.s32 $0x2, s4;
	s7 =	sshll.u32 s5, $0x4  }
0xa: {  	s6 =	sadd.s32 s6, s3;
	s31 =	sshrl.u32 s4, $0x1;
	s10 =	sshll.u32 s5, $0x8  }
0xb: {  	s7 =	sand.u32 $0x70, s7;
	s4 =	ssub.s32 s4, s31;
	s5 =	sadd.s32 s11, s10  }
0xc: {  	s8 =	sor.u32 $0x40, s10;
	s13 =	sor.u32 $0x80, s10;
	s14 =	sor.u32 $0xC0, s10  }
0xd: {  	s6 =	sadd.s32 s7, s6;
	s4 =	smax.u32 s4, $0x1;
	s7 =	sadd.s32 s11, s8  }
0xe: {  	s8 =	sadd.s32 s12, s8;
	s9 =	sadd.s32 s11, s13;
	s11 =	sadd.s32 s11, s14  }
0xf: {  	s3 =	sadd.s32 $0x5A00, s6;
	s6 =	sadd.s32 s12, s10;
	s10 =	sadd.s32 s12, s13  }
0x10: {  	v0 =	vimm.f32 $0.0e+00;
	s12 =	sadd.s32 s12, s14;
	s13 =	simm.s32 $0x2000;
	s14 =	simm.s32 $0x1  }
.LBB2_1:
0x11: {  	s19 =	simm.s32 $0x40;
	s20 =	simm.s32 $0x0  }
.LBB2_2:
0x12: {  	p0 =	sne.s32 s19, $0x7FC0;
	[tilespmem:s20+$0x0] =	vst v0;
	s20 =	smov.u32 s19;
	s19 =	sadd.s32 $0x40, s19  }
.Ltmp0:
0x13: {  	(pc) =	sbr.rel @p0 .LBB2_2-.Ltmp0, $2  }
0x14: {  	_ =	sdelay $0x2  }
0x15: {  	s20 =	sshra.s32 s20, $0x2  }
0x16: {  	[tilespmem:s20+$0x0] =	vst v0;
	s19 =	simm.s32 $0x0  }
0x17: {  	[tilespmem:s13], [sflag:$0x1] =	stream.linear.gather [hbm4b:s5+s19], $0x200, $0x38;
	[tilespmem:$0x2400] =	vst v63  }
0x18: {  	_ =	swait.ge [sflag:s14], $0x200  }
0x19: {  	[sflag:s14] =	ssyncset.done $0x0  }
0x1a: {  	[sflag:s14] =	ssyncadd.s32 $0xFFFFFE00  }
0x1b: {  	[tilespmem:s15], [sflag:$0x1] =	stream.linear.gather [hbm4b:s6+s19], $0x200, $0x38;
	[tilespmem:$0x2400] =	vst v63  }
0x1c: {  	_ =	swait.ge [sflag:s14], $0x200  }
0x1d: {  	[sflag:s14] =	ssyncset.done $0x0  }
0x1e: {  	s20 =	simm.s32 $0x0;
	s19 =	simm.s32 $0x40;
	[sflag:s14] =	ssyncadd.s32 $0xFFFFFE00  }
.LBB2_4:
0x1f: {  	p0 =	sne.s32 s19, $0x7C0;
	v1 =	vld [tilespmem:s20+$0x2000];
	_ =	sdelay $0x2  }
0x20: {  	v2 =	vld [tilespmem:s20+$0x2200]  }
.Ltmp1:
0x21: {  	(pc) =	sbr.rel @p0 .LBB2_4-.Ltmp1, $2  }
0x22: {  	_ =	sdelay $0x2  }
0x23: {  	s20 =	sshra.s32 s19, $0x2;
	s19 =	sadd.s32 $0x40, s19;
	[tilespmem:v1+s2+$0x0] =	vst.idx.add.f32.msk $0xffff, v2  }
0x24: {  	v1 =	vld [tilespmem:s20+$0x2000];
	_ =	sdelay $0x2  }
0x25: {  	v2 =	vld [tilespmem:s20+$0x2200];
	_ =	sdelay $0x4  }
0x26: {  	s19 =	simm.s32 $0x0;
	[tilespmem:v1+s2+$0x0] =	vst.idx.add.f32.msk $0xffff, v2  }
0x27: {  	[tilespmem:s13], [sflag:$0x1] =	stream.linear.gather [hbm4b:s7+s19], $0x200, $0x38;
	[tilespmem:$0x2400] =	vst v63  }
0x28: {  	_ =	swait.ge [sflag:s14], $0x200  }
0x29: {  	[sflag:s14] =	ssyncset.done $0x0  }
0x2a: {  	[sflag:s14] =	ssyncadd.s32 $0xFFFFFE00  }
0x2b: {  	[tilespmem:s15], [sflag:$0x1] =	stream.linear.gather [hbm4b:s8+s19], $0x200, $0x38;
	[tilespmem:$0x2400] =	vst v63  }
0x2c: {  	_ =	swait.ge [sflag:s14], $0x200  }
0x2d: {  	[sflag:s14] =	ssyncset.done $0x0  }
0x2e: {  	s20 =	simm.s32 $0x0;
	s19 =	simm.s32 $0x40;
	[sflag:s14] =	ssyncadd.s32 $0xFFFFFE00  }
.LBB2_6:
0x2f: {  	p0 =	sne.s32 s19, $0x7C0;
	v1 =	vld [tilespmem:s20+$0x2000];
	_ =	sdelay $0x2  }
0x30: {  	v2 =	vld [tilespmem:s20+$0x2200]  }
.Ltmp2:
0x31: {  	(pc) =	sbr.rel @p0 .LBB2_6-.Ltmp2, $2  }
0x32: {  	_ =	sdelay $0x2  }
0x33: {  	s20 =	sshra.s32 s19, $0x2;
	s19 =	sadd.s32 $0x40, s19;
	[tilespmem:v1+s2+$0x0] =	vst.idx.add.f32.msk $0xffff, v2  }
0x34: {  	v1 =	vld [tilespmem:s20+$0x2000];
	_ =	sdelay $0x2  }
0x35: {  	v2 =	vld [tilespmem:s20+$0x2200];
	_ =	sdelay $0x4  }
0x36: {  	s19 =	simm.s32 $0x0;
	[tilespmem:v1+s2+$0x0] =	vst.idx.add.f32.msk $0xffff, v2  }
0x37: {  	[tilespmem:s13], [sflag:$0x1] =	stream.linear.gather [hbm4b:s9+s19], $0x200, $0x38;
	[tilespmem:$0x2400] =	vst v63  }
0x38: {  	_ =	swait.ge [sflag:s14], $0x200  }
0x39: {  	[sflag:s14] =	ssyncset.done $0x0  }
0x3a: {  	[sflag:s14] =	ssyncadd.s32 $0xFFFFFE00  }
0x3b: {  	[tilespmem:s15], [sflag:$0x1] =	stream.linear.gather [hbm4b:s10+s19], $0x200, $0x38;
	[tilespmem:$0x2400] =	vst v63  }
0x3c: {  	_ =	swait.ge [sflag:s14], $0x200  }
0x3d: {  	[sflag:s14] =	ssyncset.done $0x0  }
0x3e: {  	s20 =	simm.s32 $0x0;
	s19 =	simm.s32 $0x40;
	[sflag:s14] =	ssyncadd.s32 $0xFFFFFE00  }
.LBB2_8:
0x3f: {  	p0 =	sne.s32 s19, $0x7C0;
	v1 =	vld [tilespmem:s20+$0x2000];
	_ =	sdelay $0x2  }
0x40: {  	v2 =	vld [tilespmem:s20+$0x2200]  }
.Ltmp3:
0x41: {  	(pc) =	sbr.rel @p0 .LBB2_8-.Ltmp3, $2  }
0x42: {  	_ =	sdelay $0x2  }
0x43: {  	s20 =	sshra.s32 s19, $0x2;
	s19 =	sadd.s32 $0x40, s19;
	[tilespmem:v1+s2+$0x0] =	vst.idx.add.f32.msk $0xffff, v2  }
0x44: {  	v1 =	vld [tilespmem:s20+$0x2000];
	_ =	sdelay $0x2  }
0x45: {  	v2 =	vld [tilespmem:s20+$0x2200];
	_ =	sdelay $0x4  }
0x46: {  	s19 =	simm.s32 $0x0;
	[tilespmem:v1+s2+$0x0] =	vst.idx.add.f32.msk $0xffff, v2  }
0x47: {  	[tilespmem:s13], [sflag:$0x1] =	stream.linear.gather [hbm4b:s11+s19], $0x200, $0x38;
	[tilespmem:$0x2400] =	vst v63  }
0x48: {  	_ =	swait.ge [sflag:s14], $0x200  }
0x49: {  	[sflag:s14] =	ssyncset.done $0x0  }
0x4a: {  	[sflag:s14] =	ssyncadd.s32 $0xFFFFFE00  }
0x4b: {  	[tilespmem:s15], [sflag:$0x1] =	stream.linear.gather [hbm4b:s12+s19], $0x200, $0x38;
	[tilespmem:$0x2400] =	vst v63  }
0x4c: {  	_ =	swait.ge [sflag:s14], $0x200  }
0x4d: {  	[sflag:s14] =	ssyncset.done $0x0  }
0x4e: {  	s20 =	simm.s32 $0x0;
	s19 =	simm.s32 $0x40;
	[sflag:s14] =	ssyncadd.s32 $0xFFFFFE00  }
.LBB2_10:
0x4f: {  	p0 =	sne.s32 s19, $0x7C0;
	v1 =	vld [tilespmem:s20+$0x2000];
	_ =	sdelay $0x2  }
0x50: {  	v2 =	vld [tilespmem:s20+$0x2200]  }
.Ltmp4:
0x51: {  	(pc) =	sbr.rel @p0 .LBB2_10-.Ltmp4, $2  }
0x52: {  	_ =	sdelay $0x2  }
0x53: {  	s20 =	sshra.s32 s19, $0x2;
	s19 =	sadd.s32 $0x40, s19;
	[tilespmem:v1+s2+$0x0] =	vst.idx.add.f32.msk $0xffff, v2  }
0x54: {  	v1 =	vld [tilespmem:s20+$0x2000];
	_ =	sdelay $0x2  }
0x55: {  	v2 =	vld [tilespmem:s20+$0x2200];
	_ =	sdelay $0x2  }
0x56: {  	s18 =	sadd.s32 $0x1, s18  }
0x57: {  	p0 =	sne.s32 s18, s4  }
.Ltmp5:
0x58: {  	[tilespmem:v1+s2+$0x0] =	vst.idx.add.f32.msk $0xffff, v2;
	(pc) =	sbr.rel @p0 .LBB2_1-.Ltmp5, $4  }
0x59: {  	[hbm4b:s3+s16] =	stream.strided.scatter [tilespmem:s2], [sflag:$0x1], $0x2000, s17, s16, $0x38;
	[tilespmem:$0x2400] =	vst v63  }
0x5a: {  	_ =	swait.ge [sflag:s14], $0x2000  }
0x5b: {  	[sflag:s14] =	ssyncset.done $0x0  }
0x5c: {  	[sflag:s14] =	ssyncadd.s32 $0xFFFFE000  }
0x5d: {  	_ =	sfence.sel $0x180000  }
0x5e: {  	[bflag:$0x0] =	sbarrier.arrive $0xFFFF  }
0x5f: {  	p0 =	sne.s32 s1, $0x0;
	_ =	strace $0x90000050  }
0x60: {  	s0 =	sadd.s32 @!p0 $0x100000, s0;
	[bflag:$0x2] =	sbarrier.arrive $0xFFFF  }
0x61: {  	[sflag:s0] =	ssyncadd.tile.s32 @!p0 $0x1;
	_ =	shalt  }
.Lfunc_end2:
_tile_overlayer_lowered:
.L_overlay_start_2:
0x62: {  	(tag) =	ssettag $0x2  }
0x63: {  	s0 =	rddreg [dreg:$0x0];
	s2 =	stileid.u32  }
0x64: {  	s1 =	rddreg [dreg:$0x1];
	p0 =	sne.s32 s2, $0x0  }
0x65: {  	s3 =	rddreg [dreg:$0x2];
	[bflag:$0x3] =	sbarrier.arrive $0xFFFF;
	s2 =	simm.s32 @!p0 $0x1C01  }
0x66: {  	[timem:s3], [sflag:s2] =	dma.local @!p0 [hbm:s0], s1  }
0x67: {  	s0 =	simm.s32 @!p0 $0x1  }
0x68: {  	_ =	swait.ge @!p0 [sflag:s0], s1  }
0x69: {  	s1 =	ssub.s32 @!p0 $0x0, s1;
	[sflag:s0] =	ssyncset.done @!p0 $0x0  }
0x6a: {  	[sflag:s0] =	ssyncadd.s32 @!p0 s1  }
0x6b: {  	[bflag:$0x3] =	sbarrier.arrive $0xFFFF  }
0x6c: {  	_ =	shalt  }

// kernel: kernel.14.cloned.1.call-start
scs
__scs_entry_jumppad:
0x0: {  	(pc) =	sbr.rel $0x88, $3  }
0x1: {  	(tag) =	ssettag $0x0;
	lr =	simm.s32 $0x1  }
0x2: {  	[smem:$0x3F95] =	sst lr;
	_ =	strace $0xD0000000  }
0x3: {  	_ = 	snop  }
0x4: {  	_ = 	snop  }
0x5: {  	_ = 	snop  }
0x6: {  	_ = 	snop  }
0x7: {  	_ = 	snop  }
__scs_overlays_trampoline_lowered:
0x8: {  	[smem:$0x3FA4] =	sst s0  }
0x9: {  	[smem:$0x3FA5] =	sst s1  }
0xa: {  	[smem:$0x3FA6] =	sst s2  }
0xb: {  	[smem:$0x3FA7] =	sst s3  }
0xc: {  	[smem:$0x3FA8] =	sst s4  }
0xd: {  	[smem:$0x3FA9] =	sst s5  }
0xe: {  	[smem:$0x3FAA] =	sst s6  }
0xf: {  	[smem:$0x3FAB] =	sst s7  }
0x10: {  	[smem:$0x3FAC] =	sst s8  }
0x11: {  	[smem:$0x3FAD] =	sst s9;
	s0 =	simm.s32 @!p0 $0x0  }
0x12: {  	s1 =	sld [smem:$0x3F93];
	s0 =	simm.s32 @p0 $0x1  }
0x13: {  	[smem:$0x3FAE] =	sst s0;
	s0 =	simm.s32 @!p1 $0x0  }
0x14: {  	s2 =	sld [smem:$0x3F92];
	s0 =	simm.s32 @p1 $0x1  }
0x15: {  	[smem:$0x3FAF] =	sst s0;
	s0 =	simm.s32 @!p2 $0x0  }
0x16: {  	s3 =	sld [smem:$0x3FDB];
	s0 =	simm.s32 @p2 $0x1  }
0x17: {  	s4 =	simm.s32 $0x1BF5;
	[smem:$0x3FB1] =	sst s0  }
0x18: {  	s0 =	sld [smem:$0x3F94];
	_ =	swait.ge [sflag:s4], $0x0  }
0x19: {  	s7 =	sld [smem:$0x3F95]  }
0x1a: {  	s8 =	sadd.s32 $0xFFFFE003, lr  }
0x1b: {  	s9 =	sadd.s32 $0xFFFFFEF7, lr;
	s5 =	simm.s32 $0xFFFFFFFF;
	p2 =	slt.u32 s8, $0xFFFFF086  }
0x1c: {  	p1 =	slt.u32 s9, $0xF7A;
	s5 =	simm.s32 @!p2 $0x0  }
0x1d: {  	s5 =	simm.s32 @p1 $0x1;
	p0 =	seq.s32 s7, s2  }
0x1e: {  	s7 =	smul.u32 @!p0 $0xF7A, s2;
	p2 =	seq.s32 @!p0 s5, $0x0  }
0x1f: {  	s9 =	smul.u32 $0xF7A, s1;
	s8 =	simm.s32 @!p0 $0x1BF5;
	p2 =	por !p2, p0  }
0x20: {  	[sflag:s8] =	ssyncset.s32 @!p0 $0xFFFFF086;
	s6 =	sadd.s32 @!p0 s3, s7;
	s7 =	simm.s32 @!p0 $0x108  }
0x21: {  	s3 =	sadd.s32 s3, s9;
	s6 =	sadd.s32 @!p0 $0x88, s6;
	s7 =	simm.s32 @p2 $0x1082  }
0x22: {  	[simem:s7], [sflag:s8] =	dma.local @!p0 [hbm:s6], $0xF7A  }
0x23: {  	s9 =	sor.u32 $0xD0000000, s2;
	s6 =	simm.s32 $0x108;
	_ =	swait.ge @!p0 [sflag:s8], $0x0  }
0x24: {  	s3 =	sadd.s32 $0x88, s3;
	s6 =	simm.s32 @!p1 $0x1082;
	[sflag:s4] =	ssyncset.s32 $0xFFFFF086  }
0x25: {  	[simem:s6], [sflag:s4] =	dma.local [hbm:s3], $0xF7A  }
0x26: {  	[smem:$0x3F95] =	sst s1;
	(tag) =	ssettag s2;
	_ =	strace s9  }
0x27: {  	s1 =	sld [smem:$0x3FA5]  }
0x28: {  	s2 =	sld [smem:$0x3FA6]  }
0x29: {  	s4 =	sld [smem:$0x3FA8]  }
0x2a: {  	p0 =	seq.s32 s5, $0x0;
	s5 =	sld [smem:$0x3FA9]  }
0x2b: {  	s6 =	sld [smem:$0x3FAA]  }
0x2c: {  	s7 =	sld [smem:$0x3FAB]  }
0x2d: {  	s3 =	simm.s32 $0x108;
	s8 =	sld [smem:$0x3FAC]  }
0x2e: {  	s3 =	simm.s32 @!p0 $0x1082;
	s9 =	sld [smem:$0x3FAD]  }
0x2f: {  	lr =	sadd.s32 s0, s3;
	s0 =	sld [smem:$0x3FA4]  }
0x30: {  	s3 =	sld [smem:$0x3FA7]  }
0x31: {  	[smem:$0x3FB0] =	sst s10  }
0x32: {  	s10 =	sld [smem:$0x3FAE];
	_ =	sdelay $0x3  }
0x33: {  	p0 =	seq.s32 s10, $0x1;
	s10 =	sld [smem:$0x3FB0];
	_ =	sdelay $0x3  }
0x34: {  	[smem:$0x3FB0] =	sst s10  }
0x35: {  	s10 =	sld [smem:$0x3FAF];
	_ =	sdelay $0x3  }
0x36: {  	p1 =	seq.s32 s10, $0x1;
	s10 =	sld [smem:$0x3FB0];
	_ =	sdelay $0x3  }
0x37: {  	[smem:$0x3FB0] =	sst s10  }
0x38: {  	s10 =	sld [smem:$0x3FB1]  }
0x39: {  	_ = 	snop;
	(pc) =	sbr.ind lr, $3  }
0x3a: {  	_ = 	snop  }
0x3b: {  	_ = 	snop  }
0x3c: {  	p2 =	seq.s32 s10, $0x1;
	s10 =	sld [smem:$0x3FB0]  }
0x3d: {  	_ =	shalt  }
0x3e: {  	_ =	shalt  }
0x3f: {  	_ =	shalt  }
0x40: {  	_ =	shalt  }
0x41: {  	_ =	shalt  }
0x42: {  	_ =	shalt  }
0x43: {  	_ =	shalt  }
0x44: {  	_ =	shalt  }
0x45: {  	_ =	shalt  }
0x46: {  	_ =	shalt  }
0x47: {  	_ =	shalt  }
0x48: {  	_ =	shalt  }
0x49: {  	_ =	shalt  }
0x4a: {  	_ =	shalt  }
0x4b: {  	_ =	shalt  }
0x4c: {  	_ =	shalt  }
0x4d: {  	_ =	shalt  }
0x4e: {  	_ =	shalt  }
0x4f: {  	_ =	shalt  }
0x50: {  	_ =	shalt  }
0x51: {  	_ =	shalt  }
0x52: {  	_ =	shalt  }
0x53: {  	_ =	shalt  }
0x54: {  	_ =	shalt  }
0x55: {  	_ =	shalt  }
0x56: {  	_ =	shalt  }
0x57: {  	_ =	shalt  }
0x58: {  	_ =	shalt  }
0x59: {  	_ =	shalt  }
0x5a: {  	_ =	shalt  }
0x5b: {  	_ =	shalt  }
0x5c: {  	_ =	shalt  }
0x5d: {  	_ =	shalt  }
0x5e: {  	_ =	shalt  }
0x5f: {  	_ =	shalt  }
0x60: {  	_ =	shalt  }
0x61: {  	_ =	shalt  }
0x62: {  	_ =	shalt  }
0x63: {  	_ =	shalt  }
0x64: {  	_ =	shalt  }
0x65: {  	_ =	shalt  }
0x66: {  	_ =	shalt  }
0x67: {  	_ =	shalt  }
0x68: {  	_ =	shalt  }
0x69: {  	_ =	shalt  }
0x6a: {  	_ =	shalt  }
0x6b: {  	_ =	shalt  }
0x6c: {  	_ =	shalt  }
0x6d: {  	_ =	shalt  }
0x6e: {  	_ =	shalt  }
0x6f: {  	_ =	shalt  }
0x70: {  	_ =	shalt  }
0x71: {  	_ =	shalt  }
0x72: {  	_ =	shalt  }
0x73: {  	_ =	shalt  }
0x74: {  	_ =	shalt  }
0x75: {  	_ =	shalt  }
0x76: {  	_ =	shalt  }
0x77: {  	_ =	shalt  }
0x78: {  	_ =	shalt  }
0x79: {  	_ =	shalt  }
0x7a: {  	_ =	shalt  }
0x7b: {  	_ =	shalt  }
0x7c: {  	_ =	shalt  }
0x7d: {  	_ =	shalt  }
0x7e: {  	_ =	shalt  }
0x7f: {  	_ =	shalt  }
0x80: {  	_ =	shalt  }
0x81: {  	_ =	shalt  }
0x82: {  	_ =	shalt  }
0x83: {  	_ =	shalt  }
0x84: {  	_ =	shalt  }
0x85: {  	_ =	shalt  }
0x86: {  	_ =	shalt  }
0x87: {  	_ =	shalt  }
.Lfunc_end0:
.L_simem_size_0:
called_computation.4_lowered:
.L_overlay_start_0:
0x88: {  	s2 =	sld [smem:$0x3FD9]  }
0x89: {  	s3 =	sld [smem:$0x3FFE];
	_ =	sdelay $0x1  }
0x8a: {  	s1 =	srdreg.scid  }
0x8b: {  	s0 =	sand.u32 $0x1, s1  }
0x8c: {  	s14 =	sshll.u32 s0, $0xA;
	s2 =	sadd.s32 s3, s2  }
0x8d: {  	s2 =	sadd.s32 s2, s14  }
0x8e: {  	[smem:$0x3FBC] =	sst s2  }
0x8f: {  	_ = 	snop  }
0x90: {  	s2 =	sld [smem:$0x3FD0];
	_ =	sdelay $0x2  }
0x91: {  	s4 =	simm.s32 $0xA;
	s5 =	simm.s32 $0x10;
	s15 =	sld [smem:$0x3FC1]  }
0x92: {  	[smem:s5], [sflag:s4] =	dma.local [hbm:s2], $0x1  }
0x93: {  	_ =	swait.eq [sflag:s4], $0x1  }
0x94: {  	[sflag:s4] =	ssyncset.done $0x0  }
0x95: {  	s16 =	sld [smem:$0x11];
	[sflag:s4] =	ssyncadd.s32 $0xFFFFFFFF  }
0x96: {  	s17 =	sld [smem:$0x12];
	(tm) =	ssettm $0x1  }
0x97: {  	s18 =	sld [smem:$0x3FFB];
	_ =	sdelay $0x3  }
0x98: {  	_ =	strace s18  }
0x99: {  	s5 =	sld [smem:$0x3FFC];
	_ =	sdelay $0x3  }
0x9a: {  	_ =	strace s5  }
0x9b: {  	s5 =	sld [smem:$0x3FFD];
	_ =	sdelay $0x3  }
0x9c: {  	_ =	strace s5  }
0x9d: {  	_ =	strace $0x8FFFFFFF  }
0x9e: {  	s19 =	sld [smem:$0x3FDB];
	_ =	sdelay $0x1  }
0x9f: {  	s6 =	simm.s32 $_scs_section_size  }
0xa0: {  	s7 =	simm.s32 $_size__tile_overlayer_lowered;
	s8 =	simm.s32 $_tile_overlayer_lowered  }
0xa1: {  	s22 =	simm.s32 $0x1BFF;
	s21 =	sshll.u32 s8, $0x1;
	s5 =	sadd.s32 s6, s19  }
0xa2: {  	s9 =	simm.s32 $0x0;
	s20 =	sshll.u32 s7, $0x1;
	s7 =	sadd.s32 s21, s5  }
0xa3: {  	[timem:s9], [sflag:s22] =	dma.local [hbm:s7], s20  }
0xa4: {  	_ =	swait.ge [sflag:s22], s20  }
0xa5: {  	s6 =	ssub.s32 $0x0, s20;
	[sflag:s22] =	ssyncset.done $0x0  }
0xa6: {  	[sflag:s22] =	ssyncadd.s32 s6;
	_ =	sdelay $0x1  }
0xa7: {  	s23 =	simm.s32 $0x1B8B  }
0xa8: {  	_ =	swait.ge [sflag:s23], $0x1  }
0xa9: {  	[sflag:s23] =	ssyncset.done $0x0  }
0xaa: {  	s25 =	simm.s32 $0x1B8E;
	s24 =	sld [smem:$0x3FFE];
	[sflag:s23] =	ssyncadd.s32 $0xFFFFFFFF  }
0xab: {  	s26 =	simm.s32 $execute0_lowered;
	[smem:$0x3FD2] =	sst s25  }
0xac: {  	s7 =	sshll.u32 s26, $0x1;
	_ =	strace $0x80000052;
	[dreg:$0x1] =	wrdreg $0xFFFFFFFF  }
0xad: {  	s28 =	simm.s32 $_size_execute0_lowered;
	s5 =	sadd.s32 s5, s7;
	[dreg:$0x0] =	wrdreg $0x0  }
0xae: {  	s7 =	sshll.u32 s28, $0x1;
	[dreg:$0x2] =	wrdreg s5  }
0xaf: {  	[dreg:$0x3] =	wrdreg s7  }
0xb0: {  	[dreg:$0x4] =	wrdreg $0xC0  }
0xb1: {  	_ =	task [dreg:s9], $0x5FFFF  }
0xb2: {  	[dreg:$0x1] =	wrdreg $0xFFFFFFFF  }
0xb3: {  	[dreg:$0x0] =	wrdreg $0x60  }
0xb4: {  	[dreg:$0x2] =	wrdreg s24  }
0xb5: {  	[dreg:$0x3] =	wrdreg s15  }
0xb6: {  	[dreg:$0x4] =	wrdreg s17  }
0xb7: {  	[dreg:$0x5] =	wrdreg s16  }
0xb8: {  	[dreg:$0x6] =	wrdreg $0x9  }
0xb9: {  	_ =	task.clear_ibuf [dreg:s9], $0x7FFFF;
	_ =	strace $0x90000052  }
0xba: {  	s29 =	simm.s32 $0x9;
	_ =	strace $0x80000054  }
0xbb: {  	_ =	swait.ge [sflag:s29], $0x1  }
0xbc: {  	[sflag:s29] =	ssyncadd.s32 $0xFFFFFFFF  }
0xbd: {  	_ =	strace $0x90000054  }
0xbe: {  	_ =	sfence  }
0xbf: {  	s30 =	sld [smem:$0x0];
	_ =	sdelay $0x2  }
0xc0: {  	s31 =	sshll.u32 s1, $0xD;
	s1 =	sshrl.u32 s1, $0x2  }
0xc1: {  	s3 =	sand.u32 $0x4000, s31;
	s1 =	sadd.s32 s1, s30  }
0xc2: {  	s0 =	sor.u32 s3, s0;
	s1 =	sshll.u32 s1, $0x11  }
0xc3: {  	s0 =	sor.u32 s1, s0  }
0xc4: {  	s0 =	sadd.s32 $0x8F2B, s0  }
0xc5: {  	[sflag:s0] =	ssyncadd.remote.s32 $0x1  }
0xc6: {  	_ =	sfence.sel $0xFFFF  }
0xc7: {  	[dreg:$0x0] =	wrdreg $0xFFFFFFFF;
	(pc) =	sbr.abs _section_cstart, $3  }
0xc8: {  	[dreg:$0x1] =	wrdreg $0xFFFFFFFF  }
0xc9: {  	_ =	task.clear_ibuf [dreg:s9], $0x2FFFF;
	_ =	strace $0x9FFFFFFF  }
0xca: {  	(tm) =	ssettm $0x7FFFFFFF  }
0xcb: {  	_ =	shalt  }
tec
execute0_lowered:
.L_overlay_start_1:
0x0: {  	(tag) =	ssettag $0x1  }
0x1: {  	s5 =	rddreg [dreg:$0x0]  }
0x2: {  	s1 =	rddreg [dreg:$0x1]  }
0x3: {  	s2 =	rddreg [dreg:$0x2]  }
0x4: {  	s3 =	rddreg [dreg:$0x3]  }
0x5: {  	s0 =	rddreg [dreg:$0x4]  }
0x6: {  	s4 =	simm.s32 $0x0;
	s6 =	srdreg.scid;
	s10 =	simm.s32 $0x2000  }
0x7: {  	s11 =	simm.s32 $0x2200;
	s12 =	simm.s32 $0x0;
	s7 =	sand.u32 $0x1, s6  }
0x8: {  	[smem:$0x7FF] =	sst s4;
	s6 =	sadd.s32 $0x3A00, s5;
	s8 =	ssub.s32 $0x2, s7  }
0x9: {  	s5 =	stileid.u32;
	_ =	strace $0x80000053;
	s9 =	sshrl.u32 s8, $0x1  }
0xa: {  	s31 =	sshll.u32 s5, $0x9;
	s7 =	sshll.u32 s7, $0x8;
	s8 =	ssub.s32 s8, s9  }
0xb: {  	s7 =	sor.u32 s7, s31;
	s9 =	simm.s32 $0x1;
	s8 =	smax.u32 s8, $0x1  }
.LBB2_1:
0xc: {  	[tilespmem:s4], [sflag:$0x1] =	stream.linear.gather [hbm4b:s2+s4], $0x2000, $0x38;
	[tilespmem:$0x2400] =	vst v63  }
0xd: {  	_ =	swait.ge [sflag:s9], $0x2000  }
0xe: {  	[sflag:s9] =	ssyncset.done $0x0  }
0xf: {  	s13 =	simm.s32 $0x0;
	[sflag:s9] =	ssyncadd.s32 $0xFFFFE000  }
.LBB2_2:
0x10: {  	s14 =	sshll.u32 s13, $0x6  }
0x11: {  	s14 =	sadd.s32 s7, s14  }
0x12: {  	s16 =	simm.s32 $0x0;
	s15 =	sadd.s32 s1, s14  }
0x13: {  	[tilespmem:s10], [sflag:$0x1] =	stream.linear.gather [hbm4b:s15+s16], $0x200, $0x38;
	[tilespmem:$0x2400] =	vst v63  }
0x14: {  	_ =	swait.ge [sflag:s9], $0x200  }
0x15: {  	[sflag:s9] =	ssyncset.done $0x0  }
0x16: {  	s31 =	sadd.s32 s6, s14;
	[sflag:s9] =	ssyncadd.s32 $0xFFFFFE00  }
0x17: {  	[tilespmem:s11], [sflag:$0x1] =	stream.linear.gather [hbm4b:s31+s16], $0x200, $0x38;
	[tilespmem:$0x2400] =	vst v63  }
0x18: {  	_ =	swait.ge [sflag:s9], $0x200  }
0x19: {  	[sflag:s9] =	ssyncset.done $0x0  }
0x1a: {  	s16 =	simm.s32 $0x0;
	[sflag:s9] =	ssyncadd.s32 $0xFFFFFE00  }
0x1b: {  	v1 =	vld [tilespmem:s16+$0x2000];
	_ =	sdelay $0x5  }
0x1c: {  	s15 =	simm.s32 $0x10  }
0x1d: {  	v0 =	vld [tilespmem:s15+$0x2000]  }
0x1e: {  	s17 =	simm.s32 $0x80;
	v1 =	vld.idx.msk [tilespmem:v1+s4+$0x0], $0xffff  }
.LBB2_3:
0x1f: {  	p0 =	sne.s32 s17, $0x7C0;
	v2 =	vld [tilespmem:s16+$0x2200];
	_ =	sdelay $0x2  }
0x20: {  	v3 =	vmov v0  }
.Ltmp0:
0x21: {  	(pc) =	sbr.rel @p0 .LBB2_3-.Ltmp0, $4  }
0x22: {  	v1 =	vmul.f32 v2, v1  }
0x23: {  	s18 =	sshra.s32 s17, $0x2  }
0x24: {  	v0 =	vld [tilespmem:s18+$0x2000];
	[tilespmem:s16+$0x2200] =	vst v1;
	s16 =	smov.u32 s15;
	s15 =	smov.u32 s18  }
0x25: {  	s17 =	sadd.s32 $0x40, s17;
	v1 =	vld.idx.msk [tilespmem:v3+s4+$0x0], $0xffff  }
0x26: {  	v2 =	vld [tilespmem:s16+$0x2200];
	_ =	sdelay $0x4  }
0x27: {  	v1 =	vmul.f32 v2, v1;
	_ =	sdelay $0x1  }
0x28: {  	[tilespmem:s16+$0x2200] =	vst v1  }
0x29: {  	v0 =	vld.idx.msk [tilespmem:v0+s4+$0x0], $0xffff  }
0x2a: {  	v1 =	vld [tilespmem:s15+$0x2200];
	_ =	sdelay $0x4  }
0x2b: {  	s13 =	sadd.s32 $0x1, s13;
	v0 =	vmul.f32 v1, v0  }
0x2c: {  	p0 =	sne.s32 s13, $0x4  }
.Ltmp1:
0x2d: {  	s14 =	sadd.s32 s3, s14;
	[tilespmem:s15+$0x2200] =	vst v0;
	(pc) =	sbr.rel @p0 .LBB2_2-.Ltmp1, $4  }
0x2e: {  	[hbm4b:s14+s4] =	stream.linear.scatter [tilespmem:s11], [sflag:$0x1], $0x200, $0x38;
	[tilespmem:$0x2400] =	vst v63  }
0x2f: {  	_ =	swait.ge [sflag:s9], $0x200  }
0x30: {  	[sflag:s9] =	ssyncset.done $0x0  }
0x31: {  	[sflag:s9] =	ssyncadd.s32 $0xFFFFFE00  }
0x32: {  	s12 =	sadd.s32 $0x1, s12  }
0x33: {  	p0 =	sne.s32 s12, s8  }
.Ltmp2:
0x34: {  	_ = 	snop;
	(pc) =	sbr.rel @p0 .LBB2_1-.Ltmp2, $1  }
0x35: {  	_ =	sdelay $0x3  }
0x36: {  	_ =	sfence.sel $0x180000  }
0x37: {  	[bflag:$0x0] =	sbarrier.arrive $0xFFFF  }
0x38: {  	p0 =	sne.s32 s5, $0x0;
	_ =	strace $0x90000053  }
0x39: {  	s0 =	sadd.s32 @!p0 $0x100000, s0;
	[bflag:$0x2] =	sbarrier.arrive $0xFFFF  }
0x3a: {  	[sflag:s0] =	ssyncadd.tile.s32 @!p0 $0x1;
	_ =	shalt  }
.Lfunc_end2:
_tile_overlayer_lowered:
.L_overlay_start_2:
0x3b: {  	(tag) =	ssettag $0x2  }
0x3c: {  	s0 =	rddreg [dreg:$0x0];
	s2 =	stileid.u32  }
0x3d: {  	s1 =	rddreg [dreg:$0x1];
	p0 =	sne.s32 s2, $0x0  }
0x3e: {  	s3 =	rddreg [dreg:$0x2];
	[bflag:$0x3] =	sbarrier.arrive $0xFFFF;
	s2 =	simm.s32 @!p0 $0x1C01  }
0x3f: {  	[timem:s3], [sflag:s2] =	dma.local @!p0 [hbm:s0], s1  }
0x40: {  	s0 =	simm.s32 @!p0 $0x1  }
0x41: {  	_ =	swait.ge @!p0 [sflag:s0], s1  }
0x42: {  	s1 =	ssub.s32 @!p0 $0x0, s1;
	[sflag:s0] =	ssyncset.done @!p0 $0x0  }
0x43: {  	[sflag:s0] =	ssyncadd.s32 @!p0 s1  }
0x44: {  	[bflag:$0x3] =	sbarrier.arrive $0xFFFF  }
0x45: {  	_ =	shalt  }

// kernel: kernel.8.cloned.1.call-start
scs
__scs_entry_jumppad:
0x0: {  	(pc) =	sbr.rel $0x88, $3  }
0x1: {  	(tag) =	ssettag $0x0;
	lr =	simm.s32 $0x1  }
0x2: {  	[smem:$0x3F95] =	sst lr;
	_ =	strace $0xD0000000  }
0x3: {  	_ = 	snop  }
0x4: {  	_ = 	snop  }
0x5: {  	_ = 	snop  }
0x6: {  	_ = 	snop  }
0x7: {  	_ = 	snop  }
__scs_overlays_trampoline_lowered:
0x8: {  	[smem:$0x3FA4] =	sst s0  }
0x9: {  	[smem:$0x3FA5] =	sst s1  }
0xa: {  	[smem:$0x3FA6] =	sst s2  }
0xb: {  	[smem:$0x3FA7] =	sst s3  }
0xc: {  	[smem:$0x3FA8] =	sst s4  }
0xd: {  	[smem:$0x3FA9] =	sst s5  }
0xe: {  	[smem:$0x3FAA] =	sst s6  }
0xf: {  	[smem:$0x3FAB] =	sst s7  }
0x10: {  	[smem:$0x3FAC] =	sst s8  }
0x11: {  	[smem:$0x3FAD] =	sst s9;
	s0 =	simm.s32 @!p0 $0x0  }
0x12: {  	s1 =	sld [smem:$0x3F93];
	s0 =	simm.s32 @p0 $0x1  }
0x13: {  	[smem:$0x3FAE] =	sst s0;
	s0 =	simm.s32 @!p1 $0x0  }
0x14: {  	s2 =	sld [smem:$0x3F92];
	s0 =	simm.s32 @p1 $0x1  }
0x15: {  	[smem:$0x3FAF] =	sst s0;
	s0 =	simm.s32 @!p2 $0x0  }
0x16: {  	s3 =	sld [smem:$0x3FDB];
	s0 =	simm.s32 @p2 $0x1  }
0x17: {  	s4 =	simm.s32 $0x1BF5;
	[smem:$0x3FB1] =	sst s0  }
0x18: {  	s0 =	sld [smem:$0x3F94];
	_ =	swait.ge [sflag:s4], $0x0  }
0x19: {  	s7 =	sld [smem:$0x3F95]  }
0x1a: {  	s8 =	sadd.s32 $0xFFFFE003, lr  }
0x1b: {  	s9 =	sadd.s32 $0xFFFFFEF7, lr;
	s5 =	simm.s32 $0xFFFFFFFF;
	p2 =	slt.u32 s8, $0xFFFFF086  }
0x1c: {  	p1 =	slt.u32 s9, $0xF7A;
	s5 =	simm.s32 @!p2 $0x0  }
0x1d: {  	s5 =	simm.s32 @p1 $0x1;
	p0 =	seq.s32 s7, s2  }
0x1e: {  	s7 =	smul.u32 @!p0 $0xF7A, s2;
	p2 =	seq.s32 @!p0 s5, $0x0  }
0x1f: {  	s9 =	smul.u32 $0xF7A, s1;
	s8 =	simm.s32 @!p0 $0x1BF5;
	p2 =	por !p2, p0  }
0x20: {  	[sflag:s8] =	ssyncset.s32 @!p0 $0xFFFFF086;
	s6 =	sadd.s32 @!p0 s3, s7;
	s7 =	simm.s32 @!p0 $0x108  }
0x21: {  	s3 =	sadd.s32 s3, s9;
	s6 =	sadd.s32 @!p0 $0x88, s6;
	s7 =	simm.s32 @p2 $0x1082  }
0x22: {  	[simem:s7], [sflag:s8] =	dma.local @!p0 [hbm:s6], $0xF7A  }
0x23: {  	s9 =	sor.u32 $0xD0000000, s2;
	s6 =	simm.s32 $0x108;
	_ =	swait.ge @!p0 [sflag:s8], $0x0  }
0x24: {  	s3 =	sadd.s32 $0x88, s3;
	s6 =	simm.s32 @!p1 $0x1082;
	[sflag:s4] =	ssyncset.s32 $0xFFFFF086  }
0x25: {  	[simem:s6], [sflag:s4] =	dma.local [hbm:s3], $0xF7A  }
0x26: {  	[smem:$0x3F95] =	sst s1;
	(tag) =	ssettag s2;
	_ =	strace s9  }
0x27: {  	s1 =	sld [smem:$0x3FA5]  }
0x28: {  	s2 =	sld [smem:$0x3FA6]  }
0x29: {  	s4 =	sld [smem:$0x3FA8]  }
0x2a: {  	p0 =	seq.s32 s5, $0x0;
	s5 =	sld [smem:$0x3FA9]  }
0x2b: {  	s6 =	sld [smem:$0x3FAA]  }
0x2c: {  	s7 =	sld [smem:$0x3FAB]  }
0x2d: {  	s3 =	simm.s32 $0x108;
	s8 =	sld [smem:$0x3FAC]  }
0x2e: {  	s3 =	simm.s32 @!p0 $0x1082;
	s9 =	sld [smem:$0x3FAD]  }
0x2f: {  	lr =	sadd.s32 s0, s3;
	s0 =	sld [smem:$0x3FA4]  }
0x30: {  	s3 =	sld [smem:$0x3FA7]  }
0x31: {  	[smem:$0x3FB0] =	sst s10  }
0x32: {  	s10 =	sld [smem:$0x3FAE];
	_ =	sdelay $0x3  }
0x33: {  	p0 =	seq.s32 s10, $0x1;
	s10 =	sld [smem:$0x3FB0];
	_ =	sdelay $0x3  }
0x34: {  	[smem:$0x3FB0] =	sst s10  }
0x35: {  	s10 =	sld [smem:$0x3FAF];
	_ =	sdelay $0x3  }
0x36: {  	p1 =	seq.s32 s10, $0x1;
	s10 =	sld [smem:$0x3FB0];
	_ =	sdelay $0x3  }
0x37: {  	[smem:$0x3FB0] =	sst s10  }
0x38: {  	s10 =	sld [smem:$0x3FB1]  }
0x39: {  	_ = 	snop;
	(pc) =	sbr.ind lr, $3  }
0x3a: {  	_ = 	snop  }
0x3b: {  	_ = 	snop  }
0x3c: {  	p2 =	seq.s32 s10, $0x1;
	s10 =	sld [smem:$0x3FB0]  }
0x3d: {  	_ =	shalt  }
0x3e: {  	_ =	shalt  }
0x3f: {  	_ =	shalt  }
0x40: {  	_ =	shalt  }
0x41: {  	_ =	shalt  }
0x42: {  	_ =	shalt  }
0x43: {  	_ =	shalt  }
0x44: {  	_ =	shalt  }
0x45: {  	_ =	shalt  }
0x46: {  	_ =	shalt  }
0x47: {  	_ =	shalt  }
0x48: {  	_ =	shalt  }
0x49: {  	_ =	shalt  }
0x4a: {  	_ =	shalt  }
0x4b: {  	_ =	shalt  }
0x4c: {  	_ =	shalt  }
0x4d: {  	_ =	shalt  }
0x4e: {  	_ =	shalt  }
0x4f: {  	_ =	shalt  }
0x50: {  	_ =	shalt  }
0x51: {  	_ =	shalt  }
0x52: {  	_ =	shalt  }
0x53: {  	_ =	shalt  }
0x54: {  	_ =	shalt  }
0x55: {  	_ =	shalt  }
0x56: {  	_ =	shalt  }
0x57: {  	_ =	shalt  }
0x58: {  	_ =	shalt  }
0x59: {  	_ =	shalt  }
0x5a: {  	_ =	shalt  }
0x5b: {  	_ =	shalt  }
0x5c: {  	_ =	shalt  }
0x5d: {  	_ =	shalt  }
0x5e: {  	_ =	shalt  }
0x5f: {  	_ =	shalt  }
0x60: {  	_ =	shalt  }
0x61: {  	_ =	shalt  }
0x62: {  	_ =	shalt  }
0x63: {  	_ =	shalt  }
0x64: {  	_ =	shalt  }
0x65: {  	_ =	shalt  }
0x66: {  	_ =	shalt  }
0x67: {  	_ =	shalt  }
0x68: {  	_ =	shalt  }
0x69: {  	_ =	shalt  }
0x6a: {  	_ =	shalt  }
0x6b: {  	_ =	shalt  }
0x6c: {  	_ =	shalt  }
0x6d: {  	_ =	shalt  }
0x6e: {  	_ =	shalt  }
0x6f: {  	_ =	shalt  }
0x70: {  	_ =	shalt  }
0x71: {  	_ =	shalt  }
0x72: {  	_ =	shalt  }
0x73: {  	_ =	shalt  }
0x74: {  	_ =	shalt  }
0x75: {  	_ =	shalt  }
0x76: {  	_ =	shalt  }
0x77: {  	_ =	shalt  }
0x78: {  	_ =	shalt  }
0x79: {  	_ =	shalt  }
0x7a: {  	_ =	shalt  }
0x7b: {  	_ =	shalt  }
0x7c: {  	_ =	shalt  }
0x7d: {  	_ =	shalt  }
0x7e: {  	_ =	shalt  }
0x7f: {  	_ =	shalt  }
0x80: {  	_ =	shalt  }
0x81: {  	_ =	shalt  }
0x82: {  	_ =	shalt  }
0x83: {  	_ =	shalt  }
0x84: {  	_ =	shalt  }
0x85: {  	_ =	shalt  }
0x86: {  	_ =	shalt  }
0x87: {  	_ =	shalt  }
.Lfunc_end0:
.L_simem_size_0:
called_computation.2_lowered:
.L_overlay_start_0:
0x88: {  	s2 =	sld [smem:$0x3FD9]  }
0x89: {  	s3 =	sld [smem:$0x3FFE];
	_ =	sdelay $0x1  }
0x8a: {  	s1 =	srdreg.scid  }
0x8b: {  	s0 =	sand.u32 $0x1, s1  }
0x8c: {  	s14 =	sshll.u32 s0, $0xA;
	s2 =	sadd.s32 s3, s2  }
0x8d: {  	s2 =	sadd.s32 s2, s14  }
0x8e: {  	[smem:$0x3FBC] =	sst s2  }
0x8f: {  	_ = 	snop  }
0x90: {  	s2 =	sld [smem:$0x3FD0]  }
0x91: {  	s15 =	sld [smem:$0x3FC8]  }
0x92: {  	s4 =	sld [smem:$0x3FC1]  }
0x93: {  	s6 =	simm.s32 $0xA;
	s7 =	simm.s32 $0x10;
	s5 =	sld [smem:$0x3FC0]  }
0x94: {  	[smem:s7], [sflag:s6] =	dma.local [hbm:s2], $0x1  }
0x95: {  	_ =	swait.eq [sflag:s6], $0x1  }
0x96: {  	[sflag:s6] =	ssyncset.done $0x0  }
0x97: {  	[sflag:s6] =	ssyncadd.s32 $0xFFFFFFFF  }
0x98: {  	s16 =	sld [smem:$0x11];
	(tm) =	ssettm $0x1  }
0x99: {  	s17 =	sld [smem:$0x3FFB];
	_ =	sdelay $0x3  }
0x9a: {  	_ =	strace s17  }
0x9b: {  	s6 =	sld [smem:$0x3FFC];
	_ =	sdelay $0x3  }
0x9c: {  	_ =	strace s6  }
0x9d: {  	s6 =	sld [smem:$0x3FFD];
	_ =	sdelay $0x3  }
0x9e: {  	_ =	strace s6  }
0x9f: {  	_ =	strace $0x8FFFFFFF  }
0xa0: {  	s18 =	sld [smem:$0x3FDB];
	_ =	sdelay $0x1  }
0xa1: {  	s19 =	simm.s32 $_scs_section_size  }
0xa2: {  	s8 =	simm.s32 $_size__tile_overlayer_lowered;
	s9 =	simm.s32 $_tile_overlayer_lowered  }
0xa3: {  	s22 =	simm.s32 $0x1BFF;
	s21 =	sshll.u32 s9, $0x1;
	s6 =	sadd.s32 s19, s18  }
0xa4: {  	s10 =	simm.s32 $0x0;
	s20 =	sshll.u32 s8, $0x1;
	s8 =	sadd.s32 s21, s6  }
0xa5: {  	[timem:s10], [sflag:s22] =	dma.local [hbm:s8], s20  }
0xa6: {  	_ =	swait.ge [sflag:s22], s20  }
0xa7: {  	s7 =	ssub.s32 $0x0, s20;
	[sflag:s22] =	ssyncset.done $0x0  }
0xa8: {  	[sflag:s22] =	ssyncadd.s32 s7;
	_ =	sdelay $0x1  }
0xa9: {  	s23 =	simm.s32 $0x1B8B  }
0xaa: {  	_ =	swait.ge [sflag:s23], $0x1  }
0xab: {  	[sflag:s23] =	ssyncset.done $0x0  }
0xac: {  	s25 =	simm.s32 $0x1B8E;
	s24 =	sld [smem:$0x3FFE];
	[sflag:s23] =	ssyncadd.s32 $0xFFFFFFFF  }
0xad: {  	s26 =	simm.s32 $execute0_lowered;
	[smem:$0x3FD2] =	sst s25  }
0xae: {  	s8 =	sshll.u32 s26, $0x1;
	_ =	strace $0x80000046;
	[dreg:$0x1] =	wrdreg $0xFFFFFFFF  }
0xaf: {  	s28 =	simm.s32 $_size_execute0_lowered;
	s6 =	sadd.s32 s6, s8;
	[dreg:$0x0] =	wrdreg $0x0  }
0xb0: {  	s8 =	sshll.u32 s28, $0x1;
	[dreg:$0x2] =	wrdreg s6  }
0xb1: {  	[dreg:$0x3] =	wrdreg s8  }
0xb2: {  	[dreg:$0x4] =	wrdreg $0xC0  }
0xb3: {  	_ =	task [dreg:s10], $0x5FFFF  }
0xb4: {  	[dreg:$0x1] =	wrdreg $0xFFFFFFFF  }
0xb5: {  	[dreg:$0x0] =	wrdreg $0x60  }
0xb6: {  	[dreg:$0x2] =	wrdreg s24  }
0xb7: {  	[dreg:$0x3] =	wrdreg s15  }
0xb8: {  	[dreg:$0x4] =	wrdreg s4  }
0xb9: {  	[dreg:$0x5] =	wrdreg s5  }
0xba: {  	[dreg:$0x6] =	wrdreg s16  }
0xbb: {  	[dreg:$0x7] =	wrdreg $0x9  }
0xbc: {  	_ =	task.clear_ibuf [dreg:s10], $0x8FFFF;
	_ =	strace $0x90000046  }
0xbd: {  	s29 =	simm.s32 $0x9;
	_ =	strace $0x80000048  }
0xbe: {  	_ =	swait.ge [sflag:s29], $0x1  }
0xbf: {  	[sflag:s29] =	ssyncadd.s32 $0xFFFFFFFF  }
0xc0: {  	_ =	strace $0x90000048  }
0xc1: {  	_ =	sfence  }
0xc2: {  	s30 =	sld [smem:$0x0];
	_ =	sdelay $0x2  }
0xc3: {  	s31 =	sshll.u32 s1, $0xD;
	s1 =	sshrl.u32 s1, $0x2  }
0xc4: {  	s3 =	sand.u32 $0x4000, s31;
	s1 =	sadd.s32 s1, s30  }
0xc5: {  	s0 =	sor.u32 s3, s0;
	s1 =	sshll.u32 s1, $0x11  }
0xc6: {  	s0 =	sor.u32 s1, s0  }
0xc7: {  	s0 =	sadd.s32 $0x8F2B, s0  }
0xc8: {  	[sflag:s0] =	ssyncadd.remote.s32 $0x1  }
0xc9: {  	_ =	sfence.sel $0xFFFF  }
0xca: {  	[dreg:$0x0] =	wrdreg $0xFFFFFFFF;
	(pc) =	sbr.abs _section_cstart, $3  }
0xcb: {  	[dreg:$0x1] =	wrdreg $0xFFFFFFFF  }
0xcc: {  	_ =	task.clear_ibuf [dreg:s10], $0x2FFFF;
	_ =	strace $0x9FFFFFFF  }
0xcd: {  	(tm) =	ssettm $0x7FFFFFFF  }
tec
execute0_lowered:
.L_overlay_start_1:
0x0: {  	(tag) =	ssettag $0x1  }
0x1: {  	s0 =	rddreg [dreg:$0x0]  }
0x2: {  	s1 =	rddreg [dreg:$0x2]  }
0x3: {  	s2 =	rddreg [dreg:$0x3]  }
0x4: {  	s8 =	rddreg [dreg:$0x4];
	s3 =	simm.s32 $0x0  }
0x5: {  	s4 =	srdreg.scid;
	s5 =	stileid.u32;
	s15 =	simm.s32 $0x1000  }
0x6: {  	s14 =	simm.s32 $0x4;
	s19 =	simm.s32 $0x3800;
	s18 =	simm.s32 $0x1  }
0x7: {  	s28 =	simm.s32 $0x11800;
	s29 =	simm.s32 $0x12000;
	s30 =	simm.s32 $0x12800  }
0x8: {  	s31 =	simm.s32 $0x13000;
	[smem:$0x7FF] =	sst s3;
	s6 =	sand.u32 $0x1, s4  }
0x9: {  	s4 =	sadd.s32 $0x83A00, s0;
	s7 =	sshll.u32 s5, $0xC;
	s5 =	sadd.s32 $0x3A00, s0  }
0xa: {  	s12 =	sadd.s32 $0x3B00, s0;
	s13 =	sadd.s32 $0x104200, s0;
	s9 =	sshll.u32 s6, $0xB  }
0xb: {  	_ =	strace $0x80000047;
	s10 =	ssub.s32 $0x2, s6;
	s6 =	sor.u32 s9, s7  }
0xc: {  	s7 =	sadd.s32 $0x103A00, s0;
	s23 =	sshrl.u32 s10, $0x1;
	s11 =	sshrl.u32 s6, $0x3  }
0xd: {  	s9 =	ssub.s32 s10, s23;
	s23 =	simm.s32 $0xD800;
	s1 =	sadd.s32 s1, s11  }
0xe: {  	s24 =	sadd.s32 s2, s11;
	s25 =	sadd.s32 s8, s11;
	[dreg:$0x6] =	wrdreg s1  }
0xf: {  	s11 =	sadd.s32 $0x83B00, s0;
	s26 =	smax.u32 s9, $0x1;
	[dreg:$0x7] =	wrdreg s24  }
0x10: {  	v2 =	vlaneseq.u32;
	s8 =	simm.s32 $0xB800;
	s0 =	simm.s32 $0x3;
	[dreg:$0x8] =	wrdreg s25  }
0x11: {  	vm0 =	vmmov $0xffff;
	v1 =	vshrl.u32 v2, $0x3;
	s2 =	simm.s32 $0x2;
	s9 =	simm.s32 $0x0;
	[dreg:$0x9] =	wrdreg s26  }
0x12: {  	v0 =	vand.u32 $0x7, v2;
	v2 =	vor.u32 $0x8, v2;
	v1 =	vmul.u32 $0x8, v1;
	s24 =	simm.s32 $0xE000;
	s25 =	simm.s32 $0xE800;
	s26 =	simm.s32 $0xF000  }
.LBB2_1:
0x13: {  	[dreg:$0xa] =	wrdreg s9  }
0x14: {  	s1 =	rddreg [dreg:$0x1]  }
0x15: {  	[tilespmem:s15], [sflag:$0x4] =	stream.linear.gather [hbm4b:s1+s3], $0x2000, $0x38;
	[tilespmem:$0x13800] =	vst v63  }
0x16: {  	_ =	swait.ge [sflag:s14], $0x2000  }
0x17: {  	[sflag:s14] =	ssyncset.done $0x0  }
0x18: {  	s20 =	rddreg [dreg:$0x6];
	[sflag:s14] =	ssyncadd.s32 $0xFFFFE000  }
0x19: {  	[tilespmem:s3], [sflag:$0x4] =	stream.linear.gather [hbm4b:s20+s3], $0x800, $0x38;
	[tilespmem:$0x13800] =	vst v63  }
0x1a: {  	_ =	swait.ge [sflag:s14], $0x800  }
0x1b: {  	[sflag:s14] =	ssyncset.done $0x0  }
0x1c: {  	s22 =	simm.s32 $0x800;
	s21 =	rddreg [dreg:$0x7];
	[sflag:s14] =	ssyncadd.s32 $0xFFFFF800  }
0x1d: {  	[tilespmem:s22], [sflag:$0x4] =	stream.linear.gather [hbm4b:s21+s3], $0x800, $0x38;
	[tilespmem:$0x13800] =	vst v63  }
0x1e: {  	_ =	swait.ge [sflag:s14], $0x800  }
0x1f: {  	[sflag:s14] =	ssyncset.done $0x0  }
0x20: {  	s1 =	simm.s32 $0x0;
	[sflag:s14] =	ssyncadd.s32 $0xFFFFF800  }
0x21: {  	v3 =	vld [tilespmem:s1+$0x800]  }
0x22: {  	v4 =	vld [tilespmem:s1+$0x0];
	_ =	sdelay $0x6  }
0x23: {  	v3 =	vld.idx.msk [tilespmem:v3+s15+$0x0], $0xffff  }
0x24: {  	s9 =	simm.s32 $0x10;
	v5 =	vld.idx.msk [tilespmem:v4+s15+$0x0], $0xffff  }
0x25: {  	s10 =	simm.s32 $0x80;
	v4 =	vld [tilespmem:s9+$0x800]  }
.LBB2_2:
0x26: {  	p0 =	sne.s32 s10, $0x1FC0;
	v6 =	vld [tilespmem:s9+$0x0];
	_ =	sdelay $0x3  }
0x27: {  	v3 =	vadd.f32 v3, v5  }
.Ltmp0:
0x28: {  	(pc) =	sbr.rel @p0 .LBB2_2-.Ltmp0, $4  }
0x29: {  	[tilespmem:s1+$0x3000] =	vst v3;
	s1 =	smov.u32 s9  }
0x2a: {  	v3 =	vld.idx.msk [tilespmem:v4+s15+$0x0], $0xffff  }
0x2b: {  	s9 =	sshra.s32 s10, $0x2;
	v5 =	vld.idx.msk [tilespmem:v6+s15+$0x0], $0xffff  }
0x2c: {  	s10 =	sadd.s32 $0x40, s10;
	v4 =	vld [tilespmem:s9+$0x800]  }
0x2d: {  	_ = 	snop  }
0x2e: {  	v6 =	vld [tilespmem:s9+$0x0];
	_ =	sdelay $0x3  }
0x2f: {  	v3 =	vadd.f32 v3, v5;
	_ =	sdelay $0x1  }
0x30: {  	[tilespmem:s1+$0x3000] =	vst v3  }
0x31: {  	v3 =	vld.idx.msk [tilespmem:v4+s15+$0x0], $0xffff  }
0x32: {  	v59 =	vld.idx.msk [tilespmem:v6+s15+$0x0], $0xffff;
	_ =	sdelay $0x4  }
0x33: {  	v3 =	vadd.f32 v3, v59;
	_ =	sdelay $0x1  }
0x34: {  	s21 =	rddreg [dreg:$0x8];
	s10 =	simm.s32 $0x3000;
	s1 =	simm.s32 $0x0;
	[tilespmem:s9+$0x3000] =	vst v3  }
0x35: {  	[hbm4b:s21+s1] =	stream.linear.scatter [tilespmem:s10], [sflag:$0x4], $0x800, $0x38;
	[tilespmem:$0x13800] =	vst v63  }
0x36: {  	_ =	swait.ge [sflag:s14], $0x800  }
0x37: {  	[sflag:s14] =	ssyncset.done $0x0  }
0x38: {  	[sflag:s14] =	ssyncadd.s32 $0xFFFFF800  }
0x39: {  	v3 =	vld [tilespmem:$0x0];
	_ =	sdelay $0x4  }
0x3a: {  	v60 =	vshll.u32 v3, $0x2  }
0x3b: {  	v3 =	vand.u32 $0x7, v3;
	v4 =	vand.u32 $0xFFFFFFE0, v60  }
0x3c: {  	v3 =	vor.u32 v3, v4  }
0x3d: {  	v4 =	vperm.xlane v3, v0;
	_ =	sdelay $0x1  }
0x3e: {  	v4 =	vadd.s32 v1, v4;
	_ =	sdelay $0x1  }
0x3f: {  	v3 =	vperm.xlane v3, v2;
	_ =	sdelay $0x1  }
0x40: {  	v3 =	vadd.s32 v1, v3  }
0x41: {  	[tilespmem:s19], [sflag:$0x1] =	stream.indirect_vreg.gather [hbm4b:s4+s1], $0x80, v4, vm0, $0xb8;
	[tilespmem:$0x13800] =	vst v63  }
0x42: {  	s22 =	simm.s32 $0x4000  }
0x43: {  	[tilespmem:s22], [sflag:$0x1] =	stream.indirect_vreg.gather [hbm4b:s11+s1], $0x80, v4, vm0, $0xb8;
	[tilespmem:$0x13800] =	vst v63  }
0x44: {  	s10 =	simm.s32 $0x4800  }
0x45: {  	[tilespmem:s10], [sflag:$0x1] =	stream.indirect_vreg.gather [hbm4b:s4+s1], $0x80, v3, vm0, $0xb8;
	[tilespmem:$0x13800] =	vst v63  }
0x46: {  	s14 =	simm.s32 $0x5000  }
0x47: {  	[tilespmem:s14], [sflag:$0x1] =	stream.indirect_vreg.gather [hbm4b:s11+s1], $0x80, v3, vm0, $0xb8;
	[tilespmem:$0x13800] =	vst v63  }
0x48: {  	v3 =	vld [tilespmem:$0x800];
	_ =	sdelay $0x4  }
0x49: {  	v61 =	vshll.u32 v3, $0x2  }
0x4a: {  	v3 =	vand.u32 $0x7, v3;
	v4 =	vand.u32 $0xFFFFFFE0, v61  }
0x4b: {  	v3 =	vor.u32 v3, v4  }
0x4c: {  	v4 =	vperm.xlane v3, v0;
	_ =	sdelay $0x1  }
0x4d: {  	v4 =	vadd.s32 v1, v4;
	_ =	sdelay $0x1  }
0x4e: {  	v3 =	vperm.xlane v3, v2;
	_ =	sdelay $0x1  }
0x4f: {  	s16 =	simm.s32 $0x7800;
	v3 =	vadd.s32 v1, v3  }
0x50: {  	[tilespmem:s16], [sflag:$0x1] =	stream.indirect_vreg.gather [hbm4b:s5+s1], $0x80, v4, vm0, $0xb8;
	[tilespmem:$0x13800] =	vst v63  }
0x51: {  	s17 =	simm.s32 $0x8000  }
0x52: {  	[tilespmem:s17], [sflag:$0x1] =	stream.indirect_vreg.gather [hbm4b:s12+s1], $0x80, v4, vm0, $0xb8;
	[tilespmem:$0x13800] =	vst v63  }
0x53: {  	s20 =	simm.s32 $0x8800  }
0x54: {  	[tilespmem:s20], [sflag:$0x1] =	stream.indirect_vreg.gather [hbm4b:s5+s1], $0x80, v3, vm0, $0xb8;
	[tilespmem:$0x13800] =	vst v63  }
0x55: {  	s21 =	simm.s32 $0x9000  }
0x56: {  	[tilespmem:s21], [sflag:$0x1] =	stream.indirect_vreg.gather [hbm4b:s12+s1], $0x80, v3, vm0, $0xb8;
	[tilespmem:$0x13800] =	vst v63  }
0x57: {  	v3 =	vld [tilespmem:$0x10];
	_ =	sdelay $0x4  }
0x58: {  	v62 =	vshll.u32 v3, $0x2  }
0x59: {  	v3 =	vand.u32 $0x7, v3;
	v4 =	vand.u32 $0xFFFFFFE0, v62  }
0x5a: {  	v3 =	vor.u32 v3, v4  }
0x5b: {  	v4 =	vperm.xlane v3, v0;
	_ =	sdelay $0x1  }
0x5c: {  	v4 =	vadd.s32 v1, v4;
	_ =	sdelay $0x1  }
0x5d: {  	v3 =	vperm.xlane v3, v2;
	_ =	sdelay $0x1  }
0x5e: {  	s22 =	simm.s32 $0x5800;
	v3 =	vadd.s32 v1, v3  }
0x5f: {  	[tilespmem:s22], [sflag:$0x1] =	stream.indirect_vreg.gather [hbm4b:s4+s1], $0x80, v4, vm0, $0xb8;
	[tilespmem:$0x13800] =	vst v63  }
0x60: {  	s10 =	simm.s32 $0x6000  }
0x61: {  	[tilespmem:s10], [sflag:$0x1] =	stream.indirect_vreg.gather [hbm4b:s11+s1], $0x80, v4, vm0, $0xb8;
	[tilespmem:$0x13800] =	vst v63  }
0x62: {  	s14 =	simm.s32 $0x6800  }
0x63: {  	[tilespmem:s14], [sflag:$0x1] =	stream.indirect_vreg.gather [hbm4b:s4+s1], $0x80, v3, vm0, $0xb8;
	[tilespmem:$0x13800] =	vst v63  }
0x64: {  	s16 =	simm.s32 $0x7000  }
0x65: {  	[tilespmem:s16], [sflag:$0x1] =	stream.indirect_vreg.gather [hbm4b:s11+s1], $0x80, v3, vm0, $0xb8;
	[tilespmem:$0x13800] =	vst v63  }
0x66: {  	v3 =	vld [tilespmem:$0x810];
	_ =	sdelay $0x4  }
0x67: {  	v63 =	vshll.u32 v3, $0x2  }
0x68: {  	v3 =	vand.u32 $0x7, v3;
	v4 =	vand.u32 $0xFFFFFFE0, v63  }
0x69: {  	v3 =	vor.u32 v3, v4  }
0x6a: {  	v4 =	vperm.xlane v3, v0;
	_ =	sdelay $0x1  }
0x6b: {  	v4 =	vadd.s32 v1, v4;
	_ =	sdelay $0x1  }
0x6c: {  	v3 =	vperm.xlane v3, v2;
	_ =	sdelay $0x1  }
0x6d: {  	s17 =	simm.s32 $0x9800;
	v3 =	vadd.s32 v1, v3  }
0x6e: {  	[tilespmem:s17], [sflag:$0x1] =	stream.indirect_vreg.gather [hbm4b:s5+s1], $0x80, v4, vm0, $0xb8;
	[tilespmem:$0x13800] =	vst v63  }
0x6f: {  	s20 =	simm.s32 $0xA000  }
0x70: {  	[tilespmem:s20], [sflag:$0x1] =	stream.indirect_vreg.gather [hbm4b:s12+s1], $0x80, v4, vm0, $0xb8;
	[tilespmem:$0x13800] =	vst v63  }
0x71: {  	s21 =	simm.s32 $0xA800  }
0x72: {  	[tilespmem:s21], [sflag:$0x1] =	stream.indirect_vreg.gather [hbm4b:s5+s1], $0x80, v3, vm0, $0xb8;
	[tilespmem:$0x13800] =	vst v63  }
0x73: {  	s22 =	simm.s32 $0xB000;
	s17 =	simm.s32 $0x0  }
0x74: {  	[tilespmem:s22], [sflag:$0x1] =	stream.indirect_vreg.gather [hbm4b:s12+s1], $0x80, v3, vm0, $0xb8;
	[tilespmem:$0x13800] =	vst v63  }
.LBB2_4:
0x75: {  	_ =	swait.ge [sflag:s18], $0x2000  }
0x76: {  	[sflag:s18] =	ssyncset.done $0x0  }
0x77: {  	[sflag:s18] =	ssyncadd.s32 $0xFFFFE000  }
0x78: {  	_ =	swait.ge [sflag:s18], $0x2000  }
0x79: {  	[sflag:s18] =	ssyncset.done $0x0  }
0x7a: {  	[sflag:s18] =	ssyncadd.s32 $0xFFFFE000  }
0x7b: {  	_ =	swait.ge [sflag:s18], $0x2000  }
0x7c: {  	[sflag:s18] =	ssyncset.done $0x0  }
0x7d: {  	[sflag:s18] =	ssyncadd.s32 $0xFFFFE000  }
0x7e: {  	_ =	swait.ge [sflag:s18], $0x2000  }
0x7f: {  	p0 =	seq.s32 s17, $0x0;
	[sflag:s18] =	ssyncset.done $0x0  }
0x80: {  	s10 =	simm.s32 @!p0 $0x3;
	[sflag:s18] =	ssyncadd.s32 $0xFFFFE000  }
0x81: {  	_ =	swait.ge @!p0 [sflag:s10], $0x4000  }
0x82: {  	s9 =	sshll.u32 s17, $0x6;
	[sflag:s10] =	ssyncset.done @!p0 $0x0  }
0x83: {  	s14 =	sor.u32 $0x20, s9;
	[sflag:s10] =	ssyncadd.s32 @!p0 $0xFFFFC000  }
0x84: {  	v3 =	vld [tilespmem:s14+$0x0];
	_ =	sdelay $0x4  }
0x85: {  	v4 =	vshll.u32 v3, $0x2  }
0x86: {  	v3 =	vand.u32 $0x7, v3;
	v4 =	vand.u32 $0xFFFFFFE0, v4  }
0x87: {  	v3 =	vor.u32 v3, v4  }
0x88: {  	v4 =	vperm.xlane v3, v0;
	_ =	sdelay $0x1  }
0x89: {  	v4 =	vadd.s32 v1, v4;
	_ =	sdelay $0x1  }
0x8a: {  	v3 =	vperm.xlane v3, v2;
	_ =	sdelay $0x1  }
0x8b: {  	v3 =	vadd.s32 v1, v3  }
0x8c: {  	[tilespmem:s8], [sflag:$0x2] =	stream.indirect_vreg.gather [hbm4b:s4+s1], $0x80, v4, vm0, $0xb8;
	[tilespmem:$0x13800] =	vst v63  }
0x8d: {  	s16 =	simm.s32 $0xC000  }
0x8e: {  	[tilespmem:s16], [sflag:$0x2] =	stream.indirect_vreg.gather [hbm4b:s11+s1], $0x80, v4, vm0, $0xb8;
	[tilespmem:$0x13800] =	vst v63  }
0x8f: {  	s20 =	simm.s32 $0xC800  }
0x90: {  	[tilespmem:s20], [sflag:$0x2] =	stream.indirect_vreg.gather [hbm4b:s4+s1], $0x80, v3, vm0, $0xb8;
	[tilespmem:$0x13800] =	vst v63  }
0x91: {  	s21 =	simm.s32 $0xD000  }
0x92: {  	[tilespmem:s21], [sflag:$0x2] =	stream.indirect_vreg.gather [hbm4b:s11+s1], $0x80, v3, vm0, $0xb8;
	[tilespmem:$0x13800] =	vst v63  }
0x93: {  	v3 =	vld [tilespmem:s9+$0x820];
	_ =	sdelay $0x4  }
0x94: {  	v4 =	vshll.u32 v3, $0x2  }
0x95: {  	v3 =	vand.u32 $0x7, v3;
	v4 =	vand.u32 $0xFFFFFFE0, v4  }
0x96: {  	v3 =	vor.u32 v3, v4  }
0x97: {  	v4 =	vperm.xlane v3, v0;
	_ =	sdelay $0x1  }
0x98: {  	v4 =	vadd.s32 v1, v4;
	_ =	sdelay $0x1  }
0x99: {  	v3 =	vperm.xlane v3, v2;
	_ =	sdelay $0x1  }
0x9a: {  	s22 =	simm.s32 $0xF800;
	v3 =	vadd.s32 v1, v3  }
0x9b: {  	[tilespmem:s22], [sflag:$0x2] =	stream.indirect_vreg.gather [hbm4b:s5+s1], $0x80, v4, vm0, $0xb8;
	[tilespmem:$0x13800] =	vst v63  }
0x9c: {  	s14 =	simm.s32 $0x10000  }
0x9d: {  	[tilespmem:s14], [sflag:$0x2] =	stream.indirect_vreg.gather [hbm4b:s12+s1], $0x80, v4, vm0, $0xb8;
	[tilespmem:$0x13800] =	vst v63  }
0x9e: {  	s16 =	simm.s32 $0x10800  }
0x9f: {  	[tilespmem:s16], [sflag:$0x2] =	stream.indirect_vreg.gather [hbm4b:s5+s1], $0x80, v3, vm0, $0xb8;
	[tilespmem:$0x13800] =	vst v63  }
0xa0: {  	s20 =	simm.s32 $0x11000;
	s21 =	sor.u32 $0x30, s9  }
0xa1: {  	[tilespmem:s20], [sflag:$0x2] =	stream.indirect_vreg.gather [hbm4b:s12+s1], $0x80, v3, vm0, $0xb8;
	[tilespmem:$0x13800] =	vst v63  }
0xa2: {  	v3 =	vld [tilespmem:s21+$0x0];
	_ =	sdelay $0x4  }
0xa3: {  	v4 =	vshll.u32 v3, $0x2  }
0xa4: {  	v3 =	vand.u32 $0x7, v3;
	v4 =	vand.u32 $0xFFFFFFE0, v4  }
0xa5: {  	v3 =	vor.u32 v3, v4  }
0xa6: {  	v4 =	vperm.xlane v3, v0;
	_ =	sdelay $0x1  }
0xa7: {  	v4 =	vadd.s32 v1, v4;
	_ =	sdelay $0x1  }
0xa8: {  	v3 =	vperm.xlane v3, v2;
	_ =	sdelay $0x1  }
0xa9: {  	v3 =	vadd.s32 v1, v3  }
0xaa: {  	[tilespmem:s23], [sflag:$0x2] =	stream.indirect_vreg.gather [hbm4b:s4+s1], $0x80, v4, vm0, $0xb8;
	[tilespmem:$0x13800] =	vst v63  }
0xab: {  	_ = 	snop  }
0xac: {  	[tilespmem:s24], [sflag:$0x2] =	stream.indirect_vreg.gather [hbm4b:s11+s1], $0x80, v4, vm0, $0xb8;
	[tilespmem:$0x13800] =	vst v63  }
0xad: {  	_ = 	snop  }
0xae: {  	[tilespmem:s25], [sflag:$0x2] =	stream.indirect_vreg.gather [hbm4b:s4+s1], $0x80, v3, vm0, $0xb8;
	[tilespmem:$0x13800] =	vst v63  }
0xaf: {  	_ = 	snop  }
0xb0: {  	[tilespmem:s26], [sflag:$0x2] =	stream.indirect_vreg.gather [hbm4b:s11+s1], $0x80, v3, vm0, $0xb8;
	[tilespmem:$0x13800] =	vst v63  }
0xb1: {  	v3 =	vld [tilespmem:s9+$0x830];
	_ =	sdelay $0x4  }
0xb2: {  	v4 =	vshll.u32 v3, $0x2  }
0xb3: {  	v3 =	vand.u32 $0x7, v3;
	v4 =	vand.u32 $0xFFFFFFE0, v4  }
0xb4: {  	v3 =	vor.u32 v3, v4  }
0xb5: {  	v4 =	vperm.xlane v3, v0;
	_ =	sdelay $0x1  }
0xb6: {  	v4 =	vadd.s32 v1, v4;
	_ =	sdelay $0x1  }
0xb7: {  	v3 =	vperm.xlane v3, v2;
	_ =	sdelay $0x1  }
0xb8: {  	v3 =	vadd.s32 v1, v3  }
0xb9: {  	[tilespmem:s28], [sflag:$0x2] =	stream.indirect_vreg.gather [hbm4b:s5+s1], $0x80, v4, vm0, $0xb8;
	[tilespmem:$0x13800] =	vst v63  }
0xba: {  	_ = 	snop  }
0xbb: {  	[tilespmem:s29], [sflag:$0x2] =	stream.indirect_vreg.gather [hbm4b:s12+s1], $0x80, v4, vm0, $0xb8;
	[tilespmem:$0x13800] =	vst v63  }
0xbc: {  	s22 =	sand.u32 $0x3000, s1;
	s14 =	sand.u32 $0x380, s1  }
0xbd: {  	[tilespmem:s30], [sflag:$0x2] =	stream.indirect_vreg.gather [hbm4b:s5+s1], $0x80, v3, vm0, $0xb8;
	[tilespmem:$0x13800] =	vst v63  }
0xbe: {  	s14 =	sor.u32 s14, s22  }
0xbf: {  	[tilespmem:s31], [sflag:$0x2] =	stream.indirect_vreg.gather [hbm4b:s12+s1], $0x80, v3, vm0, $0xb8;
	[tilespmem:$0x13800] =	vst v63  }
0xc0: {  	v10 =	vld [tilespmem:s14+$0x7800]  }
0xc1: {  	v11 =	vld [tilespmem:s14+$0x8000]  }
0xc2: {  	v12 =	vld [tilespmem:s14+$0x7810]  }
0xc3: {  	v13 =	vld [tilespmem:s14+$0x8010]  }
0xc4: {  	v14 =	vld [tilespmem:s14+$0x7820]  }
0xc5: {  	v15 =	vld [tilespmem:s14+$0x8020]  }
0xc6: {  	v16 =	vld [tilespmem:s14+$0x7830]  }
0xc7: {  	v17 =	vld [tilespmem:s14+$0x8030]  }
0xc8: {  	v18 =	vld [tilespmem:s14+$0x7840]  }
0xc9: {  	v19 =	vld [tilespmem:s14+$0x8040]  }
0xca: {  	v20 =	vld [tilespmem:s14+$0x7850]  }
0xcb: {  	v21 =	vld [tilespmem:s14+$0x8050]  }
0xcc: {  	v22 =	vld [tilespmem:s14+$0x7860]  }
0xcd: {  	v23 =	vld [tilespmem:s14+$0x8060]  }
0xce: {  	v24 =	vld [tilespmem:s14+$0x7870]  }
0xcf: {  	v25 =	vld [tilespmem:s14+$0x8070]  }
0xd0: {  	v26 =	vld [tilespmem:s14+$0x7C00]  }
0xd1: {  	v27 =	vld [tilespmem:s14+$0x8400]  }
0xd2: {  	v28 =	vld [tilespmem:s14+$0x7C10]  }
0xd3: {  	v29 =	vld [tilespmem:s14+$0x8410]  }
0xd4: {  	v30 =	vld [tilespmem:s14+$0x7C20]  }
0xd5: {  	v31 =	vld [tilespmem:s14+$0x8420]  }
0xd6: {  	v32 =	vld [tilespmem:s14+$0x7C30]  }
0xd7: {  	v33 =	vld [tilespmem:s14+$0x8430]  }
0xd8: {  	v34 =	vld [tilespmem:s14+$0x7C40]  }
0xd9: {  	v9 =	vld [tilespmem:s14+$0x8440]  }
0xda: {  	v8 =	vld [tilespmem:s14+$0x7C50]  }
0xdb: {  	v7 =	vld [tilespmem:s14+$0x8450]  }
0xdc: {  	v6 =	vld [tilespmem:s14+$0x7C60]  }
0xdd: {  	v5 =	vld [tilespmem:s14+$0x8460]  }
0xde: {  	v4 =	vld [tilespmem:s14+$0x7C70]  }
0xdf: {  	v3 =	vld [tilespmem:s14+$0x8470]  }
0xe0: {  	v35 =	vld [tilespmem:s14+$0x3800]  }
0xe1: {  	v36 =	vld [tilespmem:s14+$0x4000]  }
0xe2: {  	v37 =	vld [tilespmem:s14+$0x3810]  }
0xe3: {  	v38 =	vld [tilespmem:s14+$0x4010]  }
0xe4: {  	v39 =	vld [tilespmem:s14+$0x3820]  }
0xe5: {  	v62 =	vld [tilespmem:s14+$0x4020];
	v10 =	vmul.bf16 v10, v35  }
0xe6: {  	v63 =	vld [tilespmem:s14+$0x3830];
	v11 =	vadd.bf16 v11, v36  }
0xe7: {  	[tilespmem:s14+$0x3800] =	vst v10;
	v10 =	vmul.bf16 v12, v37;
	v12 =	vld [tilespmem:s14+$0x4030]  }
0xe8: {  	[tilespmem:s14+$0x4000] =	vst v11;
	v11 =	vadd.bf16 v13, v38;
	v13 =	vld [tilespmem:s14+$0x3840]  }
0xe9: {  	[tilespmem:s14+$0x3810] =	vst v10;
	v10 =	vmul.bf16 v14, v39;
	v14 =	vld [tilespmem:s14+$0x4040]  }
0xea: {  	[tilespmem:s14+$0x4010] =	vst v11;
	v11 =	vadd.bf16 v15, v62;
	v15 =	vld [tilespmem:s14+$0x3850]  }
0xeb: {  	[tilespmem:s14+$0x3820] =	vst v10;
	v10 =	vmul.bf16 v16, v63;
	v16 =	vld [tilespmem:s14+$0x4050]  }
0xec: {  	[tilespmem:s14+$0x4020] =	vst v11;
	v11 =	vadd.bf16 v17, v12;
	v12 =	vld [tilespmem:s14+$0x3860]  }
0xed: {  	[tilespmem:s14+$0x3830] =	vst v10;
	v10 =	vmul.bf16 v18, v13;
	v13 =	vld [tilespmem:s14+$0x4060]  }
0xee: {  	[tilespmem:s14+$0x4030] =	vst v11;
	v11 =	vadd.bf16 v19, v14;
	v14 =	vld [tilespmem:s14+$0x3870]  }
0xef: {  	[tilespmem:s14+$0x3840] =	vst v10;
	v10 =	vmul.bf16 v20, v15;
	v15 =	vld [tilespmem:s14+$0x4070]  }
0xf0: {  	[tilespmem:s14+$0x4040] =	vst v11;
	v11 =	vadd.bf16 v21, v16;
	v16 =	vld [tilespmem:s14+$0x3C00]  }
0xf1: {  	[tilespmem:s14+$0x3850] =	vst v10;
	v10 =	vmul.bf16 v22, v12;
	v12 =	vld [tilespmem:s14+$0x4400]  }
0xf2: {  	[tilespmem:s14+$0x4050] =	vst v11;
	v11 =	vadd.bf16 v23, v13;
	v13 =	vld [tilespmem:s14+$0x3C10]  }
0xf3: {  	[tilespmem:s14+$0x3860] =	vst v10;
	v10 =	vmul.bf16 v24, v14;
	v14 =	vld [tilespmem:s14+$0x4410]  }
0xf4: {  	[tilespmem:s14+$0x4060] =	vst v11;
	v11 =	vadd.bf16 v25, v15;
	v15 =	vld [tilespmem:s14+$0x3C20]  }
0xf5: {  	[tilespmem:s14+$0x3870] =	vst v10;
	v10 =	vmul.bf16 v26, v16;
	v16 =	vld [tilespmem:s14+$0x4420]  }
0xf6: {  	v17 =	vld [tilespmem:s14+$0x3C30];
	[tilespmem:s14+$0x4070] =	vst v11;
	v11 =	vadd.bf16 v27, v12  }
0xf7: {  	v18 =	vld [tilespmem:s14+$0x4430];
	[tilespmem:s14+$0x3C00] =	vst v10;
	v10 =	vmul.bf16 v28, v13  }
0xf8: {  	[tilespmem:s14+$0x4400] =	vst v11;
	v11 =	vadd.bf16 v29, v14;
	v14 =	vld [tilespmem:s14+$0x3C40]  }
0xf9: {  	v13 =	vld [tilespmem:s14+$0x4440];
	[tilespmem:s14+$0x3C10] =	vst v10;
	v10 =	vmul.bf16 v30, v15  }
0xfa: {  	v12 =	vld [tilespmem:s14+$0x3C50];
	[tilespmem:s14+$0x4410] =	vst v11;
	v11 =	vadd.bf16 v31, v16  }
0xfb: {  	v15 =	vmul.bf16 v32, v17;
	[tilespmem:s14+$0x3C20] =	vst v10;
	v10 =	vld [tilespmem:s14+$0x4450]  }
0xfc: {  	v16 =	vadd.bf16 v33, v18;
	[tilespmem:s14+$0x4420] =	vst v11;
	v11 =	vld [tilespmem:s14+$0x3C60]  }
0xfd: {  	s10 =	sor.u32 s6, s9;
	s16 =	simm.s32 $0x80;
	s20 =	simm.s32 $0x200;
	[tilespmem:s14+$0x3C30] =	vst v15;
	v15 =	vmul.bf16 v34, v14;
	v14 =	vld [tilespmem:s14+$0x4460]  }
.LBB2_5:
0xfe: {  	s21 =	sand.u32 $0x3000, s20;
	s22 =	sand.u32 $0x380, s16;
	p0 =	sne.s32 s20, $0x3E00;
	[tilespmem:s14+$0x4430] =	vst v16;
	v9 =	vadd.bf16 v9, v13;
	v13 =	vld [tilespmem:s14+$0x3C70]  }
0xff: {  	s21 =	sor.u32 s22, s21;
	[tilespmem:s14+$0x3C40] =	vst v15;
	v8 =	vmul.bf16 v8, v12;
	v12 =	vld [tilespmem:s14+$0x4470]  }
0x100: {  	v15 =	vld [tilespmem:s21+$0x7800];
	[tilespmem:s14+$0x4440] =	vst v9;
	v7 =	vadd.bf16 v7, v10  }
0x101: {  	v10 =	vld [tilespmem:s21+$0x8000];
	[tilespmem:s14+$0x3C50] =	vst v8;
	v6 =	vmul.bf16 v6, v11  }
0x102: {  	v11 =	vld [tilespmem:s21+$0x7810];
	[tilespmem:s14+$0x4450] =	vst v7;
	v5 =	vadd.bf16 v5, v14  }
0x103: {  	v14 =	vld [tilespmem:s21+$0x8010];
	[tilespmem:s14+$0x3C60] =	vst v6;
	v4 =	vmul.bf16 v4, v13  }
0x104: {  	v13 =	vld [tilespmem:s21+$0x7820];
	[tilespmem:s14+$0x4460] =	vst v5;
	v3 =	vadd.bf16 v3, v12  }
0x105: {  	v12 =	vld [tilespmem:s21+$0x8020];
	[tilespmem:s14+$0x3C70] =	vst v4  }
0x106: {  	v16 =	vld [tilespmem:s21+$0x7830];
	[tilespmem:s14+$0x4470] =	vst v3;
	s14 =	smov.u32 s21  }
0x107: {  	v17 =	vld [tilespmem:s14+$0x8030]  }
0x108: {  	v18 =	vld [tilespmem:s14+$0x7840]  }
0x109: {  	v19 =	vld [tilespmem:s14+$0x8040]  }
0x10a: {  	v20 =	vld [tilespmem:s14+$0x7850]  }
0x10b: {  	v21 =	vld [tilespmem:s14+$0x8050]  }
0x10c: {  	v22 =	vld [tilespmem:s14+$0x7860]  }
0x10d: {  	v23 =	vld [tilespmem:s14+$0x8060]  }
0x10e: {  	v24 =	vld [tilespmem:s14+$0x7870]  }
0x10f: {  	v25 =	vld [tilespmem:s14+$0x8070]  }
0x110: {  	v26 =	vld [tilespmem:s14+$0x7C00]  }
0x111: {  	v27 =	vld [tilespmem:s14+$0x8400]  }
0x112: {  	v28 =	vld [tilespmem:s14+$0x7C10]  }
0x113: {  	v29 =	vld [tilespmem:s14+$0x8410]  }
0x114: {  	v30 =	vld [tilespmem:s14+$0x7C20]  }
0x115: {  	v31 =	vld [tilespmem:s14+$0x8420]  }
0x116: {  	v32 =	vld [tilespmem:s14+$0x7C30]  }
0x117: {  	v33 =	vld [tilespmem:s14+$0x8430]  }
0x118: {  	v34 =	vld [tilespmem:s14+$0x7C40]  }
0x119: {  	v9 =	vld [tilespmem:s14+$0x8440]  }
0x11a: {  	v8 =	vld [tilespmem:s14+$0x7C50]  }
0x11b: {  	v7 =	vld [tilespmem:s14+$0x8450]  }
0x11c: {  	v6 =	vld [tilespmem:s14+$0x7C60]  }
0x11d: {  	v5 =	vld [tilespmem:s14+$0x8460]  }
0x11e: {  	v4 =	vld [tilespmem:s14+$0x7C70]  }
0x11f: {  	v3 =	vld [tilespmem:s14+$0x8470]  }
0x120: {  	v35 =	vld [tilespmem:s14+$0x3800]  }
0x121: {  	v36 =	vld [tilespmem:s14+$0x4000]  }
0x122: {  	v37 =	vld [tilespmem:s14+$0x3810]  }
0x123: {  	v38 =	vld [tilespmem:s14+$0x4010]  }
0x124: {  	v39 =	vld [tilespmem:s14+$0x3820]  }
0x125: {  	v15 =	vmul.bf16 v15, v35;
	v35 =	vld [tilespmem:s14+$0x4020]  }
0x126: {  	v10 =	vadd.bf16 v10, v36;
	v36 =	vld [tilespmem:s14+$0x3830]  }
0x127: {  	[tilespmem:s14+$0x3800] =	vst v15;
	v11 =	vmul.bf16 v11, v37;
	v15 =	vld [tilespmem:s14+$0x4030]  }
0x128: {  	[tilespmem:s14+$0x4000] =	vst v10;
	v10 =	vadd.bf16 v14, v38;
	v14 =	vld [tilespmem:s14+$0x3840]  }
0x129: {  	[tilespmem:s14+$0x3810] =	vst v11;
	v11 =	vmul.bf16 v13, v39;
	v13 =	vld [tilespmem:s14+$0x4040]  }
0x12a: {  	[tilespmem:s14+$0x4010] =	vst v10;
	v10 =	vadd.bf16 v12, v35;
	v12 =	vld [tilespmem:s14+$0x3850]  }
0x12b: {  	[tilespmem:s14+$0x3820] =	vst v11;
	v11 =	vmul.bf16 v16, v36;
	v16 =	vld [tilespmem:s14+$0x4050]  }
0x12c: {  	[tilespmem:s14+$0x4020] =	vst v10;
	v10 =	vadd.bf16 v17, v15;
	v15 =	vld [tilespmem:s14+$0x3860]  }
0x12d: {  	[tilespmem:s14+$0x3830] =	vst v11;
	v11 =	vmul.bf16 v18, v14;
	v14 =	vld [tilespmem:s14+$0x4060]  }
0x12e: {  	[tilespmem:s14+$0x4030] =	vst v10;
	v10 =	vadd.bf16 v19, v13;
	v13 =	vld [tilespmem:s14+$0x3870]  }
0x12f: {  	[tilespmem:s14+$0x3840] =	vst v11;
	v11 =	vmul.bf16 v20, v12;
	v12 =	vld [tilespmem:s14+$0x4070]  }
0x130: {  	[tilespmem:s14+$0x4040] =	vst v10;
	v10 =	vadd.bf16 v21, v16;
	v16 =	vld [tilespmem:s14+$0x3C00]  }
0x131: {  	[tilespmem:s14+$0x3850] =	vst v11;
	v11 =	vmul.bf16 v22, v15;
	v15 =	vld [tilespmem:s14+$0x4400]  }
0x132: {  	[tilespmem:s14+$0x4050] =	vst v10;
	v10 =	vadd.bf16 v23, v14;
	v14 =	vld [tilespmem:s14+$0x3C10]  }
0x133: {  	[tilespmem:s14+$0x3860] =	vst v11;
	v11 =	vmul.bf16 v24, v13;
	v13 =	vld [tilespmem:s14+$0x4410]  }
0x134: {  	[tilespmem:s14+$0x4060] =	vst v10;
	v10 =	vadd.bf16 v25, v12;
	v12 =	vld [tilespmem:s14+$0x3C20]  }
0x135: {  	[tilespmem:s14+$0x3870] =	vst v11;
	v11 =	vmul.bf16 v26, v16;
	v16 =	vld [tilespmem:s14+$0x4420]  }
0x136: {  	[tilespmem:s14+$0x4070] =	vst v10;
	v10 =	vadd.bf16 v27, v15;
	v15 =	vld [tilespmem:s14+$0x3C30]  }
0x137: {  	[tilespmem:s14+$0x3C00] =	vst v11;
	v11 =	vmul.bf16 v28, v14;
	v14 =	vld [tilespmem:s14+$0x4430]  }
0x138: {  	[tilespmem:s14+$0x4400] =	vst v10;
	v10 =	vadd.bf16 v29, v13;
	v17 =	vld [tilespmem:s14+$0x3C40]  }
.Ltmp1:
0x139: {  	[tilespmem:s14+$0x3C10] =	vst v11;
	v11 =	vmul.bf16 v30, v12;
	v13 =	vld [tilespmem:s14+$0x4440];
	(pc) =	sbr.rel @p0 .LBB2_5-.Ltmp1, $4  }
0x13a: {  	[tilespmem:s14+$0x4410] =	vst v10;
	v16 =	vadd.bf16 v31, v16;
	v12 =	vld [tilespmem:s14+$0x3C50]  }
0x13b: {  	[tilespmem:s14+$0x3C20] =	vst v11;
	v15 =	vmul.bf16 v32, v15;
	v10 =	vld [tilespmem:s14+$0x4450]  }
0x13c: {  	[tilespmem:s14+$0x4420] =	vst v16;
	v16 =	vadd.bf16 v33, v14;
	v11 =	vld [tilespmem:s14+$0x3C60]  }
0x13d: {  	s16 =	sadd.s32 $0x80, s16;
	s20 =	sadd.s32 $0x200, s20;
	[tilespmem:s14+$0x3C30] =	vst v15;
	v15 =	vmul.bf16 v34, v17;
	v14 =	vld [tilespmem:s14+$0x4460]  }
0x13e: {  	[tilespmem:s14+$0x4430] =	vst v16;
	v9 =	vadd.bf16 v9, v13;
	v62 =	vld [tilespmem:s14+$0x3C70]  }
0x13f: {  	v63 =	vld [tilespmem:s14+$0x4470];
	[tilespmem:s14+$0x3C40] =	vst v15;
	v8 =	vmul.bf16 v8, v12  }
0x140: {  	[tilespmem:s14+$0x4440] =	vst v9;
	v7 =	vadd.bf16 v7, v10  }
0x141: {  	[tilespmem:s14+$0x3C50] =	vst v8;
	v6 =	vmul.bf16 v6, v11  }
0x142: {  	[tilespmem:s14+$0x4450] =	vst v7;
	v5 =	vadd.bf16 v5, v14  }
0x143: {  	[tilespmem:s14+$0x3C60] =	vst v6;
	v4 =	vmul.bf16 v4, v62  }
0x144: {  	v3 =	vadd.bf16 v3, v63;
	[tilespmem:s14+$0x4460] =	vst v5  }
0x145: {  	s10 =	sshll.u32 s10, $0x6;
	p0 =	seq.s32 s17, $0x1F;
	[tilespmem:s14+$0x3C70] =	vst v4  }
.Ltmp2:
0x146: {  	s22 =	sadd.s32 s7, s10;
	[tilespmem:s14+$0x4470] =	vst v3;
	(pc) =	sbr.rel @p0 .LBB2_8-.Ltmp2, $4  }
0x147: {  	[hbm4b:s22+s3] =	stream.linear.scatter [tilespmem:s19], [sflag:$0x3], $0x4000, $0x38;
	[tilespmem:$0x13800] =	vst v63  }
0x148: {  	_ =	swait.ge [sflag:s0], $0x4000  }
0x149: {  	[sflag:s0] =	ssyncset.done $0x0  }
0x14a: {  	[sflag:s0] =	ssyncadd.s32 $0xFFFFC000  }
0x14b: {  	v3 =	vld [tilespmem:s9+$0x40];
	_ =	sdelay $0x4  }
0x14c: {  	v4 =	vshll.u32 v3, $0x2  }
0x14d: {  	v3 =	vand.u32 $0x7, v3;
	v4 =	vand.u32 $0xFFFFFFE0, v4  }
0x14e: {  	v3 =	vor.u32 v3, v4  }
0x14f: {  	v4 =	vperm.xlane v3, v0;
	_ =	sdelay $0x1  }
0x150: {  	v4 =	vadd.s32 v1, v4;
	_ =	sdelay $0x1  }
0x151: {  	v3 =	vperm.xlane v3, v2;
	_ =	sdelay $0x1  }
0x152: {  	v3 =	vadd.s32 v1, v3  }
0x153: {  	[tilespmem:s19], [sflag:$0x1] =	stream.indirect_vreg.gather [hbm4b:s4+s3], $0x80, v4, vm0, $0xb8;
	[tilespmem:$0x13800] =	vst v63  }
0x154: {  	s14 =	simm.s32 $0x4000  }
0x155: {  	[tilespmem:s14], [sflag:$0x1] =	stream.indirect_vreg.gather [hbm4b:s11+s3], $0x80, v4, vm0, $0xb8;
	[tilespmem:$0x13800] =	vst v63  }
0x156: {  	s21 =	simm.s32 $0x4800  }
0x157: {  	[tilespmem:s21], [sflag:$0x1] =	stream.indirect_vreg.gather [hbm4b:s4+s3], $0x80, v3, vm0, $0xb8;
	[tilespmem:$0x13800] =	vst v63  }
0x158: {  	s22 =	simm.s32 $0x5000  }
0x159: {  	[tilespmem:s22], [sflag:$0x1] =	stream.indirect_vreg.gather [hbm4b:s11+s3], $0x80, v3, vm0, $0xb8;
	[tilespmem:$0x13800] =	vst v63  }
0x15a: {  	v3 =	vld [tilespmem:s9+$0x840];
	_ =	sdelay $0x4  }
0x15b: {  	v61 =	vshll.u32 v3, $0x2  }
0x15c: {  	v3 =	vand.u32 $0x7, v3;
	v4 =	vand.u32 $0xFFFFFFE0, v61  }
0x15d: {  	v3 =	vor.u32 v3, v4  }
0x15e: {  	v4 =	vperm.xlane v3, v0;
	_ =	sdelay $0x1  }
0x15f: {  	v4 =	vadd.s32 v1, v4;
	_ =	sdelay $0x1  }
0x160: {  	v3 =	vperm.xlane v3, v2;
	_ =	sdelay $0x1  }
0x161: {  	s16 =	simm.s32 $0x7800;
	v3 =	vadd.s32 v1, v3  }
0x162: {  	[tilespmem:s16], [sflag:$0x1] =	stream.indirect_vreg.gather [hbm4b:s5+s3], $0x80, v4, vm0, $0xb8;
	[tilespmem:$0x13800] =	vst v63  }
0x163: {  	s20 =	simm.s32 $0x8000  }
0x164: {  	[tilespmem:s20], [sflag:$0x1] =	stream.indirect_vreg.gather [hbm4b:s12+s3], $0x80, v4, vm0, $0xb8;
	[tilespmem:$0x13800] =	vst v63  }
0x165: {  	s21 =	simm.s32 $0x8800  }
0x166: {  	[tilespmem:s21], [sflag:$0x1] =	stream.indirect_vreg.gather [hbm4b:s5+s3], $0x80, v3, vm0, $0xb8;
	[tilespmem:$0x13800] =	vst v63  }
0x167: {  	s22 =	simm.s32 $0x9000  }
0x168: {  	[tilespmem:s22], [sflag:$0x1] =	stream.indirect_vreg.gather [hbm4b:s12+s3], $0x80, v3, vm0, $0xb8;
	[tilespmem:$0x13800] =	vst v63  }
0x169: {  	v3 =	vld [tilespmem:s9+$0x50];
	_ =	sdelay $0x4  }
0x16a: {  	v62 =	vshll.u32 v3, $0x2  }
0x16b: {  	v3 =	vand.u32 $0x7, v3;
	v4 =	vand.u32 $0xFFFFFFE0, v62  }
0x16c: {  	v3 =	vor.u32 v3, v4  }
0x16d: {  	v4 =	vperm.xlane v3, v0;
	_ =	sdelay $0x1  }
0x16e: {  	v4 =	vadd.s32 v1, v4;
	_ =	sdelay $0x1  }
0x16f: {  	v3 =	vperm.xlane v3, v2;
	_ =	sdelay $0x1  }
0x170: {  	s16 =	simm.s32 $0x5800;
	v3 =	vadd.s32 v1, v3  }
0x171: {  	[tilespmem:s16], [sflag:$0x1] =	stream.indirect_vreg.gather [hbm4b:s4+s3], $0x80, v4, vm0, $0xb8;
	[tilespmem:$0x13800] =	vst v63  }
0x172: {  	s20 =	simm.s32 $0x6000  }
0x173: {  	[tilespmem:s20], [sflag:$0x1] =	stream.indirect_vreg.gather [hbm4b:s11+s3], $0x80, v4, vm0, $0xb8;
	[tilespmem:$0x13800] =	vst v63  }
0x174: {  	s21 =	simm.s32 $0x6800  }
0x175: {  	[tilespmem:s21], [sflag:$0x1] =	stream.indirect_vreg.gather [hbm4b:s4+s3], $0x80, v3, vm0, $0xb8;
	[tilespmem:$0x13800] =	vst v63  }
0x176: {  	s22 =	simm.s32 $0x7000  }
0x177: {  	[tilespmem:s22], [sflag:$0x1] =	stream.indirect_vreg.gather [hbm4b:s11+s3], $0x80, v3, vm0, $0xb8;
	[tilespmem:$0x13800] =	vst v63  }
0x178: {  	v3 =	vld [tilespmem:s9+$0x850];
	_ =	sdelay $0x4  }
0x179: {  	v63 =	vshll.u32 v3, $0x2  }
0x17a: {  	v3 =	vand.u32 $0x7, v3;
	v4 =	vand.u32 $0xFFFFFFE0, v63  }
0x17b: {  	v3 =	vor.u32 v3, v4  }
0x17c: {  	v4 =	vperm.xlane v3, v0;
	_ =	sdelay $0x1  }
0x17d: {  	v4 =	vadd.s32 v1, v4;
	_ =	sdelay $0x1  }
0x17e: {  	v3 =	vperm.xlane v3, v2;
	_ =	sdelay $0x1  }
0x17f: {  	s16 =	simm.s32 $0x9800;
	v3 =	vadd.s32 v1, v3  }
0x180: {  	[tilespmem:s16], [sflag:$0x1] =	stream.indirect_vreg.gather [hbm4b:s5+s3], $0x80, v4, vm0, $0xb8;
	[tilespmem:$0x13800] =	vst v63  }
0x181: {  	s20 =	simm.s32 $0xA000  }
0x182: {  	[tilespmem:s20], [sflag:$0x1] =	stream.indirect_vreg.gather [hbm4b:s12+s3], $0x80, v4, vm0, $0xb8;
	[tilespmem:$0x13800] =	vst v63  }
0x183: {  	s21 =	simm.s32 $0xA800  }
0x184: {  	[tilespmem:s21], [sflag:$0x1] =	stream.indirect_vreg.gather [hbm4b:s5+s3], $0x80, v3, vm0, $0xb8;
	[tilespmem:$0x13800] =	vst v63  }
0x185: {  	s22 =	simm.s32 $0xB000  }
0x186: {  	[tilespmem:s22], [sflag:$0x1] =	stream.indirect_vreg.gather [hbm4b:s12+s3], $0x80, v3, vm0, $0xb8;
	[tilespmem:$0x13800] =	vst v63  }
.LBB2_8:
0x187: {  	_ =	swait.ge [sflag:s2], $0x2000  }
0x188: {  	[sflag:s2] =	ssyncset.done $0x0  }
0x189: {  	[sflag:s2] =	ssyncadd.s32 $0xFFFFE000  }
0x18a: {  	_ =	swait.ge [sflag:s2], $0x2000  }
0x18b: {  	[sflag:s2] =	ssyncset.done $0x0  }
0x18c: {  	[sflag:s2] =	ssyncadd.s32 $0xFFFFE000  }
0x18d: {  	_ =	swait.ge [sflag:s2], $0x2000  }
0x18e: {  	[sflag:s2] =	ssyncset.done $0x0  }
0x18f: {  	[sflag:s2] =	ssyncadd.s32 $0xFFFFE000  }
0x190: {  	s9 =	simm.s32 $0x0;
	_ =	swait.ge [sflag:s2], $0x2000  }
0x191: {  	s14 =	sand.u32 $0x3000, s9;
	s9 =	sand.u32 $0x380, s9;
	[sflag:s2] =	ssyncset.done $0x0  }
0x192: {  	s9 =	sor.u32 s9, s14;
	[sflag:s2] =	ssyncadd.s32 $0xFFFFE000  }
0x193: {  	v10 =	vld [tilespmem:s9+$0xF800]  }
0x194: {  	v11 =	vld [tilespmem:s9+$0x10000]  }
0x195: {  	v12 =	vld [tilespmem:s9+$0xF810]  }
0x196: {  	v13 =	vld [tilespmem:s9+$0x10010]  }
0x197: {  	v14 =	vld [tilespmem:s9+$0xF820]  }
0x198: {  	v15 =	vld [tilespmem:s9+$0x10020]  }
0x199: {  	v16 =	vld [tilespmem:s9+$0xF830]  }
0x19a: {  	v17 =	vld [tilespmem:s9+$0x10030]  }
0x19b: {  	v18 =	vld [tilespmem:s9+$0xF840]  }
0x19c: {  	v19 =	vld [tilespmem:s9+$0x10040]  }
0x19d: {  	v20 =	vld [tilespmem:s9+$0xF850]  }
0x19e: {  	v21 =	vld [tilespmem:s9+$0x10050]  }
0x19f: {  	v22 =	vld [tilespmem:s9+$0xF860]  }
0x1a0: {  	v23 =	vld [tilespmem:s9+$0x10060]  }
0x1a1: {  	v24 =	vld [tilespmem:s9+$0xF870]  }
0x1a2: {  	v25 =	vld [tilespmem:s9+$0x10070]  }
0x1a3: {  	v26 =	vld [tilespmem:s9+$0xFC00]  }
0x1a4: {  	v27 =	vld [tilespmem:s9+$0x10400]  }
0x1a5: {  	v28 =	vld [tilespmem:s9+$0xFC10]  }
0x1a6: {  	v29 =	vld [tilespmem:s9+$0x10410]  }
0x1a7: {  	v30 =	vld [tilespmem:s9+$0xFC20]  }
0x1a8: {  	v31 =	vld [tilespmem:s9+$0x10420]  }
0x1a9: {  	v32 =	vld [tilespmem:s9+$0xFC30]  }
0x1aa: {  	v33 =	vld [tilespmem:s9+$0x10430]  }
0x1ab: {  	v34 =	vld [tilespmem:s9+$0xFC40]  }
0x1ac: {  	v9 =	vld [tilespmem:s9+$0x10440]  }
0x1ad: {  	v8 =	vld [tilespmem:s9+$0xFC50]  }
0x1ae: {  	v7 =	vld [tilespmem:s9+$0x10450]  }
0x1af: {  	v6 =	vld [tilespmem:s9+$0xFC60]  }
0x1b0: {  	v5 =	vld [tilespmem:s9+$0x10460]  }
0x1b1: {  	v4 =	vld [tilespmem:s9+$0xFC70]  }
0x1b2: {  	v3 =	vld [tilespmem:s9+$0x10470]  }
0x1b3: {  	v35 =	vld [tilespmem:s9+$0xB800]  }
0x1b4: {  	v36 =	vld [tilespmem:s9+$0xC000]  }
0x1b5: {  	v37 =	vld [tilespmem:s9+$0xB810]  }
0x1b6: {  	v38 =	vld [tilespmem:s9+$0xC010]  }
0x1b7: {  	v39 =	vld [tilespmem:s9+$0xB820]  }
0x1b8: {  	v62 =	vld [tilespmem:s9+$0xC020];
	v10 =	vmul.bf16 v10, v35  }
0x1b9: {  	v63 =	vld [tilespmem:s9+$0xB830];
	v11 =	vadd.bf16 v11, v36  }
0x1ba: {  	[tilespmem:s9+$0xB800] =	vst v10;
	v10 =	vmul.bf16 v12, v37;
	v12 =	vld [tilespmem:s9+$0xC030]  }
0x1bb: {  	[tilespmem:s9+$0xC000] =	vst v11;
	v11 =	vadd.bf16 v13, v38;
	v13 =	vld [tilespmem:s9+$0xB840]  }
0x1bc: {  	[tilespmem:s9+$0xB810] =	vst v10;
	v10 =	vmul.bf16 v14, v39;
	v14 =	vld [tilespmem:s9+$0xC040]  }
0x1bd: {  	[tilespmem:s9+$0xC010] =	vst v11;
	v11 =	vadd.bf16 v15, v62;
	v15 =	vld [tilespmem:s9+$0xB850]  }
0x1be: {  	[tilespmem:s9+$0xB820] =	vst v10;
	v10 =	vmul.bf16 v16, v63;
	v16 =	vld [tilespmem:s9+$0xC050]  }
0x1bf: {  	[tilespmem:s9+$0xC020] =	vst v11;
	v11 =	vadd.bf16 v17, v12;
	v12 =	vld [tilespmem:s9+$0xB860]  }
0x1c0: {  	[tilespmem:s9+$0xB830] =	vst v10;
	v10 =	vmul.bf16 v18, v13;
	v13 =	vld [tilespmem:s9+$0xC060]  }
0x1c1: {  	[tilespmem:s9+$0xC030] =	vst v11;
	v11 =	vadd.bf16 v19, v14;
	v14 =	vld [tilespmem:s9+$0xB870]  }
0x1c2: {  	[tilespmem:s9+$0xB840] =	vst v10;
	v10 =	vmul.bf16 v20, v15;
	v15 =	vld [tilespmem:s9+$0xC070]  }
0x1c3: {  	[tilespmem:s9+$0xC040] =	vst v11;
	v11 =	vadd.bf16 v21, v16;
	v16 =	vld [tilespmem:s9+$0xBC00]  }
0x1c4: {  	[tilespmem:s9+$0xB850] =	vst v10;
	v10 =	vmul.bf16 v22, v12;
	v12 =	vld [tilespmem:s9+$0xC400]  }
0x1c5: {  	[tilespmem:s9+$0xC050] =	vst v11;
	v11 =	vadd.bf16 v23, v13;
	v13 =	vld [tilespmem:s9+$0xBC10]  }
0x1c6: {  	[tilespmem:s9+$0xB860] =	vst v10;
	v10 =	vmul.bf16 v24, v14;
	v14 =	vld [tilespmem:s9+$0xC410]  }
0x1c7: {  	[tilespmem:s9+$0xC060] =	vst v11;
	v11 =	vadd.bf16 v25, v15;
	v15 =	vld [tilespmem:s9+$0xBC20]  }
0x1c8: {  	[tilespmem:s9+$0xB870] =	vst v10;
	v10 =	vmul.bf16 v26, v16;
	v16 =	vld [tilespmem:s9+$0xC420]  }
0x1c9: {  	v17 =	vld [tilespmem:s9+$0xBC30];
	[tilespmem:s9+$0xC070] =	vst v11;
	v11 =	vadd.bf16 v27, v12  }
0x1ca: {  	v18 =	vld [tilespmem:s9+$0xC430];
	[tilespmem:s9+$0xBC00] =	vst v10;
	v10 =	vmul.bf16 v28, v13  }
0x1cb: {  	[tilespmem:s9+$0xC400] =	vst v11;
	v11 =	vadd.bf16 v29, v14;
	v14 =	vld [tilespmem:s9+$0xBC40]  }
0x1cc: {  	v13 =	vld [tilespmem:s9+$0xC440];
	[tilespmem:s9+$0xBC10] =	vst v10;
	v10 =	vmul.bf16 v30, v15  }
0x1cd: {  	v12 =	vld [tilespmem:s9+$0xBC50];
	[tilespmem:s9+$0xC410] =	vst v11;
	v11 =	vadd.bf16 v31, v16  }
0x1ce: {  	v15 =	vmul.bf16 v32, v17;
	[tilespmem:s9+$0xBC20] =	vst v10;
	v10 =	vld [tilespmem:s9+$0xC450]  }
0x1cf: {  	v16 =	vadd.bf16 v33, v18;
	[tilespmem:s9+$0xC420] =	vst v11;
	v11 =	vld [tilespmem:s9+$0xBC60]  }
0x1d0: {  	s16 =	simm.s32 $0x200;
	s14 =	simm.s32 $0x80;
	[tilespmem:s9+$0xBC30] =	vst v15;
	v15 =	vmul.bf16 v34, v14;
	v14 =	vld [tilespmem:s9+$0xC460]  }
.LBB2_9:
0x1d1: {  	s20 =	sand.u32 $0x3000, s16;
	s21 =	sand.u32 $0x380, s14;
	p0 =	sne.s32 s16, $0x3E00;
	[tilespmem:s9+$0xC430] =	vst v16;
	v9 =	vadd.bf16 v9, v13;
	v13 =	vld [tilespmem:s9+$0xBC70]  }
0x1d2: {  	s20 =	sor.u32 s21, s20;
	[tilespmem:s9+$0xBC40] =	vst v15;
	v8 =	vmul.bf16 v8, v12;
	v12 =	vld [tilespmem:s9+$0xC470]  }
0x1d3: {  	v15 =	vld [tilespmem:s20+$0xF800];
	[tilespmem:s9+$0xC440] =	vst v9;
	v7 =	vadd.bf16 v7, v10  }
0x1d4: {  	v10 =	vld [tilespmem:s20+$0x10000];
	[tilespmem:s9+$0xBC50] =	vst v8;
	v6 =	vmul.bf16 v6, v11  }
0x1d5: {  	v11 =	vld [tilespmem:s20+$0xF810];
	[tilespmem:s9+$0xC450] =	vst v7;
	v5 =	vadd.bf16 v5, v14  }
0x1d6: {  	v14 =	vld [tilespmem:s20+$0x10010];
	[tilespmem:s9+$0xBC60] =	vst v6;
	v4 =	vmul.bf16 v4, v13  }
0x1d7: {  	v13 =	vld [tilespmem:s20+$0xF820];
	[tilespmem:s9+$0xC460] =	vst v5;
	v3 =	vadd.bf16 v3, v12  }
0x1d8: {  	v12 =	vld [tilespmem:s20+$0x10020];
	[tilespmem:s9+$0xBC70] =	vst v4  }
0x1d9: {  	v16 =	vld [tilespmem:s20+$0xF830];
	[tilespmem:s9+$0xC470] =	vst v3;
	s9 =	smov.u32 s20  }
0x1da: {  	v17 =	vld [tilespmem:s9+$0x10030]  }
0x1db: {  	v18 =	vld [tilespmem:s9+$0xF840]  }
0x1dc: {  	v19 =	vld [tilespmem:s9+$0x10040]  }
0x1dd: {  	v20 =	vld [tilespmem:s9+$0xF850]  }
0x1de: {  	v21 =	vld [tilespmem:s9+$0x10050]  }
0x1df: {  	v22 =	vld [tilespmem:s9+$0xF860]  }
0x1e0: {  	v23 =	vld [tilespmem:s9+$0x10060]  }
0x1e1: {  	v24 =	vld [tilespmem:s9+$0xF870]  }
0x1e2: {  	v25 =	vld [tilespmem:s9+$0x10070]  }
0x1e3: {  	v26 =	vld [tilespmem:s9+$0xFC00]  }
0x1e4: {  	v27 =	vld [tilespmem:s9+$0x10400]  }
0x1e5: {  	v28 =	vld [tilespmem:s9+$0xFC10]  }
0x1e6: {  	v29 =	vld [tilespmem:s9+$0x10410]  }
0x1e7: {  	v30 =	vld [tilespmem:s9+$0xFC20]  }
0x1e8: {  	v31 =	vld [tilespmem:s9+$0x10420]  }
0x1e9: {  	v32 =	vld [tilespmem:s9+$0xFC30]  }
0x1ea: {  	v33 =	vld [tilespmem:s9+$0x10430]  }
0x1eb: {  	v34 =	vld [tilespmem:s9+$0xFC40]  }
0x1ec: {  	v9 =	vld [tilespmem:s9+$0x10440]  }
0x1ed: {  	v8 =	vld [tilespmem:s9+$0xFC50]  }
0x1ee: {  	v7 =	vld [tilespmem:s9+$0x10450]  }
0x1ef: {  	v6 =	vld [tilespmem:s9+$0xFC60]  }
0x1f0: {  	v5 =	vld [tilespmem:s9+$0x10460]  }
0x1f1: {  	v4 =	vld [tilespmem:s9+$0xFC70]  }
0x1f2: {  	v3 =	vld [tilespmem:s9+$0x10470]  }
0x1f3: {  	v35 =	vld [tilespmem:s9+$0xB800]  }
0x1f4: {  	v36 =	vld [tilespmem:s9+$0xC000]  }
0x1f5: {  	v37 =	vld [tilespmem:s9+$0xB810]  }
0x1f6: {  	v38 =	vld [tilespmem:s9+$0xC010]  }
0x1f7: {  	v39 =	vld [tilespmem:s9+$0xB820]  }
0x1f8: {  	v15 =	vmul.bf16 v15, v35;
	v35 =	vld [tilespmem:s9+$0xC020]  }
0x1f9: {  	v10 =	vadd.bf16 v10, v36;
	v36 =	vld [tilespmem:s9+$0xB830]  }
0x1fa: {  	[tilespmem:s9+$0xB800] =	vst v15;
	v11 =	vmul.bf16 v11, v37;
	v15 =	vld [tilespmem:s9+$0xC030]  }
0x1fb: {  	[tilespmem:s9+$0xC000] =	vst v10;
	v10 =	vadd.bf16 v14, v38;
	v14 =	vld [tilespmem:s9+$0xB840]  }
0x1fc: {  	[tilespmem:s9+$0xB810] =	vst v11;
	v11 =	vmul.bf16 v13, v39;
	v13 =	vld [tilespmem:s9+$0xC040]  }
0x1fd: {  	[tilespmem:s9+$0xC010] =	vst v10;
	v10 =	vadd.bf16 v12, v35;
	v12 =	vld [tilespmem:s9+$0xB850]  }
0x1fe: {  	[tilespmem:s9+$0xB820] =	vst v11;
	v11 =	vmul.bf16 v16, v36;
	v16 =	vld [tilespmem:s9+$0xC050]  }
0x1ff: {  	[tilespmem:s9+$0xC020] =	vst v10;
	v10 =	vadd.bf16 v17, v15;
	v15 =	vld [tilespmem:s9+$0xB860]  }
0x200: {  	[tilespmem:s9+$0xB830] =	vst v11;
	v11 =	vmul.bf16 v18, v14;
	v14 =	vld [tilespmem:s9+$0xC060]  }
0x201: {  	[tilespmem:s9+$0xC030] =	vst v10;
	v10 =	vadd.bf16 v19, v13;
	v13 =	vld [tilespmem:s9+$0xB870]  }
0x202: {  	[tilespmem:s9+$0xB840] =	vst v11;
	v11 =	vmul.bf16 v20, v12;
	v12 =	vld [tilespmem:s9+$0xC070]  }
0x203: {  	[tilespmem:s9+$0xC040] =	vst v10;
	v10 =	vadd.bf16 v21, v16;
	v16 =	vld [tilespmem:s9+$0xBC00]  }
0x204: {  	[tilespmem:s9+$0xB850] =	vst v11;
	v11 =	vmul.bf16 v22, v15;
	v15 =	vld [tilespmem:s9+$0xC400]  }
0x205: {  	[tilespmem:s9+$0xC050] =	vst v10;
	v10 =	vadd.bf16 v23, v14;
	v14 =	vld [tilespmem:s9+$0xBC10]  }
0x206: {  	[tilespmem:s9+$0xB860] =	vst v11;
	v11 =	vmul.bf16 v24, v13;
	v13 =	vld [tilespmem:s9+$0xC410]  }
0x207: {  	[tilespmem:s9+$0xC060] =	vst v10;
	v10 =	vadd.bf16 v25, v12;
	v12 =	vld [tilespmem:s9+$0xBC20]  }
0x208: {  	[tilespmem:s9+$0xB870] =	vst v11;
	v11 =	vmul.bf16 v26, v16;
	v16 =	vld [tilespmem:s9+$0xC420]  }
0x209: {  	[tilespmem:s9+$0xC070] =	vst v10;
	v10 =	vadd.bf16 v27, v15;
	v15 =	vld [tilespmem:s9+$0xBC30]  }
0x20a: {  	[tilespmem:s9+$0xBC00] =	vst v11;
	v11 =	vmul.bf16 v28, v14;
	v14 =	vld [tilespmem:s9+$0xC430]  }
0x20b: {  	[tilespmem:s9+$0xC400] =	vst v10;
	v10 =	vadd.bf16 v29, v13;
	v17 =	vld [tilespmem:s9+$0xBC40]  }
.Ltmp3:
0x20c: {  	[tilespmem:s9+$0xBC10] =	vst v11;
	v11 =	vmul.bf16 v30, v12;
	v13 =	vld [tilespmem:s9+$0xC440];
	(pc) =	sbr.rel @p0 .LBB2_9-.Ltmp3, $4  }
0x20d: {  	[tilespmem:s9+$0xC410] =	vst v10;
	v16 =	vadd.bf16 v31, v16;
	v12 =	vld [tilespmem:s9+$0xBC50]  }
0x20e: {  	[tilespmem:s9+$0xBC20] =	vst v11;
	v15 =	vmul.bf16 v32, v15;
	v10 =	vld [tilespmem:s9+$0xC450]  }
0x20f: {  	[tilespmem:s9+$0xC420] =	vst v16;
	v16 =	vadd.bf16 v33, v14;
	v11 =	vld [tilespmem:s9+$0xBC60]  }
0x210: {  	s14 =	sadd.s32 $0x80, s14;
	s16 =	sadd.s32 $0x200, s16;
	[tilespmem:s9+$0xBC30] =	vst v15;
	v15 =	vmul.bf16 v34, v17;
	v14 =	vld [tilespmem:s9+$0xC460]  }
0x211: {  	[tilespmem:s9+$0xC430] =	vst v16;
	v9 =	vadd.bf16 v9, v13;
	v62 =	vld [tilespmem:s9+$0xBC70]  }
0x212: {  	v63 =	vld [tilespmem:s9+$0xC470];
	[tilespmem:s9+$0xBC40] =	vst v15;
	v8 =	vmul.bf16 v8, v12  }
0x213: {  	[tilespmem:s9+$0xC440] =	vst v9;
	v7 =	vadd.bf16 v7, v10  }
0x214: {  	s17 =	sadd.s32 $0x1, s17;
	[tilespmem:s9+$0xBC50] =	vst v8;
	v6 =	vmul.bf16 v6, v11  }
0x215: {  	p0 =	sne.s32 s17, $0x20;
	[tilespmem:s9+$0xC450] =	vst v7;
	v5 =	vadd.bf16 v5, v14  }
.Ltmp4:
0x216: {  	[tilespmem:s9+$0xBC60] =	vst v6;
	v4 =	vmul.bf16 v4, v62;
	(pc) =	sbr.rel @p0 .LBB2_4-.Ltmp4, $4  }
0x217: {  	v3 =	vadd.bf16 v3, v63;
	[tilespmem:s9+$0xC460] =	vst v5  }
0x218: {  	[tilespmem:s9+$0xBC70] =	vst v4  }
0x219: {  	s22 =	sadd.s32 s10, s13;
	[tilespmem:s9+$0xC470] =	vst v3  }
0x21a: {  	[hbm4b:s22+s3] =	stream.linear.scatter [tilespmem:s8], [sflag:$0x3], $0x4000, $0x38;
	[tilespmem:$0x13800] =	vst v63  }
0x21b: {  	_ =	swait.ge [sflag:s0], $0x4000  }
0x21c: {  	s9 =	rddreg [dreg:$0xa]  }
0x21d: {  	s1 =	rddreg [dreg:$0x9];
	s9 =	sadd.s32 $0x1, s9  }
0x21e: {  	p0 =	sne.s32 s9, s1  }
.Ltmp5:
0x21f: {  	_ = 	snop;
	(pc) =	sbr.rel @p0 .LBB2_1-.Ltmp5, $3  }
0x220: {  	_ =	sdelay $0x1  }
0x221: {  	[sflag:s0] =	ssyncset.done $0x0  }
0x222: {  	s14 =	simm.s32 $0x4;
	[sflag:s0] =	ssyncadd.s32 $0xFFFFC000  }
0x223: {  	_ =	sfence.sel $0x180000  }
0x224: {  	[bflag:$0x0] =	sbarrier.arrive $0xFFFF  }
0x225: {  	_ =	strace $0x90000047  }
0x226: {  	s0 =	stileid.u32;
	[bflag:$0x2] =	sbarrier.arrive $0xFFFF  }
0x227: {  	p0 =	sne.s32 s0, $0x0;
	s0 =	rddreg [dreg:$0x5]  }
0x228: {  	s0 =	sadd.s32 @!p0 $0x100000, s0  }
0x229: {  	[sflag:s0] =	ssyncadd.tile.s32 @!p0 $0x1;
	_ =	shalt  }
.Lfunc_end2:
_tile_overlayer_lowered:
.L_overlay_start_2:
0x22a: {  	(tag) =	ssettag $0x2  }
0x22b: {  	s0 =	rddreg [dreg:$0x0];
	s2 =	stileid.u32  }
0x22c: {  	s1 =	rddreg [dreg:$0x1];
	p0 =	sne.s32 s2, $0x0  }
0x22d: {  	s3 =	rddreg [dreg:$0x2];
	[bflag:$0x3] =	sbarrier.arrive $0xFFFF;
	s2 =	simm.s32 @!p0 $0x1C04  }
0x22e: {  	[timem:s3], [sflag:s2] =	dma.local @!p0 [hbm:s0], s1  }
0x22f: {  	s0 =	simm.s32 @!p0 $0x4  }
0x230: {  	_ =	swait.ge @!p0 [sflag:s0], s1  }
0x231: {  	s1 =	ssub.s32 @!p0 $0x0, s1;
	[sflag:s0] =	ssyncset.done @!p0 $0x0  }
0x232: {  	[sflag:s0] =	ssyncadd.s32 @!p0 s1  }
0x233: {  	[bflag:$0x3] =	sbarrier.arrive $0xFFFF  }
0x234: {  	_ =	shalt  }

// kernel: sparse-core-data-format-call.1.cloned.1.call-start
scs
called_computation.1_lowered:
.L_overlay_start_0:
0x0: {  	s1 =	sld [smem:$0x3FD9]  }
0x1: {  	s2 =	sld [smem:$0x3FFE];
	_ =	sdelay $0x1  }
0x2: {  	s3 =	srdreg.scid  }
0x3: {  	s0 =	sand.u32 $0x1, s3  }
0x4: {  	s17 =	sshll.u32 s0, $0xA;
	s1 =	sadd.s32 s2, s1  }
0x5: {  	s1 =	sadd.s32 s1, s17  }
0x6: {  	[smem:$0x3FBC] =	sst s1  }
0x7: {  	_ = 	snop  }
0x8: {  	(tm) =	ssettm $0x1  }
0x9: {  	s18 =	sld [smem:$0x3FFB];
	_ =	sdelay $0x3  }
0xa: {  	_ =	strace s18  }
0xb: {  	s1 =	sld [smem:$0x3FFC];
	_ =	sdelay $0x3  }
0xc: {  	_ =	strace s1  }
0xd: {  	s1 =	sld [smem:$0x3FFD];
	_ =	sdelay $0x3  }
0xe: {  	_ =	strace s1  }
0xf: {  	_ =	strace $0x8FFFFFFF  }
0x10: {  	s19 =	sld [smem:$0x3FDB];
	_ =	sdelay $0x1  }
0x11: {  	s20 =	simm.s32 $_scs_section_size  }
0x12: {  	s4 =	simm.s32 $_size__tile_overlayer_lowered;
	s5 =	simm.s32 $_tile_overlayer_lowered  }
0x13: {  	s23 =	simm.s32 $0x1BFF;
	s22 =	sshll.u32 s5, $0x1;
	s1 =	sadd.s32 s20, s19  }
0x14: {  	s6 =	simm.s32 $0x0;
	s21 =	sshll.u32 s4, $0x1;
	s4 =	sadd.s32 s22, s1  }
0x15: {  	[timem:s6], [sflag:s23] =	dma.local [hbm:s4], s21  }
0x16: {  	_ =	swait.ge [sflag:s23], s21  }
0x17: {  	s2 =	ssub.s32 $0x0, s21;
	[sflag:s23] =	ssyncset.done $0x0  }
0x18: {  	[sflag:s23] =	ssyncadd.s32 s2;
	_ =	sdelay $0x1  }
0x19: {  	s24 =	simm.s32 $0x1B8B  }
0x1a: {  	_ =	swait.ge [sflag:s24], $0x1  }
0x1b: {  	[sflag:s24] =	ssyncset.done $0x0  }
0x1c: {  	s26 =	simm.s32 $0x1B8E;
	s25 =	sld [smem:$0x3FFE];
	[sflag:s24] =	ssyncadd.s32 $0xFFFFFFFF  }
0x1d: {  	s27 =	simm.s32 $execute0_lowered;
	[smem:$0x3FD2] =	sst s26  }
0x1e: {  	s4 =	sshll.u32 s27, $0x1;
	_ =	strace $0x80000049;
	[dreg:$0x1] =	wrdreg $0xFFFFFFFF  }
0x1f: {  	s28 =	simm.s32 $_size_execute0_lowered;
	s1 =	sadd.s32 s1, s4;
	[dreg:$0x0] =	wrdreg $0x0  }
0x20: {  	s4 =	sshll.u32 s28, $0x1;
	[dreg:$0x2] =	wrdreg s1  }
0x21: {  	[dreg:$0x3] =	wrdreg s4  }
0x22: {  	[dreg:$0x4] =	wrdreg $0xC0  }
0x23: {  	_ =	task [dreg:s6], $0x5FFFF  }
0x24: {  	[dreg:$0x1] =	wrdreg $0xFFFFFFFF  }
0x25: {  	[dreg:$0x0] =	wrdreg $0x60  }
0x26: {  	[dreg:$0x2] =	wrdreg s25  }
0x27: {  	[dreg:$0x3] =	wrdreg $0x9  }
0x28: {  	_ =	task.clear_ibuf [dreg:s6], $0x4FFFF;
	_ =	strace $0x90000049  }
0x29: {  	s29 =	simm.s32 $0x9;
	_ =	strace $0x8000004B  }
0x2a: {  	_ =	swait.ge [sflag:s29], $0x1  }
0x2b: {  	[sflag:s29] =	ssyncadd.s32 $0xFFFFFFFF  }
0x2c: {  	_ =	strace $0x9000004B  }
0x2d: {  	_ =	sfence  }
0x2e: {  	s30 =	sld [smem:$0x0];
	_ =	sdelay $0x2  }
0x2f: {  	s31 =	sshll.u32 s3, $0xD;
	s3 =	sshrl.u32 s3, $0x2  }
0x30: {  	s2 =	sand.u32 $0x4000, s31;
	s1 =	sadd.s32 s3, s30  }
0x31: {  	s0 =	sor.u32 s2, s0;
	s1 =	sshll.u32 s1, $0x11  }
0x32: {  	s0 =	sor.u32 s1, s0  }
0x33: {  	s0 =	sadd.s32 $0x8F2B, s0  }
0x34: {  	[sflag:s0] =	ssyncadd.remote.s32 $0x1  }
0x35: {  	_ =	sfence.sel $0xFFFF  }
0x36: {  	[dreg:$0x0] =	wrdreg $0xFFFFFFFF;
	(pc) =	sbr.abs _section_cstart, $3  }
0x37: {  	[dreg:$0x1] =	wrdreg $0xFFFFFFFF  }
0x38: {  	_ =	task.clear_ibuf [dreg:s6], $0x2FFFF;
	_ =	strace $0x9FFFFFFF  }
0x39: {  	(tm) =	ssettm $0x7FFFFFFF  }
tec
execute0_lowered:
.L_overlay_start_1:
0x0: {  	(tag) =	ssettag $0x1  }
0x1: {  	s0 =	srdreg.scid  }
0x2: {  	s1 =	sshll.u32 s0, $0x4  }
0x3: {  	s6 =	rddreg [dreg:$0x0];
	s0 =	stileid.u32;
	s1 =	sand.u32 $0x10, s1  }
0x4: {  	s5 =	simm.s32 $0x1;
	s31 =	simm.s32 $0x2;
	s1 =	sor.u32 s0, s1  }
0x5: {  	s13 =	simm.s32 $0x0;
	s8 =	simm.s32 $0x80000;
	s2 =	sshll.u32 s1, $0x7  }
0x6: {  	s12 =	simm.s32 $0x0;
	s9 =	simm.s32 $0x0;
	s3 =	ssub.s32 $0x10000, s2  }
0x7: {  	s11 =	simm.s32 $0x0;
	s1 =	rddreg [dreg:$0x1];
	s4 =	sand.u32 $0xF80, s3  }
.Ltmp0:
0x8: {  	_ =	strace $0x8000004A;
	p0 =	sne.s32 s4, $0x0;
	(pc) =	sbr.rel .LBB1_1-.Ltmp0, $4  }
0x9: {  	s10 =	smov.u32 s2;
	s7 =	sshrl.u32 s3, $0xC;
	s5 =	simm.s32 @!p0 $0x0  }
0xa: {  	s3 =	sadd.s32 $0x503A00, s6;
	s4 =	simm.s32 $0x1;
	s5 =	sadd.s32 s5, s7  }
0xb: {  	s6 =	sadd.s32 $0x3A00, s6;
	[sflag:s4] =	ssyncpa.u1 $0x0;
	s5 =	sshll.u32 s5, $0x2  }
0xc: {  	p0 =	por $0x0, $0x0;
	[sflag:s31] =	ssyncpa.u1 $0x0;
	s7 =	sor.u32 $0x1, s5  }
.LBB1_4:
0xd: {  	v5 =	vld [tilespmem:s16+$0xFFFFFFD0];
	[tilespmem:s17+$0x2040 ss:$0x81] =	vst.msk $0xffff, v1  }
0xe: {  	v58 =	vld [tilespmem:s16+$0xFFFFFFE0];
	[tilespmem:s17+$0x2850 ss:$0x81] =	vst.msk $0xffff, v2  }
0xf: {  	s18 =	sshra.s32 s18, $0x2;
	v59 =	vld [tilespmem:s16+$0xFFFFFFF0];
	[tilespmem:s17+$0x3060 ss:$0x81] =	vst.msk $0xffff, v3  }
0x10: {  	v60 =	vld [tilespmem:s16+$0x0];
	[tilespmem:s17+$0x0 ss:$0x81] =	vst.msk $0xffff, v0;
	s15 =	sadd.s32 s18, s15  }
0x11: {  	v61 =	vld [tilespmem:s16+$0x10];
	s26 =	sshll.u32 s13, $0x10;
	[tilespmem:s15+$0x3870 ss:$0x81] =	vst.msk $0xffff, v4  }
0x12: {  	v62 =	vld [tilespmem:s16+$0x20];
	s27 =	sand.u32 $0x78, s12;
	s19 =	sshll.u32 s12, $0x3;
	s29 =	sshll.u32 s13, $0x7;
	[tilespmem:s15+$0x810 ss:$0x81] =	vst.msk $0xffff, v5  }
0x13: {  	v63 =	vld [tilespmem:s16+$0xFFFFFFC0];
	s17 =	sand.u32 $0x1F80000, s26;
	s28 =	sand.u32 $0x1FFFC00, s19;
	s19 =	sand.u32 $0xFC00, s19;
	[tilespmem:s15+$0x1020 ss:$0x81] =	vst.msk $0xffff, v58  }
0x14: {  	s13 =	sand.u32 $0x380, s29;
	s16 =	sadd.s32 s28, s17;
	s30 =	sor.u32 s27, s19;
	[tilespmem:s15+$0x1830 ss:$0x81] =	vst.msk $0xffff, v59  }
0x15: {  	s16 =	sand.u32 $0x1FF0000, s16;
	s13 =	sor.u32 s13, s30;
	[tilespmem:s15+$0x2040 ss:$0x81] =	vst.msk $0xffff, v60  }
0x16: {  	s31 =	sand.u32 $0x7, s12;
	s13 =	sor.u32 s16, s13;
	[tilespmem:s15+$0x2850 ss:$0x81] =	vst.msk $0xffff, v61  }
0x17: {  	s12 =	sshll.u32 s31, $0x12;
	[tilespmem:s15+$0x3060 ss:$0x81] =	vst.msk $0xffff, v62;
	s13 =	sshrl.u32 s13, $0x3  }
0x18: {  	s12 =	sor.u32 $0x400, s12;
	[tilespmem:s15+$0x0 ss:$0x81] =	vst.msk $0xffff, v63;
	s13 =	sadd.s32 s6, s13  }
0x19: {  	[hbm4b:s13+s12] =	stream.strided.scatter [tilespmem:s14], [sflag:$0x2], $0x4000, s8, s12, $0x20;
	[tilespmem:$0x10100] =	vst v63  }
.LBB1_5:
0x1a: {  	s14 =	sadd.s32 $0x80, s9  }
0x1b: {  	s12 =	sadd.s32 $0x1000, s10;
	s16 =	smov.u32 s10;
	p2 =	sgt.s32 s14, $0x1FF  }
0x1c: {  	s16 =	smov.u32 @p2 s12  }
0x1d: {  	s14 =	simm.s32 @p2 $0x0;
	p2 =	sgt.s32 s16, $0xFFFF  }
0x1e: {  	s16 =	smov.u32 @p2 s2;
	p2 =	sne.s32 s11, s7  }
.Ltmp1:
0x1f: {  	p1 =	slt.u32 s11, $0x2;
	(pc) =	sbr.rel @!p2 .LBB1_6-.Ltmp1, $4  }
0x20: {  	s15 =	simm.s32 @!p1 $0x2  }
0x21: {  	s13 =	smov.u32 s9;
	p0 =	por !p0, !p0;
	_ =	swait.ge @!p1 [sflag:s15], $0x4000  }
0x22: {  	s12 =	smov.u32 s10;
	[sflag:s15] =	ssyncset.done @!p1 $0x0;
	s9 =	smov.u32 s14  }
0x23: {  	s11 =	sadd.s32 $0x1, s11;
	[sflag:s15] =	ssyncadd.s32 @!p1 $0xFFFFC000;
	s10 =	smov.u32 s16  }
.LBB1_1:
0x24: {  	p1 =	sge.u32 s11, s5  }
0x25: {  	s31 =	sadd.s32 $0xFFFFFFFF, s11;
	s14 =	sshll.u32 @!p1 s10, $0x9  }
0x26: {  	s15 =	sshll.u32 @!p1 s9, $0x3;
	s16 =	sshll.u32 @!p1 s10, $0x7;
	s14 =	sand.u32 @!p1 $0x1FFF000, s14  }
0x27: {  	s17 =	sand.u32 @!p1 $0x78, s9;
	s14 =	sadd.s32 @!p1 s14, s15;
	s15 =	sand.u32 @!p1 $0x380, s16  }
0x28: {  	s16 =	sxor.u32 @!p1 $0xFFFFFFFF, s11;
	s14 =	sand.u32 @!p1 $0x1FFFC00, s14;
	s15 =	sor.u32 @!p1 s15, s17  }
0x29: {  	s16 =	sshll.u32 @!p1 s16, $0xE;
	s14 =	sor.u32 @!p1 s14, s15;
	s15 =	sand.u32 @!p1 $0x7, s9  }
0x2a: {  	s17 =	simm.s32 @!p1 $0x1000;
	s14 =	sshrl.u32 @!p1 s14, $0x3;
	s15 =	sshll.u32 @!p1 s15, $0x12  }
0x2b: {  	s16 =	sand.u32 @!p1 $0x4000, s16;
	s14 =	sadd.s32 @!p1 s3, s14;
	s15 =	sor.u32 @!p1 $0x400, s15  }
0x2c: {  	[tilespmem:s16], [sflag:$0x1] =	stream.strided.gather @!p1 [hbm4b:s14+s15], $0x4000, s17, s15, $0x38;
	[tilespmem:$0x10100] =	vst v63  }
0x2d: {  	p1 =	sge.u32 s31, s5  }
.Ltmp2:
0x2e: {  	_ = 	snop;
	(pc) =	sbr.rel @p1 .LBB1_5-.Ltmp2, $1  }
0x2f: {  	_ =	sdelay $0x3  }
0x30: {  	s14 =	simm.s32 $0x1  }
0x31: {  	_ =	swait.ge [sflag:s4], $0x4000;
	s14 =	simm.s32 @!p0 $0x0  }
0x32: {  	[sflag:s4] =	ssyncset.done $0x0;
	s15 =	sshll.u32 s14, $0xE  }
0x33: {  	[sflag:s4] =	ssyncadd.s32 $0xFFFFC000;
	s16 =	sor.u32 $0x40, s15  }
0x34: {  	s14 =	smul.u32 $0x10200, s14;
	v0 =	vld [tilespmem:s16+$0x30]  }
0x35: {  	v3 =	vld [tilespmem:s16+$0xFFFFFFD0]  }
0x36: {  	s14 =	sshrl.u32 s14, $0x2;
	v4 =	vld [tilespmem:s16+$0xFFFFFFE0]  }
0x37: {  	v5 =	vld [tilespmem:s16+$0xFFFFFFF0];
	s15 =	sor.u32 $0x8000, s14  }
0x38: {  	s31 =	sand.u32 $0x1, s11;
	v1 =	vld [tilespmem:s16+$0x0];
	s17 =	sadd.s32 $0x0, s15  }
0x39: {  	v2 =	vld [tilespmem:s16+$0x10];
	s14 =	smul.u32 $0x10200, s31;
	[tilespmem:s17+$0x3870 ss:$0x81] =	vst.msk $0xffff, v0  }
0x3a: {  	[tilespmem:s17+$0x810 ss:$0x81] =	vst.msk $0xffff, v3;
	v3 =	vld [tilespmem:s16+$0x20]  }
0x3b: {  	s14 =	sshrl.u32 s14, $0x2;
	v0 =	vld [tilespmem:s16+$0xFFFFFFC0];
	[tilespmem:s17+$0x1020 ss:$0x81] =	vst.msk $0xffff, v4;
	s16 =	sadd.s32 $0x80, s16  }
0x3c: {  	s18 =	simm.s32 $0x4;
	s19 =	simm.s32 $0x8;
	s14 =	sor.u32 $0x8000, s14;
	[tilespmem:s17+$0x1830 ss:$0x81] =	vst.msk $0xffff, v5;
	v4 =	vld [tilespmem:s16+$0x30]  }
.LBB1_3:
0x3d: {  	p1 =	sne.s32 s19, $0x1FC;
	v5 =	vld [tilespmem:s16+$0xFFFFFFD0];
	[tilespmem:s17+$0x2040 ss:$0x81] =	vst.msk $0xffff, v1  }
0x3e: {  	v6 =	vld [tilespmem:s16+$0xFFFFFFE0];
	[tilespmem:s17+$0x2850 ss:$0x81] =	vst.msk $0xffff, v2  }
0x3f: {  	s20 =	sshra.s32 s18, $0x2;
	s18 =	smov.u32 s19;
	v7 =	vld [tilespmem:s16+$0xFFFFFFF0];
	[tilespmem:s17+$0x3060 ss:$0x81] =	vst.msk $0xffff, v3  }
.Ltmp3:
0x40: {  	v1 =	vld [tilespmem:s16+$0x0];
	[tilespmem:s17+$0x0 ss:$0x81] =	vst.msk $0xffff, v0;
	s17 =	sadd.s32 s20, s15;
	(pc) =	sbr.rel @p1 .LBB1_3-.Ltmp3, $4  }
0x41: {  	v2 =	vld [tilespmem:s16+$0x10];
	[tilespmem:s17+$0x3870 ss:$0x81] =	vst.msk $0xffff, v4  }
0x42: {  	[tilespmem:s17+$0x810 ss:$0x81] =	vst.msk $0xffff, v5;
	v3 =	vld [tilespmem:s16+$0x20]  }
0x43: {  	v0 =	vld [tilespmem:s16+$0xFFFFFFC0];
	[tilespmem:s17+$0x1020 ss:$0x81] =	vst.msk $0xffff, v6;
	s16 =	sadd.s32 $0x80, s16  }
0x44: {  	s19 =	sadd.s32 $0x4, s19;
	v4 =	vld [tilespmem:s16+$0x30];
	[tilespmem:s17+$0x1830 ss:$0x81] =	vst.msk $0xffff, v7  }
.Ltmp4:
0x45: {  	_ = 	snop;
	(pc) =	sbr.rel .LBB1_4-.Ltmp4, $1  }
0x46: {  	_ =	sdelay $0x3  }
.LBB1_6:
0x47: {  	_ =	sfence.sel $0x180000  }
0x48: {  	s2 =	simm.s32 $0x1;
	[bflag:$0x0] =	sbarrier.arrive $0xFFFF  }
0x49: {  	s31 =	simm.s32 $0x2;
	[sflag:s2] =	ssyncpa.u1 $0x1  }
0x4a: {  	[sflag:s31] =	ssyncpa.u1 $0x1  }
0x4b: {  	p0 =	sne.s32 s0, $0x0;
	_ =	strace $0x9000004A  }
0x4c: {  	s0 =	sadd.s32 @!p0 $0x100000, s1;
	[bflag:$0x2] =	sbarrier.arrive $0xFFFF  }
0x4d: {  	[sflag:s0] =	ssyncadd.tile.s32 @!p0 $0x1;
	_ =	shalt  }
.Lfunc_end1:
_tile_overlayer_lowered:
.L_overlay_start_2:
0x4e: {  	(tag) =	ssettag $0x2  }
0x4f: {  	s0 =	rddreg [dreg:$0x0];
	s2 =	stileid.u32  }
0x50: {  	s1 =	rddreg [dreg:$0x1];
	p0 =	sne.s32 s2, $0x0  }
0x51: {  	s3 =	rddreg [dreg:$0x2];
	[bflag:$0x3] =	sbarrier.arrive $0xFFFF;
	s2 =	simm.s32 @!p0 $0x1C01  }
0x52: {  	[timem:s3], [sflag:s2] =	dma.local @!p0 [hbm:s0], s1  }
0x53: {  	s0 =	simm.s32 @!p0 $0x1  }
0x54: {  	_ =	swait.ge @!p0 [sflag:s0], s1  }
0x55: {  	s1 =	ssub.s32 @!p0 $0x0, s1;
	[sflag:s0] =	ssyncset.done @!p0 $0x0  }
0x56: {  	[sflag:s0] =	ssyncadd.s32 @!p0 s1  }
0x57: {  	[bflag:$0x3] =	sbarrier.arrive $0xFFFF  }
0x58: {  	_ =	shalt  }

// kernel: sparse-core-data-format-call.cloned.1.call-start
scs
called_computation_lowered:
.L_overlay_start_0:
0x0: {  	s1 =	sld [smem:$0x3FD9]  }
0x1: {  	s2 =	sld [smem:$0x3FFE];
	_ =	sdelay $0x1  }
0x2: {  	s3 =	srdreg.scid  }
0x3: {  	s0 =	sand.u32 $0x1, s3  }
0x4: {  	s17 =	sshll.u32 s0, $0xA;
	s1 =	sadd.s32 s2, s1  }
0x5: {  	s1 =	sadd.s32 s1, s17  }
0x6: {  	[smem:$0x3FBC] =	sst s1  }
0x7: {  	_ = 	snop  }
0x8: {  	(tm) =	ssettm $0x1  }
0x9: {  	s18 =	sld [smem:$0x3FFB];
	_ =	sdelay $0x3  }
0xa: {  	_ =	strace s18  }
0xb: {  	s1 =	sld [smem:$0x3FFC];
	_ =	sdelay $0x3  }
0xc: {  	_ =	strace s1  }
0xd: {  	s1 =	sld [smem:$0x3FFD];
	_ =	sdelay $0x3  }
0xe: {  	_ =	strace s1  }
0xf: {  	_ =	strace $0x8FFFFFFF  }
0x10: {  	s19 =	sld [smem:$0x3FDB];
	_ =	sdelay $0x1  }
0x11: {  	s20 =	simm.s32 $_scs_section_size  }
0x12: {  	s4 =	simm.s32 $_size__tile_overlayer_lowered;
	s5 =	simm.s32 $_tile_overlayer_lowered  }
0x13: {  	s23 =	simm.s32 $0x1BFF;
	s22 =	sshll.u32 s5, $0x1;
	s1 =	sadd.s32 s20, s19  }
0x14: {  	s6 =	simm.s32 $0x0;
	s21 =	sshll.u32 s4, $0x1;
	s4 =	sadd.s32 s22, s1  }
0x15: {  	[timem:s6], [sflag:s23] =	dma.local [hbm:s4], s21  }
0x16: {  	_ =	swait.ge [sflag:s23], s21  }
0x17: {  	s2 =	ssub.s32 $0x0, s21;
	[sflag:s23] =	ssyncset.done $0x0  }
0x18: {  	[sflag:s23] =	ssyncadd.s32 s2;
	_ =	sdelay $0x1  }
0x19: {  	s24 =	simm.s32 $0x1B8B  }
0x1a: {  	_ =	swait.ge [sflag:s24], $0x1  }
0x1b: {  	[sflag:s24] =	ssyncset.done $0x0  }
0x1c: {  	s26 =	simm.s32 $0x1B8E;
	s25 =	sld [smem:$0x3FFE];
	[sflag:s24] =	ssyncadd.s32 $0xFFFFFFFF  }
0x1d: {  	s27 =	simm.s32 $execute0_lowered;
	[smem:$0x3FD2] =	sst s26  }
0x1e: {  	s4 =	sshll.u32 s27, $0x1;
	_ =	strace $0x8000004C;
	[dreg:$0x1] =	wrdreg $0xFFFFFFFF  }
0x1f: {  	s28 =	simm.s32 $_size_execute0_lowered;
	s1 =	sadd.s32 s1, s4;
	[dreg:$0x0] =	wrdreg $0x0  }
0x20: {  	s4 =	sshll.u32 s28, $0x1;
	[dreg:$0x2] =	wrdreg s1  }
0x21: {  	[dreg:$0x3] =	wrdreg s4  }
0x22: {  	[dreg:$0x4] =	wrdreg $0xC0  }
0x23: {  	_ =	task [dreg:s6], $0x5FFFF  }
0x24: {  	[dreg:$0x1] =	wrdreg $0xFFFFFFFF  }
0x25: {  	[dreg:$0x0] =	wrdreg $0x60  }
0x26: {  	[dreg:$0x2] =	wrdreg s25  }
0x27: {  	[dreg:$0x3] =	wrdreg $0x9  }
0x28: {  	_ =	task.clear_ibuf [dreg:s6], $0x4FFFF;
	_ =	strace $0x9000004C  }
0x29: {  	s29 =	simm.s32 $0x9;
	_ =	strace $0x8000004E  }
0x2a: {  	_ =	swait.ge [sflag:s29], $0x1  }
0x2b: {  	[sflag:s29] =	ssyncadd.s32 $0xFFFFFFFF  }
0x2c: {  	_ =	strace $0x9000004E  }
0x2d: {  	_ =	sfence  }
0x2e: {  	s30 =	sld [smem:$0x0];
	_ =	sdelay $0x2  }
0x2f: {  	s31 =	sshll.u32 s3, $0xD;
	s3 =	sshrl.u32 s3, $0x2  }
0x30: {  	s2 =	sand.u32 $0x4000, s31;
	s1 =	sadd.s32 s3, s30  }
0x31: {  	s0 =	sor.u32 s2, s0;
	s1 =	sshll.u32 s1, $0x11  }
0x32: {  	s0 =	sor.u32 s1, s0  }
0x33: {  	s0 =	sadd.s32 $0x8F2B, s0  }
0x34: {  	[sflag:s0] =	ssyncadd.remote.s32 $0x1  }
0x35: {  	_ =	sfence.sel $0xFFFF  }
0x36: {  	[dreg:$0x0] =	wrdreg $0xFFFFFFFF;
	(pc) =	sbr.abs _section_cstart, $3  }
0x37: {  	[dreg:$0x1] =	wrdreg $0xFFFFFFFF  }
0x38: {  	_ =	task.clear_ibuf [dreg:s6], $0x2FFFF;
	_ =	strace $0x9FFFFFFF  }
0x39: {  	(tm) =	ssettm $0x7FFFFFFF  }
tec
execute0_lowered:
.L_overlay_start_1:
0x0: {  	(tag) =	ssettag $0x1  }
0x1: {  	s0 =	stileid.u32;
	s1 =	srdreg.scid  }
0x2: {  	s7 =	rddreg [dreg:$0x0];
	s31 =	simm.s32 $0x2;
	s14 =	simm.s32 $0x0  }
0x3: {  	s13 =	simm.s32 $0x0;
	s12 =	simm.s32 $0x0;
	s2 =	sshll.u32 s0, $0x7  }
0x4: {  	s3 =	sshll.u32 s0, $0x4;
	s1 =	sshll.u32 s1, $0x8;
	s2 =	sand.u32 $0x380, s2  }
0x5: {  	s3 =	sor.u32 s3, s1;
	s1 =	rddreg [dreg:$0x1];
	_ =	strace $0x8000004D  }
0x6: {  	s3 =	sand.u32 $0x180, s3;
	s4 =	ssub.s32 $0x400, s2;
	s11 =	smov.u32 s2  }
0x7: {  	s5 =	sand.u32 $0x380, s4;
	s6 =	ssub.s32 $0x10000, s3;
	s9 =	sshrl.u32 s4, $0xA  }
0x8: {  	p0 =	sne.s32 s5, $0x0;
	s5 =	simm.s32 $0x1;
	s8 =	sand.u32 $0x180, s6  }
0x9: {  	s5 =	simm.s32 @!p0 $0x0;
	p0 =	sne.s32 s8, $0x0;
	s8 =	simm.s32 $0x1  }
.Ltmp0:
0xa: {  	s6 =	sshrl.u32 s6, $0x9;
	s8 =	simm.s32 @!p0 $0x0;
	(pc) =	sbr.rel .LBB1_1-.Ltmp0, $4  }
0xb: {  	s4 =	simm.s32 $0x1;
	s5 =	sadd.s32 s5, s9;
	s6 =	sadd.s32 s8, s6  }
0xc: {  	s10 =	smov.u32 s3;
	[sflag:s4] =	ssyncpa.u1 $0x0;
	s5 =	smul.u32 s5, s6  }
0xd: {  	[sflag:s31] =	ssyncpa.u1 $0x0;
	p0 =	por $0x0, $0x0;
	s9 =	simm.s32 $0x2000  }
0xe: {  	s6 =	sadd.s32 $0xC03A00, s7;
	s7 =	sadd.s32 $0x3A00, s7;
	s8 =	sadd.s32 $0x1, s5  }
.LBB1_4:
0xf: {  	v5 =	vld [tilespmem:s18+$0xFFFFFFD0];
	[tilespmem:s17+$0x2040 ss:$0x81] =	vst.msk $0xffff, v1  }
0x10: {  	v58 =	vld [tilespmem:s18+$0xFFFFFFE0];
	[tilespmem:s17+$0x2850 ss:$0x81] =	vst.msk $0xffff, v2  }
0x11: {  	s19 =	sshra.s32 s19, $0x2;
	v59 =	vld [tilespmem:s18+$0xFFFFFFF0];
	[tilespmem:s17+$0x3060 ss:$0x81] =	vst.msk $0xffff, v3  }
0x12: {  	v60 =	vld [tilespmem:s18+$0x0];
	[tilespmem:s17+$0x0 ss:$0x81] =	vst.msk $0xffff, v0;
	s16 =	sadd.s32 s19, s16  }
0x13: {  	v61 =	vld [tilespmem:s18+$0x10];
	[tilespmem:s16+$0x3870 ss:$0x81] =	vst.msk $0xffff, v4  }
0x14: {  	v62 =	vld [tilespmem:s18+$0x20];
	s26 =	sshll.u32 s14, $0xA;
	s27 =	sshll.u32 s13, $0x3;
	[tilespmem:s16+$0x810 ss:$0x81] =	vst.msk $0xffff, v5  }
0x15: {  	v63 =	vld [tilespmem:s18+$0xFFFFFFC0];
	s29 =	sshll.u32 s14, $0x7;
	s17 =	sand.u32 $0x3FFE000, s26;
	s28 =	sand.u32 $0x3FFFC00, s27;
	[tilespmem:s16+$0x1020 ss:$0x81] =	vst.msk $0xffff, v58  }
0x16: {  	s30 =	sand.u32 $0x78, s13;
	s14 =	sand.u32 $0x380, s29;
	s17 =	sadd.s32 s28, s17;
	[tilespmem:s16+$0x1830 ss:$0x81] =	vst.msk $0xffff, v59  }
0x17: {  	s14 =	sor.u32 s30, s14;
	s17 =	sand.u32 $0x3FFFC00, s17;
	[tilespmem:s16+$0x2040 ss:$0x81] =	vst.msk $0xffff, v60  }
0x18: {  	s31 =	sand.u32 $0x7, s13;
	s14 =	sor.u32 s17, s14;
	[tilespmem:s16+$0x2850 ss:$0x81] =	vst.msk $0xffff, v61  }
0x19: {  	s13 =	sshll.u32 s31, $0x12;
	[tilespmem:s16+$0x3060 ss:$0x81] =	vst.msk $0xffff, v62;
	s14 =	sshrl.u32 s14, $0x3  }
0x1a: {  	s13 =	sor.u32 $0x400, s13;
	[tilespmem:s16+$0x0 ss:$0x81] =	vst.msk $0xffff, v63;
	s14 =	sadd.s32 s7, s14  }
0x1b: {  	[hbm4b:s14+s13] =	stream.strided.scatter [tilespmem:s15], [sflag:$0x2], $0x4000, s9, s13, $0x20;
	[tilespmem:$0x10100] =	vst v63  }
.LBB1_5:
0x1c: {  	s15 =	sadd.s32 $0x200, s10  }
0x1d: {  	s13 =	sadd.s32 $0x400, s11;
	s17 =	smov.u32 s11;
	p2 =	sgt.s32 s15, $0xFFFF  }
0x1e: {  	s17 =	smov.u32 @p2 s13  }
0x1f: {  	s15 =	smov.u32 @p2 s3;
	p2 =	sgt.s32 s17, $0x3FF  }
0x20: {  	s17 =	smov.u32 @p2 s2;
	p2 =	sne.s32 s12, s8  }
.Ltmp1:
0x21: {  	p1 =	slt.u32 s12, $0x2;
	(pc) =	sbr.rel @!p2 .LBB1_6-.Ltmp1, $4  }
0x22: {  	s16 =	simm.s32 @!p1 $0x2  }
0x23: {  	s14 =	smov.u32 s10;
	p0 =	por !p0, !p0;
	_ =	swait.ge @!p1 [sflag:s16], $0x4000  }
0x24: {  	s13 =	smov.u32 s11;
	[sflag:s16] =	ssyncset.done @!p1 $0x0;
	s10 =	smov.u32 s15  }
0x25: {  	s12 =	sadd.s32 $0x1, s12;
	[sflag:s16] =	ssyncadd.s32 @!p1 $0xFFFFC000;
	s11 =	smov.u32 s17  }
.LBB1_1:
0x26: {  	p1 =	sge.u32 s12, s5;
	s31 =	sadd.s32 $0xFFFFFFFF, s12  }
0x27: {  	s15 =	sand.u32 @!p1 $0x78, s10;
	s16 =	sshll.u32 @!p1 s11, $0x10;
	s17 =	sshll.u32 @!p1 s11, $0x7  }
0x28: {  	s18 =	sshll.u32 @!p1 s10, $0x3;
	s16 =	sand.u32 @!p1 $0x3F80000, s16;
	s17 =	sand.u32 @!p1 $0x380, s17  }
0x29: {  	s16 =	sadd.s32 @!p1 s16, s18;
	s18 =	sand.u32 @!p1 $0xFC00, s18;
	s15 =	sor.u32 @!p1 s17, s15  }
0x2a: {  	s17 =	sxor.u32 @!p1 $0xFFFFFFFF, s12;
	s16 =	sand.u32 @!p1 $0x3FF0000, s16;
	s15 =	sor.u32 @!p1 s18, s15  }
0x2b: {  	s17 =	sshll.u32 @!p1 s17, $0xE;
	s15 =	sor.u32 @!p1 s16, s15;
	s16 =	sand.u32 @!p1 $0x7, s10  }
0x2c: {  	s18 =	simm.s32 @!p1 $0x80000;
	s15 =	sshrl.u32 @!p1 s15, $0x3;
	s16 =	sshll.u32 @!p1 s16, $0x12  }
0x2d: {  	s17 =	sand.u32 @!p1 $0x4000, s17;
	s15 =	sadd.s32 @!p1 s6, s15;
	s16 =	sor.u32 @!p1 $0x400, s16  }
0x2e: {  	[tilespmem:s17], [sflag:$0x1] =	stream.strided.gather @!p1 [hbm4b:s15+s16], $0x4000, s18, s16, $0x38;
	[tilespmem:$0x10100] =	vst v63  }
0x2f: {  	p1 =	sge.u32 s31, s5  }
.Ltmp2:
0x30: {  	_ = 	snop;
	(pc) =	sbr.rel @p1 .LBB1_5-.Ltmp2, $1  }
0x31: {  	_ =	sdelay $0x3  }
0x32: {  	s15 =	simm.s32 $0x1  }
0x33: {  	_ =	swait.ge [sflag:s4], $0x4000;
	s15 =	simm.s32 @!p0 $0x0  }
0x34: {  	[sflag:s4] =	ssyncset.done $0x0;
	s16 =	sshll.u32 s15, $0xE  }
0x35: {  	[sflag:s4] =	ssyncadd.s32 $0xFFFFC000;
	s18 =	sor.u32 $0x40, s16  }
0x36: {  	s15 =	smul.u32 $0x10200, s15;
	v0 =	vld [tilespmem:s18+$0x30]  }
0x37: {  	v3 =	vld [tilespmem:s18+$0xFFFFFFD0]  }
0x38: {  	s15 =	sshrl.u32 s15, $0x2;
	v4 =	vld [tilespmem:s18+$0xFFFFFFE0]  }
0x39: {  	v5 =	vld [tilespmem:s18+$0xFFFFFFF0];
	s16 =	sor.u32 $0x8000, s15  }
0x3a: {  	s31 =	sand.u32 $0x1, s12;
	v1 =	vld [tilespmem:s18+$0x0];
	s17 =	sadd.s32 $0x0, s16  }
0x3b: {  	v2 =	vld [tilespmem:s18+$0x10];
	s15 =	smul.u32 $0x10200, s31;
	[tilespmem:s17+$0x3870 ss:$0x81] =	vst.msk $0xffff, v0  }
0x3c: {  	[tilespmem:s17+$0x810 ss:$0x81] =	vst.msk $0xffff, v3;
	v3 =	vld [tilespmem:s18+$0x20]  }
0x3d: {  	s15 =	sshrl.u32 s15, $0x2;
	v0 =	vld [tilespmem:s18+$0xFFFFFFC0];
	[tilespmem:s17+$0x1020 ss:$0x81] =	vst.msk $0xffff, v4;
	s18 =	sadd.s32 $0x80, s18  }
0x3e: {  	s19 =	simm.s32 $0x4;
	s20 =	simm.s32 $0x8;
	s15 =	sor.u32 $0x8000, s15;
	[tilespmem:s17+$0x1830 ss:$0x81] =	vst.msk $0xffff, v5;
	v4 =	vld [tilespmem:s18+$0x30]  }
.LBB1_3:
0x3f: {  	p1 =	sne.s32 s20, $0x1FC;
	v5 =	vld [tilespmem:s18+$0xFFFFFFD0];
	[tilespmem:s17+$0x2040 ss:$0x81] =	vst.msk $0xffff, v1  }
0x40: {  	v6 =	vld [tilespmem:s18+$0xFFFFFFE0];
	[tilespmem:s17+$0x2850 ss:$0x81] =	vst.msk $0xffff, v2  }
0x41: {  	s21 =	sshra.s32 s19, $0x2;
	s19 =	smov.u32 s20;
	v7 =	vld [tilespmem:s18+$0xFFFFFFF0];
	[tilespmem:s17+$0x3060 ss:$0x81] =	vst.msk $0xffff, v3  }
.Ltmp3:
0x42: {  	v1 =	vld [tilespmem:s18+$0x0];
	[tilespmem:s17+$0x0 ss:$0x81] =	vst.msk $0xffff, v0;
	s17 =	sadd.s32 s21, s16;
	(pc) =	sbr.rel @p1 .LBB1_3-.Ltmp3, $4  }
0x43: {  	v2 =	vld [tilespmem:s18+$0x10];
	[tilespmem:s17+$0x3870 ss:$0x81] =	vst.msk $0xffff, v4  }
0x44: {  	[tilespmem:s17+$0x810 ss:$0x81] =	vst.msk $0xffff, v5;
	v3 =	vld [tilespmem:s18+$0x20]  }
0x45: {  	v0 =	vld [tilespmem:s18+$0xFFFFFFC0];
	[tilespmem:s17+$0x1020 ss:$0x81] =	vst.msk $0xffff, v6;
	s18 =	sadd.s32 $0x80, s18  }
0x46: {  	s20 =	sadd.s32 $0x4, s20;
	v4 =	vld [tilespmem:s18+$0x30];
	[tilespmem:s17+$0x1830 ss:$0x81] =	vst.msk $0xffff, v7  }
.Ltmp4:
0x47: {  	_ = 	snop;
	(pc) =	sbr.rel .LBB1_4-.Ltmp4, $1  }
0x48: {  	_ =	sdelay $0x3  }
.LBB1_6:
0x49: {  	_ =	sfence.sel $0x180000  }
0x4a: {  	s2 =	simm.s32 $0x1;
	[bflag:$0x0] =	sbarrier.arrive $0xFFFF  }
0x4b: {  	s31 =	simm.s32 $0x2;
	[sflag:s2] =	ssyncpa.u1 $0x1  }
0x4c: {  	[sflag:s31] =	ssyncpa.u1 $0x1  }
0x4d: {  	p0 =	sne.s32 s0, $0x0;
	_ =	strace $0x9000004D  }
0x4e: {  	s0 =	sadd.s32 @!p0 $0x100000, s1;
	[bflag:$0x2] =	sbarrier.arrive $0xFFFF  }
0x4f: {  	[sflag:s0] =	ssyncadd.tile.s32 @!p0 $0x1;
	_ =	shalt  }
.Lfunc_end1:
_tile_overlayer_lowered:
.L_overlay_start_2:
0x50: {  	(tag) =	ssettag $0x2  }
0x51: {  	s0 =	rddreg [dreg:$0x0];
	s2 =	stileid.u32  }
0x52: {  	s1 =	rddreg [dreg:$0x1];
	p0 =	sne.s32 s2, $0x0  }
0x53: {  	s3 =	rddreg [dreg:$0x2];
	[bflag:$0x3] =	sbarrier.arrive $0xFFFF;
	s2 =	simm.s32 @!p0 $0x1C01  }
0x54: {  	[timem:s3], [sflag:s2] =	dma.local @!p0 [hbm:s0], s1  }
0x55: {  	s0 =	simm.s32 @!p0 $0x1  }
0x56: {  	_ =	swait.ge @!p0 [sflag:s0], s1  }
0x57: {  	s1 =	ssub.s32 @!p0 $0x0, s1;
	[sflag:s0] =	ssyncset.done @!p0 $0x0  }
0x58: {  	[sflag:s0] =	ssyncadd.s32 @!p0 s1  }
0x59: {  	[bflag:$0x3] =	sbarrier.arrive $0xFFFF  }
0x5a: {  	_ =	shalt  }

</sc_bundles>
